<compile_context>
chip_gen: v7x
topology: tpu7x:2x2x1
jax: 0.10.2.dev20260603
libtpu: 0.0.44.dev20260713+nightly
codegen_flags: <defaults>
</compile_context>

<pallas_src>
import functools

import jax
import jax.numpy as jnp
from jax import lax
from jax.experimental import pallas as pl
from jax.experimental.pallas import tpu as pltpu
from jax.experimental.pallas import tpu_sc as plsc

NUM_TABLES = 4
VOCAB = 100000
DIM = 64
PER_KEY = 16384
B = NUM_TABLES * PER_KEY

_info = plsc.get_sparse_core_info()
NC, NS, L = _info.num_cores, _info.num_subcores, _info.num_lanes
NW = NC * NS
PLANES_PER_W = NUM_TABLES * DIM // NW
OUT_CH = 4096
NQ = PER_KEY // OUT_CH
UNROLL = 8

_mesh = plsc.VectorSubcoreMesh(core_axis_name="c", subcore_axis_name="s")


@functools.partial(
    pl.kernel,
    mesh=_mesh,
    out_type=jax.ShapeDtypeStruct((DIM, B), jnp.float32),
    scratch_types=[
        pltpu.VMEM((VOCAB,), jnp.float32),
        pltpu.VMEM((PER_KEY,), jnp.int32),
        pltpu.VMEM((OUT_CH,), jnp.float32),
        pltpu.VMEM((OUT_CH,), jnp.float32),
        pltpu.SemaphoreType.DMA,
        pltpu.SemaphoreType.DMA,
        pltpu.SemaphoreType.DMA,
    ],
    compiler_params=pltpu.CompilerParams(needs_layout_passes=False),
)
def _plane_lookup(
    p_hbm, vals_hbm, out_hbm, plane_v, idx_v, out0, out1, psem, osem0, osem1
):
    wid = lax.axis_index("s") * NC + lax.axis_index("c")
    t = wid // (NW // NUM_TABLES)
    k = wid % (NW // NUM_TABLES)
    obase = t * PER_KEY

    outs = (out0, out1)
    osems = (osem0, osem1)

    def _stream_plane(j):
        row = t * DIM + k * PLANES_PER_W + j
        return pltpu.async_copy(p_hbm.at[row], plane_v, psem)

    nxt = _stream_plane(0)
    pltpu.sync_copy(vals_hbm.at[pl.ds(obase, PER_KEY)], idx_v)

    pending = [None, None]
    for j in range(PLANES_PER_W):
        d = k * PLANES_PER_W + j
        nxt.wait()
        for q in range(NQ):
            slot = q % 2
            if pending[slot] is not None:
                pending[slot].wait()
                pending[slot] = None
            ov = outs[slot]

            @plsc.parallel_loop(0, OUT_CH, step=L, unroll=UNROLL)
            def _gather(off, _q=q, _ov=ov):
                idxv = idx_v[pl.ds(_q * OUT_CH + off, L)]
                _ov[pl.ds(off, L)] = plsc.load_gather(plane_v, [idxv])

            if q == NQ - 1 and j < PLANES_PER_W - 1:
                nxt = _stream_plane(j + 1)
            pending[slot] = pltpu.async_copy(
                ov, out_hbm.at[d, pl.ds(obase + q * OUT_CH, OUT_CH)], osems[slot]
            )
    for p in pending:
        if p is not None:
            p.wait()


def kernel(values, tables):
    planes = jnp.transpose(tables, (0, 2, 1)).reshape(NUM_TABLES * DIM, VOCAB)
    out = _plane_lookup(planes, values)
    return out.T

# --- scband reference (transcript-rebuilt; emitter-appended) ---
"""Pipeline reference for scband-grouped-embedding-71253507440828 (READ-ONLY COPY).

The authoritative reference and input builder live on the scoring server;
editing this copy changes nothing except your own understanding.
"""

import jax, jax.numpy as jnp
import numpy as np

NUM_TABLES = 4
VOCAB = 100000
DIM = 64
PER_KEY = 16384


def setup_inputs(seed: int = 0) -> dict:
    key = jax.random.key(seed)
    k1, k2 = jax.random.split(key)
    # concatenated KJT values: NUM_TABLES keys, each with PER_KEY indices
    values = jax.random.randint(k1, (NUM_TABLES * PER_KEY,), 0, VOCAB, dtype=jnp.int32)
    # grouped embedding tables, init uniform(-sqrt(1/rows), sqrt(1/rows)) like torchrec
    bound = float(np.sqrt(1.0 / VOCAB))
    tables = jax.random.uniform(k2, (NUM_TABLES, VOCAB, DIM), dtype=jnp.float32, minval=-bound, maxval=bound)
    return {"values": values, "tables": tables}


def reference(values, tables):
    # torch.split(features.values(), length_per_key) with equal lengths
    splits = jnp.split(values, NUM_TABLES)
    # per-table nn.Embedding lookup (gather rows)
    unpooled = [jnp.take(tables[i], splits[i], axis=0) for i in range(NUM_TABLES)]
    # torch.cat(unpooled_embeddings, dim=0)
    return jnp.concatenate(unpooled, axis=0)

if __name__ == "__main__":
    import jax
    _d = setup_inputs()
    print(jax.jit(kernel)(*tuple(_d.values())))

</pallas_src>

<mosaic_0001>
#map = affine_map<(d0, d1) -> (0, 0)>
#map1 = affine_map<(d0, d1) -> (0)>
module attributes {stable_mosaic.version = 14 : i64} {
  func.func @_plane_lookup(%arg0: i32, %arg1: i32, %arg2: memref<256x100000xf32, #tpu.memory_space<hbm>>, %arg3: memref<65536xi32, #tpu.memory_space<hbm>>, %arg4: memref<64x65536xf32, #tpu.memory_space<hbm>>, %arg5: memref<100000xf32, #tpu.memory_space<vmem>>, %arg6: memref<16384xi32, #tpu.memory_space<vmem>>, %arg7: memref<4096xf32, #tpu.memory_space<vmem>>, %arg8: memref<4096xf32, #tpu.memory_space<vmem>>, %arg9: memref<!tpu.dma_semaphore, #tpu.memory_space<semaphore_mem>>, %arg10: memref<!tpu.dma_semaphore, #tpu.memory_space<semaphore_mem>>, %arg11: memref<!tpu.dma_semaphore, #tpu.memory_space<semaphore_mem>>) attributes {dimension_semantics = [#tpu.dimension_semantics<core_parallel>, #tpu.dimension_semantics<subcore_parallel>], iteration_bounds = array<i64: 2, 16>, scalar_prefetch = 0 : i64, scratch_operands = 7 : i64, tpu.core_type = #tpu.core_type<sc_vector_subcore>, window_params = [{transform_indices = #map}, {transform_indices = #map1}, {transform_indices = #map}]} {
    %mul3A = arith.constant 2 : i32
    %mul3A_0 = arith.muli %arg1, %mul3A : i32
    %add3A = arith.addi %mul3A_0, %arg0 : i32
    %jit3A = arith.constant 8 : i32
    %div3A = arith.divsi %add3A, %jit3A : i32
    %sign3A = arith.constant 0 : i32
    %sign3A_1 = arith.cmpi sgt, %add3A, %sign3A : i32
    %sign3A_2 = arith.extui %sign3A_1 : i1 to i32
    %sign3A_3 = arith.constant 0 : i32
    %sign3A_4 = arith.cmpi slt, %add3A, %sign3A_3 : i32
    %sign3A_5 = arith.extui %sign3A_4 : i1 to i32
    %sign3A_6 = arith.subi %sign3A_2, %sign3A_5 : i32
    %sign3A_7 = arith.constant 0 : i32
    %sign3A_8 = arith.cmpi sgt, %jit3A, %sign3A_7 : i32
    %sign3A_9 = arith.extui %sign3A_8 : i1 to i32
    %sign3A_10 = arith.constant 0 : i32
    %sign3A_11 = arith.cmpi slt, %jit3A, %sign3A_10 : i32
    %sign3A_12 = arith.extui %sign3A_11 : i1 to i32
    %sign3A_13 = arith.subi %sign3A_9, %sign3A_12 : i32
    %ne3A = arith.cmpi ne, %sign3A_6, %sign3A_13 : i32
    %rem3A = arith.remsi %add3A, %jit3A : i32
    %ne3A_14 = arith.constant 0 : i32
    %ne3A_15 = arith.cmpi ne, %rem3A, %ne3A_14 : i32
    %and3A = arith.andi %ne3A, %ne3A_15 : i1
    %sub3A = arith.constant 1 : i32
    %sub3A_16 = arith.subi %div3A, %sub3A : i32
    %select_n3A = arith.select %and3A, %sub3A_16, %div3A : i32
    %jit3A_17 = arith.constant 8 : i32
    %eq3A = arith.constant 0 : i32
    %eq3A_18 = arith.cmpi eq, %jit3A_17, %eq3A : i32
    %jit3A_19 = arith.constant 1 : i32
    %select_n3A_20 = arith.select %eq3A_18, %jit3A_19, %jit3A_17 : i32
    %rem3A_21 = arith.remsi %add3A, %select_n3A_20 : i32
    %ne3A_22 = arith.constant 0 : i32
    %ne3A_23 = arith.cmpi ne, %rem3A_21, %ne3A_22 : i32
    %lt3A = arith.constant 0 : i32
    %lt3A_24 = arith.cmpi slt, %rem3A_21, %lt3A : i32
    %lt3A_25 = arith.constant 0 : i32
    %lt3A_26 = arith.cmpi slt, %select_n3A_20, %lt3A_25 : i32
    %ne3A_27 = arith.xori %lt3A_24, %lt3A_26 : i1
    %and3A_28 = arith.andi %ne3A_27, %ne3A_23 : i1
    %add3A_29 = arith.addi %rem3A_21, %select_n3A_20 : i32
    %select_n3A_30 = arith.select %and3A_28, %add3A_29, %rem3A_21 : i32
    %mul3A_31 = arith.constant 16384 : i32
    %mul3A_32 = arith.muli %select_n3A, %mul3A_31 : i32
    %mul3A_33 = arith.constant 64 : i32
    %mul3A_34 = arith.muli %select_n3A, %mul3A_33 : i32
    %mul3A_35 = arith.constant 8 : i32
    %mul3A_36 = arith.muli %select_n3A_30, %mul3A_35 : i32
    %add3A_37 = arith.addi %mul3A_34, %mul3A_36 : i32
    %add3A_38 = arith.constant 0 : i32
    %add3A_39 = arith.addi %add3A_37, %add3A_38 : i32
    %dma_start3A = arith.constant 0 : i32
    %dma_start3A_40 = tpu.memref_slice %arg2[%add3A_39, %dma_start3A] : memref<256x100000xf32, #tpu.memory_space<hbm>> -> memref<1x100000xf32, #tpu.memory_space<hbm>>
    %dma_start3A_41 = tpu.memref_squeeze %dma_start3A_40 : memref<1x100000xf32, #tpu.memory_space<hbm>> -> memref<100000xf32, #tpu.memory_space<hbm>>
    %dma_start3A_42 = arith.constant 0 : i32
    %dma_start3A_43 = tpu.memref_slice %arg2[%add3A_39, %dma_start3A_42] : memref<256x100000xf32, #tpu.memory_space<hbm>> -> memref<1x100000xf32, #tpu.memory_space<hbm>>
    %dma_start3A_44 = tpu.memref_squeeze %dma_start3A_43 : memref<1x100000xf32, #tpu.memory_space<hbm>> -> memref<100000xf32, #tpu.memory_space<hbm>>
    tpu.enqueue_dma source(%dma_start3A_44 : memref<100000xf32, #tpu.memory_space<hbm>>) target(%arg5 : memref<100000xf32, #tpu.memory_space<vmem>>) target_semaphore(%arg9 : memref<!tpu.dma_semaphore, #tpu.memory_space<semaphore_mem>>)
    "tpu.region"() ({
      %run_scoped3A = tpu.sem_alloc : memref<!tpu.dma_semaphore, #tpu.memory_space<semaphore_mem>>
      %dma_start3A_630 = tpu.memref_slice %arg3[%mul3A_32] : memref<65536xi32, #tpu.memory_space<hbm>> -> memref<16384xi32, #tpu.memory_space<hbm>>
      %dma_start3A_631 = tpu.memref_slice %arg3[%mul3A_32] : memref<65536xi32, #tpu.memory_space<hbm>> -> memref<16384xi32, #tpu.memory_space<hbm>>
      tpu.enqueue_dma source(%dma_start3A_631 : memref<16384xi32, #tpu.memory_space<hbm>>) target(%arg6 : memref<16384xi32, #tpu.memory_space<vmem>>) target_semaphore(%run_scoped3A : memref<!tpu.dma_semaphore, #tpu.memory_space<semaphore_mem>>)
      %dma_wait3A_632 = tpu.memref_slice %arg3[%mul3A_32] : memref<65536xi32, #tpu.memory_space<hbm>> -> memref<16384xi32, #tpu.memory_space<hbm>>
      %dma_wait3A_633 = tpu.memref_slice %arg3[%mul3A_32] : memref<65536xi32, #tpu.memory_space<hbm>> -> memref<16384xi32, #tpu.memory_space<hbm>>
      tpu.wait_dma2 semaphore(%run_scoped3A : memref<!tpu.dma_semaphore, #tpu.memory_space<semaphore_mem>>) src(%dma_wait3A_633 : memref<16384xi32, #tpu.memory_space<hbm>>) dst(%arg6 : memref<16384xi32, #tpu.memory_space<vmem>>)
      tpu.yield
    }) : () -> ()
    %mul3A_45 = arith.constant 8 : i32
    %mul3A_46 = arith.muli %select_n3A_30, %mul3A_45 : i32
    %add3A_47 = arith.constant 0 : i32
    %add3A_48 = arith.addi %mul3A_46, %add3A_47 : i32
    %dma_wait3A = arith.constant 0 : i32
    %dma_wait3A_49 = tpu.memref_slice %arg2[%add3A_39, %dma_wait3A] : memref<256x100000xf32, #tpu.memory_space<hbm>> -> memref<1x100000xf32, #tpu.memory_space<hbm>>
    %dma_wait3A_50 = tpu.memref_squeeze %dma_wait3A_49 : memref<1x100000xf32, #tpu.memory_space<hbm>> -> memref<100000xf32, #tpu.memory_space<hbm>>
    %dma_wait3A_51 = arith.constant 0 : i32
    %dma_wait3A_52 = tpu.memref_slice %arg2[%add3A_39, %dma_wait3A_51] : memref<256x100000xf32, #tpu.memory_space<hbm>> -> memref<1x100000xf32, #tpu.memory_space<hbm>>
    %dma_wait3A_53 = tpu.memref_squeeze %dma_wait3A_52 : memref<1x100000xf32, #tpu.memory_space<hbm>> -> memref<100000xf32, #tpu.memory_space<hbm>>
    tpu.wait_dma2 semaphore(%arg9 : memref<!tpu.dma_semaphore, #tpu.memory_space<semaphore_mem>>) src(%dma_wait3A_53 : memref<100000xf32, #tpu.memory_space<hbm>>) dst(%arg5 : memref<100000xf32, #tpu.memory_space<vmem>>)
    %parallel_loop3A = arith.constant 0 : i32
    %parallel_loop3A_54 = arith.constant 4096 : i32
    %parallel_loop3A_55 = arith.constant 16 : i32
    scf.for %parallel_loop3A_630 = %parallel_loop3A to %parallel_loop3A_54 step %parallel_loop3A_55  : i32 {
      %parallel_loop3A_631 = arith.constant 0 : i32
      %parallel_loop3A_632 = arith.addi %parallel_loop3A_631, %parallel_loop3A_630 : i32
      %parallel_loop3A_633 = arith.index_cast %parallel_loop3A_632 : i32 to index
      %parallel_loop3A_634 = tpu.vector_load %arg6[%parallel_loop3A_633] {strides = array<i32>} : memref<16384xi32, #tpu.memory_space<vmem>>, vector<16xi32>,
      %parallel_loop3A_635 = tpu.vector_load_idx %arg5[%parallel_loop3A_634] : memref<100000xf32, #tpu.memory_space<vmem>>[vector<16xi32>], vector<16xf32>,
      %parallel_loop3A_636 = arith.index_cast %parallel_loop3A_630 : i32 to index
      %parallel_loop3A_637 = tpu.vector_load %arg7[%parallel_loop3A_636] {strides = array<i32>} : memref<4096xf32, #tpu.memory_space<vmem>>, vector<16xf32>,
      tpu.vector_store %arg7[%parallel_loop3A_636], %parallel_loop3A_635 {strides = array<i32>} : memref<4096xf32, #tpu.memory_space<vmem>>, vector<16xf32>,
    } {sc.loop_unroll_factor = 8 : i64, sc.parallel_access}
    %add3A_56 = arith.constant 0 : i32
    %add3A_57 = arith.addi %mul3A_32, %add3A_56 : i32
    %dma_start3A_58 = tpu.memref_slice %arg4[%add3A_48, %add3A_57] : memref<64x65536xf32, #tpu.memory_space<hbm>> -> memref<1x4096xf32, #tpu.memory_space<hbm>>
    %dma_start3A_59 = tpu.memref_squeeze %dma_start3A_58 : memref<1x4096xf32, #tpu.memory_space<hbm>> -> memref<4096xf32, #tpu.memory_space<hbm>>
    %dma_start3A_60 = tpu.memref_slice %arg4[%add3A_48, %add3A_57] : memref<64x65536xf32, #tpu.memory_space<hbm>> -> memref<1x4096xf32, #tpu.memory_space<hbm>>
    %dma_start3A_61 = tpu.memref_squeeze %dma_start3A_60 : memref<1x4096xf32, #tpu.memory_space<hbm>> -> memref<4096xf32, #tpu.memory_space<hbm>>
    tpu.enqueue_dma source(%arg7 : memref<4096xf32, #tpu.memory_space<vmem>>) target(%dma_start3A_61 : memref<4096xf32, #tpu.memory_space<hbm>>) target_semaphore(%arg10 : memref<!tpu.dma_semaphore, #tpu.memory_space<semaphore_mem>>)
    %parallel_loop3A_62 = arith.constant 0 : i32
    %parallel_loop3A_63 = arith.constant 4096 : i32
    %parallel_loop3A_64 = arith.constant 16 : i32
    scf.for %parallel_loop3A_630 = %parallel_loop3A_62 to %parallel_loop3A_63 step %parallel_loop3A_64  : i32 {
      %parallel_loop3A_631 = arith.constant 4096 : i32
      %parallel_loop3A_632 = arith.addi %parallel_loop3A_631, %parallel_loop3A_630 : i32
      %parallel_loop3A_633 = arith.index_cast %parallel_loop3A_632 : i32 to index
      %parallel_loop3A_634 = tpu.vector_load %arg6[%parallel_loop3A_633] {strides = array<i32>} : memref<16384xi32, #tpu.memory_space<vmem>>, vector<16xi32>,
      %parallel_loop3A_635 = tpu.vector_load_idx %arg5[%parallel_loop3A_634] : memref<100000xf32, #tpu.memory_space<vmem>>[vector<16xi32>], vector<16xf32>,
      %parallel_loop3A_636 = arith.index_cast %parallel_loop3A_630 : i32 to index
      %parallel_loop3A_637 = tpu.vector_load %arg8[%parallel_loop3A_636] {strides = array<i32>} : memref<4096xf32, #tpu.memory_space<vmem>>, vector<16xf32>,
      tpu.vector_store %arg8[%parallel_loop3A_636], %parallel_loop3A_635 {strides = array<i32>} : memref<4096xf32, #tpu.memory_space<vmem>>, vector<16xf32>,
    } {sc.loop_unroll_factor = 8 : i64, sc.parallel_access}
    %add3A_65 = arith.constant 4096 : i32
    %add3A_66 = arith.addi %mul3A_32, %add3A_65 : i32
    %dma_start3A_67 = tpu.memref_slice %arg4[%add3A_48, %add3A_66] : memref<64x65536xf32, #tpu.memory_space<hbm>> -> memref<1x4096xf32, #tpu.memory_space<hbm>>
    %dma_start3A_68 = tpu.memref_squeeze %dma_start3A_67 : memref<1x4096xf32, #tpu.memory_space<hbm>> -> memref<4096xf32, #tpu.memory_space<hbm>>
    %dma_start3A_69 = tpu.memref_slice %arg4[%add3A_48, %add3A_66] : memref<64x65536xf32, #tpu.memory_space<hbm>> -> memref<1x4096xf32, #tpu.memory_space<hbm>>
    %dma_start3A_70 = tpu.memref_squeeze %dma_start3A_69 : memref<1x4096xf32, #tpu.memory_space<hbm>> -> memref<4096xf32, #tpu.memory_space<hbm>>
    tpu.enqueue_dma source(%arg8 : memref<4096xf32, #tpu.memory_space<vmem>>) target(%dma_start3A_70 : memref<4096xf32, #tpu.memory_space<hbm>>) target_semaphore(%arg11 : memref<!tpu.dma_semaphore, #tpu.memory_space<semaphore_mem>>)
    %dma_wait3A_71 = tpu.memref_slice %arg4[%add3A_48, %add3A_57] : memref<64x65536xf32, #tpu.memory_space<hbm>> -> memref<1x4096xf32, #tpu.memory_space<hbm>>
    %dma_wait3A_72 = tpu.memref_squeeze %dma_wait3A_71 : memref<1x4096xf32, #tpu.memory_space<hbm>> -> memref<4096xf32, #tpu.memory_space<hbm>>
    %dma_wait3A_73 = tpu.memref_slice %arg4[%add3A_48, %add3A_57] : memref<64x65536xf32, #tpu.memory_space<hbm>> -> memref<1x4096xf32, #tpu.memory_space<hbm>>
    %dma_wait3A_74 = tpu.memref_squeeze %dma_wait3A_73 : memref<1x4096xf32, #tpu.memory_space<hbm>> -> memref<4096xf32, #tpu.memory_space<hbm>>
    tpu.wait_dma2 semaphore(%arg10 : memref<!tpu.dma_semaphore, #tpu.memory_space<semaphore_mem>>) src(%arg7 : memref<4096xf32, #tpu.memory_space<vmem>>) dst(%dma_wait3A_74 : memref<4096xf32, #tpu.memory_space<hbm>>)
    %parallel_loop3A_75 = arith.constant 0 : i32
    %parallel_loop3A_76 = arith.constant 4096 : i32
    %parallel_loop3A_77 = arith.constant 16 : i32
    scf.for %parallel_loop3A_630 = %parallel_loop3A_75 to %parallel_loop3A_76 step %parallel_loop3A_77  : i32 {
      %parallel_loop3A_631 = arith.constant 8192 : i32
      %parallel_loop3A_632 = arith.addi %parallel_loop3A_631, %parallel_loop3A_630 : i32
      %parallel_loop3A_633 = arith.index_cast %parallel_loop3A_632 : i32 to index
      %parallel_loop3A_634 = tpu.vector_load %arg6[%parallel_loop3A_633] {strides = array<i32>} : memref<16384xi32, #tpu.memory_space<vmem>>, vector<16xi32>,
      %parallel_loop3A_635 = tpu.vector_load_idx %arg5[%parallel_loop3A_634] : memref<100000xf32, #tpu.memory_space<vmem>>[vector<16xi32>], vector<16xf32>,
      %parallel_loop3A_636 = arith.index_cast %parallel_loop3A_630 : i32 to index
      %parallel_loop3A_637 = tpu.vector_load %arg7[%parallel_loop3A_636] {strides = array<i32>} : memref<4096xf32, #tpu.memory_space<vmem>>, vector<16xf32>,
      tpu.vector_store %arg7[%parallel_loop3A_636], %parallel_loop3A_635 {strides = array<i32>} : memref<4096xf32, #tpu.memory_space<vmem>>, vector<16xf32>,
    } {sc.loop_unroll_factor = 8 : i64, sc.parallel_access}
    %add3A_78 = arith.constant 8192 : i32
    %add3A_79 = arith.addi %mul3A_32, %add3A_78 : i32
    %dma_start3A_80 = tpu.memref_slice %arg4[%add3A_48, %add3A_79] : memref<64x65536xf32, #tpu.memory_space<hbm>> -> memref<1x4096xf32, #tpu.memory_space<hbm>>
    %dma_start3A_81 = tpu.memref_squeeze %dma_start3A_80 : memref<1x4096xf32, #tpu.memory_space<hbm>> -> memref<4096xf32, #tpu.memory_space<hbm>>
    %dma_start3A_82 = tpu.memref_slice %arg4[%add3A_48, %add3A_79] : memref<64x65536xf32, #tpu.memory_space<hbm>> -> memref<1x4096xf32, #tpu.memory_space<hbm>>
    %dma_start3A_83 = tpu.memref_squeeze %dma_start3A_82 : memref<1x4096xf32, #tpu.memory_space<hbm>> -> memref<4096xf32, #tpu.memory_space<hbm>>
    tpu.enqueue_dma source(%arg7 : memref<4096xf32, #tpu.memory_space<vmem>>) target(%dma_start3A_83 : memref<4096xf32, #tpu.memory_space<hbm>>) target_semaphore(%arg10 : memref<!tpu.dma_semaphore, #tpu.memory_space<semaphore_mem>>)
    %dma_wait3A_84 = tpu.memref_slice %arg4[%add3A_48, %add3A_66] : memref<64x65536xf32, #tpu.memory_space<hbm>> -> memref<1x4096xf32, #tpu.memory_space<hbm>>
    %dma_wait3A_85 = tpu.memref_squeeze %dma_wait3A_84 : memref<1x4096xf32, #tpu.memory_space<hbm>> -> memref<4096xf32, #tpu.memory_space<hbm>>
    %dma_wait3A_86 = tpu.memref_slice %arg4[%add3A_48, %add3A_66] : memref<64x65536xf32, #tpu.memory_space<hbm>> -> memref<1x4096xf32, #tpu.memory_space<hbm>>
    %dma_wait3A_87 = tpu.memref_squeeze %dma_wait3A_86 : memref<1x4096xf32, #tpu.memory_space<hbm>> -> memref<4096xf32, #tpu.memory_space<hbm>>
    tpu.wait_dma2 semaphore(%arg11 : memref<!tpu.dma_semaphore, #tpu.memory_space<semaphore_mem>>) src(%arg8 : memref<4096xf32, #tpu.memory_space<vmem>>) dst(%dma_wait3A_87 : memref<4096xf32, #tpu.memory_space<hbm>>)
    %parallel_loop3A_88 = arith.constant 0 : i32
    %parallel_loop3A_89 = arith.constant 4096 : i32
    %parallel_loop3A_90 = arith.constant 16 : i32
    scf.for %parallel_loop3A_630 = %parallel_loop3A_88 to %parallel_loop3A_89 step %parallel_loop3A_90  : i32 {
      %parallel_loop3A_631 = arith.constant 12288 : i32
      %parallel_loop3A_632 = arith.addi %parallel_loop3A_631, %parallel_loop3A_630 : i32
      %parallel_loop3A_633 = arith.index_cast %parallel_loop3A_632 : i32 to index
      %parallel_loop3A_634 = tpu.vector_load %arg6[%parallel_loop3A_633] {strides = array<i32>} : memref<16384xi32, #tpu.memory_space<vmem>>, vector<16xi32>,
      %parallel_loop3A_635 = tpu.vector_load_idx %arg5[%parallel_loop3A_634] : memref<100000xf32, #tpu.memory_space<vmem>>[vector<16xi32>], vector<16xf32>,
      %parallel_loop3A_636 = arith.index_cast %parallel_loop3A_630 : i32 to index
      %parallel_loop3A_637 = tpu.vector_load %arg8[%parallel_loop3A_636] {strides = array<i32>} : memref<4096xf32, #tpu.memory_space<vmem>>, vector<16xf32>,
      tpu.vector_store %arg8[%parallel_loop3A_636], %parallel_loop3A_635 {strides = array<i32>} : memref<4096xf32, #tpu.memory_space<vmem>>, vector<16xf32>,
    } {sc.loop_unroll_factor = 8 : i64, sc.parallel_access}
    %mul3A_91 = arith.constant 64 : i32
    %mul3A_92 = arith.muli %select_n3A, %mul3A_91 : i32
    %mul3A_93 = arith.constant 8 : i32
    %mul3A_94 = arith.muli %select_n3A_30, %mul3A_93 : i32
    %add3A_95 = arith.addi %mul3A_92, %mul3A_94 : i32
    %add3A_96 = arith.constant 1 : i32
    %add3A_97 = arith.addi %add3A_95, %add3A_96 : i32
    %dma_start3A_98 = arith.constant 0 : i32
    %dma_start3A_99 = tpu.memref_slice %arg2[%add3A_97, %dma_start3A_98] : memref<256x100000xf32, #tpu.memory_space<hbm>> -> memref<1x100000xf32, #tpu.memory_space<hbm>>
    %dma_start3A_100 = tpu.memref_squeeze %dma_start3A_99 : memref<1x100000xf32, #tpu.memory_space<hbm>> -> memref<100000xf32, #tpu.memory_space<hbm>>
    %dma_start3A_101 = arith.constant 0 : i32
    %dma_start3A_102 = tpu.memref_slice %arg2[%add3A_97, %dma_start3A_101] : memref<256x100000xf32, #tpu.memory_space<hbm>> -> memref<1x100000xf32, #tpu.memory_space<hbm>>
    %dma_start3A_103 = tpu.memref_squeeze %dma_start3A_102 : memref<1x100000xf32, #tpu.memory_space<hbm>> -> memref<100000xf32, #tpu.memory_space<hbm>>
    tpu.enqueue_dma source(%dma_start3A_103 : memref<100000xf32, #tpu.memory_space<hbm>>) target(%arg5 : memref<100000xf32, #tpu.memory_space<vmem>>) target_semaphore(%arg9 : memref<!tpu.dma_semaphore, #tpu.memory_space<semaphore_mem>>)
    %add3A_104 = arith.constant 12288 : i32
    %add3A_105 = arith.addi %mul3A_32, %add3A_104 : i32
    %dma_start3A_106 = tpu.memref_slice %arg4[%add3A_48, %add3A_105] : memref<64x65536xf32, #tpu.memory_space<hbm>> -> memref<1x4096xf32, #tpu.memory_space<hbm>>
    %dma_start3A_107 = tpu.memref_squeeze %dma_start3A_106 : memref<1x4096xf32, #tpu.memory_space<hbm>> -> memref<4096xf32, #tpu.memory_space<hbm>>
    %dma_start3A_108 = tpu.memref_slice %arg4[%add3A_48, %add3A_105] : memref<64x65536xf32, #tpu.memory_space<hbm>> -> memref<1x4096xf32, #tpu.memory_space<hbm>>
    %dma_start3A_109 = tpu.memref_squeeze %dma_start3A_108 : memref<1x4096xf32, #tpu.memory_space<hbm>> -> memref<4096xf32, #tpu.memory_space<hbm>>
    tpu.enqueue_dma source(%arg8 : memref<4096xf32, #tpu.memory_space<vmem>>) target(%dma_start3A_109 : memref<4096xf32, #tpu.memory_space<hbm>>) target_semaphore(%arg11 : memref<!tpu.dma_semaphore, #tpu.memory_space<semaphore_mem>>)
    %mul3A_110 = arith.constant 8 : i32
    %mul3A_111 = arith.muli %select_n3A_30, %mul3A_110 : i32
    %add3A_112 = arith.constant 1 : i32
    %add3A_113 = arith.addi %mul3A_111, %add3A_112 : i32
    %dma_wait3A_114 = arith.constant 0 : i32
    %dma_wait3A_115 = tpu.memref_slice %arg2[%add3A_97, %dma_wait3A_114] : memref<256x100000xf32, #tpu.memory_space<hbm>> -> memref<1x100000xf32, #tpu.memory_space<hbm>>
    %dma_wait3A_116 = tpu.memref_squeeze %dma_wait3A_115 : memref<1x100000xf32, #tpu.memory_space<hbm>> -> memref<100000xf32, #tpu.memory_space<hbm>>
    %dma_wait3A_117 = arith.constant 0 : i32
    %dma_wait3A_118 = tpu.memref_slice %arg2[%add3A_97, %dma_wait3A_117] : memref<256x100000xf32, #tpu.memory_space<hbm>> -> memref<1x100000xf32, #tpu.memory_space<hbm>>
    %dma_wait3A_119 = tpu.memref_squeeze %dma_wait3A_118 : memref<1x100000xf32, #tpu.memory_space<hbm>> -> memref<100000xf32, #tpu.memory_space<hbm>>
    tpu.wait_dma2 semaphore(%arg9 : memref<!tpu.dma_semaphore, #tpu.memory_space<semaphore_mem>>) src(%dma_wait3A_119 : memref<100000xf32, #tpu.memory_space<hbm>>) dst(%arg5 : memref<100000xf32, #tpu.memory_space<vmem>>)
    %dma_wait3A_120 = tpu.memref_slice %arg4[%add3A_48, %add3A_79] : memref<64x65536xf32, #tpu.memory_space<hbm>> -> memref<1x4096xf32, #tpu.memory_space<hbm>>
    %dma_wait3A_121 = tpu.memref_squeeze %dma_wait3A_120 : memref<1x4096xf32, #tpu.memory_space<hbm>> -> memref<4096xf32, #tpu.memory_space<hbm>>
    %dma_wait3A_122 = tpu.memref_slice %arg4[%add3A_48, %add3A_79] : memref<64x65536xf32, #tpu.memory_space<hbm>> -> memref<1x4096xf32, #tpu.memory_space<hbm>>
    %dma_wait3A_123 = tpu.memref_squeeze %dma_wait3A_122 : memref<1x4096xf32, #tpu.memory_space<hbm>> -> memref<4096xf32, #tpu.memory_space<hbm>>
    tpu.wait_dma2 semaphore(%arg10 : memref<!tpu.dma_semaphore, #tpu.memory_space<semaphore_mem>>) src(%arg7 : memref<4096xf32, #tpu.memory_space<vmem>>) dst(%dma_wait3A_123 : memref<4096xf32, #tpu.memory_space<hbm>>)
    %parallel_loop3A_124 = arith.constant 0 : i32
    %parallel_loop3A_125 = arith.constant 4096 : i32
    %parallel_loop3A_126 = arith.constant 16 : i32
    scf.for %parallel_loop3A_630 = %parallel_loop3A_124 to %parallel_loop3A_125 step %parallel_loop3A_126  : i32 {
      %parallel_loop3A_631 = arith.constant 0 : i32
      %parallel_loop3A_632 = arith.addi %parallel_loop3A_631, %parallel_loop3A_630 : i32
      %parallel_loop3A_633 = arith.index_cast %parallel_loop3A_632 : i32 to index
      %parallel_loop3A_634 = tpu.vector_load %arg6[%parallel_loop3A_633] {strides = array<i32>} : memref<16384xi32, #tpu.memory_space<vmem>>, vector<16xi32>,
      %parallel_loop3A_635 = tpu.vector_load_idx %arg5[%parallel_loop3A_634] : memref<100000xf32, #tpu.memory_space<vmem>>[vector<16xi32>], vector<16xf32>,
      %parallel_loop3A_636 = arith.index_cast %parallel_loop3A_630 : i32 to index
      %parallel_loop3A_637 = tpu.vector_load %arg7[%parallel_loop3A_636] {strides = array<i32>} : memref<4096xf32, #tpu.memory_space<vmem>>, vector<16xf32>,
      tpu.vector_store %arg7[%parallel_loop3A_636], %parallel_loop3A_635 {strides = array<i32>} : memref<4096xf32, #tpu.memory_space<vmem>>, vector<16xf32>,
    } {sc.loop_unroll_factor = 8 : i64, sc.parallel_access}
    %add3A_127 = arith.constant 0 : i32
    %add3A_128 = arith.addi %mul3A_32, %add3A_127 : i32
    %dma_start3A_129 = tpu.memref_slice %arg4[%add3A_113, %add3A_128] : memref<64x65536xf32, #tpu.memory_space<hbm>> -> memref<1x4096xf32, #tpu.memory_space<hbm>>
    %dma_start3A_130 = tpu.memref_squeeze %dma_start3A_129 : memref<1x4096xf32, #tpu.memory_space<hbm>> -> memref<4096xf32, #tpu.memory_space<hbm>>
    %dma_start3A_131 = tpu.memref_slice %arg4[%add3A_113, %add3A_128] : memref<64x65536xf32, #tpu.memory_space<hbm>> -> memref<1x4096xf32, #tpu.memory_space<hbm>>
    %dma_start3A_132 = tpu.memref_squeeze %dma_start3A_131 : memref<1x4096xf32, #tpu.memory_space<hbm>> -> memref<4096xf32, #tpu.memory_space<hbm>>
    tpu.enqueue_dma source(%arg7 : memref<4096xf32, #tpu.memory_space<vmem>>) target(%dma_start3A_132 : memref<4096xf32, #tpu.memory_space<hbm>>) target_semaphore(%arg10 : memref<!tpu.dma_semaphore, #tpu.memory_space<semaphore_mem>>)
    %dma_wait3A_133 = tpu.memref_slice %arg4[%add3A_48, %add3A_105] : memref<64x65536xf32, #tpu.memory_space<hbm>> -> memref<1x4096xf32, #tpu.memory_space<hbm>>
    %dma_wait3A_134 = tpu.memref_squeeze %dma_wait3A_133 : memref<1x4096xf32, #tpu.memory_space<hbm>> -> memref<4096xf32, #tpu.memory_space<hbm>>
    %dma_wait3A_135 = tpu.memref_slice %arg4[%add3A_48, %add3A_105] : memref<64x65536xf32, #tpu.memory_space<hbm>> -> memref<1x4096xf32, #tpu.memory_space<hbm>>
    %dma_wait3A_136 = tpu.memref_squeeze %dma_wait3A_135 : memref<1x4096xf32, #tpu.memory_space<hbm>> -> memref<4096xf32, #tpu.memory_space<hbm>>
    tpu.wait_dma2 semaphore(%arg11 : memref<!tpu.dma_semaphore, #tpu.memory_space<semaphore_mem>>) src(%arg8 : memref<4096xf32, #tpu.memory_space<vmem>>) dst(%dma_wait3A_136 : memref<4096xf32, #tpu.memory_space<hbm>>)
    %parallel_loop3A_137 = arith.constant 0 : i32
    %parallel_loop3A_138 = arith.constant 4096 : i32
    %parallel_loop3A_139 = arith.constant 16 : i32
    scf.for %parallel_loop3A_630 = %parallel_loop3A_137 to %parallel_loop3A_138 step %parallel_loop3A_139  : i32 {
      %parallel_loop3A_631 = arith.constant 4096 : i32
      %parallel_loop3A_632 = arith.addi %parallel_loop3A_631, %parallel_loop3A_630 : i32
      %parallel_loop3A_633 = arith.index_cast %parallel_loop3A_632 : i32 to index
      %parallel_loop3A_634 = tpu.vector_load %arg6[%parallel_loop3A_633] {strides = array<i32>} : memref<16384xi32, #tpu.memory_space<vmem>>, vector<16xi32>,
      %parallel_loop3A_635 = tpu.vector_load_idx %arg5[%parallel_loop3A_634] : memref<100000xf32, #tpu.memory_space<vmem>>[vector<16xi32>], vector<16xf32>,
      %parallel_loop3A_636 = arith.index_cast %parallel_loop3A_630 : i32 to index
      %parallel_loop3A_637 = tpu.vector_load %arg8[%parallel_loop3A_636] {strides = array<i32>} : memref<4096xf32, #tpu.memory_space<vmem>>, vector<16xf32>,
      tpu.vector_store %arg8[%parallel_loop3A_636], %parallel_loop3A_635 {strides = array<i32>} : memref<4096xf32, #tpu.memory_space<vmem>>, vector<16xf32>,
    } {sc.loop_unroll_factor = 8 : i64, sc.parallel_access}
    %add3A_140 = arith.constant 4096 : i32
    %add3A_141 = arith.addi %mul3A_32, %add3A_140 : i32
    %dma_start3A_142 = tpu.memref_slice %arg4[%add3A_113, %add3A_141] : memref<64x65536xf32, #tpu.memory_space<hbm>> -> memref<1x4096xf32, #tpu.memory_space<hbm>>
    %dma_start3A_143 = tpu.memref_squeeze %dma_start3A_142 : memref<1x4096xf32, #tpu.memory_space<hbm>> -> memref<4096xf32, #tpu.memory_space<hbm>>
    %dma_start3A_144 = tpu.memref_slice %arg4[%add3A_113, %add3A_141] : memref<64x65536xf32, #tpu.memory_space<hbm>> -> memref<1x4096xf32, #tpu.memory_space<hbm>>
    %dma_start3A_145 = tpu.memref_squeeze %dma_start3A_144 : memref<1x4096xf32, #tpu.memory_space<hbm>> -> memref<4096xf32, #tpu.memory_space<hbm>>
    tpu.enqueue_dma source(%arg8 : memref<4096xf32, #tpu.memory_space<vmem>>) target(%dma_start3A_145 : memref<4096xf32, #tpu.memory_space<hbm>>) target_semaphore(%arg11 : memref<!tpu.dma_semaphore, #tpu.memory_space<semaphore_mem>>)
    %dma_wait3A_146 = tpu.memref_slice %arg4[%add3A_113, %add3A_128] : memref<64x65536xf32, #tpu.memory_space<hbm>> -> memref<1x4096xf32, #tpu.memory_space<hbm>>
    %dma_wait3A_147 = tpu.memref_squeeze %dma_wait3A_146 : memref<1x4096xf32, #tpu.memory_space<hbm>> -> memref<4096xf32, #tpu.memory_space<hbm>>
    %dma_wait3A_148 = tpu.memref_slice %arg4[%add3A_113, %add3A_128] : memref<64x65536xf32, #tpu.memory_space<hbm>> -> memref<1x4096xf32, #tpu.memory_space<hbm>>
    %dma_wait3A_149 = tpu.memref_squeeze %dma_wait3A_148 : memref<1x4096xf32, #tpu.memory_space<hbm>> -> memref<4096xf32, #tpu.memory_space<hbm>>
    tpu.wait_dma2 semaphore(%arg10 : memref<!tpu.dma_semaphore, #tpu.memory_space<semaphore_mem>>) src(%arg7 : memref<4096xf32, #tpu.memory_space<vmem>>) dst(%dma_wait3A_149 : memref<4096xf32, #tpu.memory_space<hbm>>)
    %parallel_loop3A_150 = arith.constant 0 : i32
    %parallel_loop3A_151 = arith.constant 4096 : i32
    %parallel_loop3A_152 = arith.constant 16 : i32
    scf.for %parallel_loop3A_630 = %parallel_loop3A_150 to %parallel_loop3A_151 step %parallel_loop3A_152  : i32 {
      %parallel_loop3A_631 = arith.constant 8192 : i32
      %parallel_loop3A_632 = arith.addi %parallel_loop3A_631, %parallel_loop3A_630 : i32
      %parallel_loop3A_633 = arith.index_cast %parallel_loop3A_632 : i32 to index
      %parallel_loop3A_634 = tpu.vector_load %arg6[%parallel_loop3A_633] {strides = array<i32>} : memref<16384xi32, #tpu.memory_space<vmem>>, vector<16xi32>,
      %parallel_loop3A_635 = tpu.vector_load_idx %arg5[%parallel_loop3A_634] : memref<100000xf32, #tpu.memory_space<vmem>>[vector<16xi32>], vector<16xf32>,
      %parallel_loop3A_636 = arith.index_cast %parallel_loop3A_630 : i32 to index
      %parallel_loop3A_637 = tpu.vector_load %arg7[%parallel_loop3A_636] {strides = array<i32>} : memref<4096xf32, #tpu.memory_space<vmem>>, vector<16xf32>,
      tpu.vector_store %arg7[%parallel_loop3A_636], %parallel_loop3A_635 {strides = array<i32>} : memref<4096xf32, #tpu.memory_space<vmem>>, vector<16xf32>,
    } {sc.loop_unroll_factor = 8 : i64, sc.parallel_access}
    %add3A_153 = arith.constant 8192 : i32
    %add3A_154 = arith.addi %mul3A_32, %add3A_153 : i32
    %dma_start3A_155 = tpu.memref_slice %arg4[%add3A_113, %add3A_154] : memref<64x65536xf32, #tpu.memory_space<hbm>> -> memref<1x4096xf32, #tpu.memory_space<hbm>>
    %dma_start3A_156 = tpu.memref_squeeze %dma_start3A_155 : memref<1x4096xf32, #tpu.memory_space<hbm>> -> memref<4096xf32, #tpu.memory_space<hbm>>
    %dma_start3A_157 = tpu.memref_slice %arg4[%add3A_113, %add3A_154] : memref<64x65536xf32, #tpu.memory_space<hbm>> -> memref<1x4096xf32, #tpu.memory_space<hbm>>
    %dma_start3A_158 = tpu.memref_squeeze %dma_start3A_157 : memref<1x4096xf32, #tpu.memory_space<hbm>> -> memref<4096xf32, #tpu.memory_space<hbm>>
    tpu.enqueue_dma source(%arg7 : memref<4096xf32, #tpu.memory_space<vmem>>) target(%dma_start3A_158 : memref<4096xf32, #tpu.memory_space<hbm>>) target_semaphore(%arg10 : memref<!tpu.dma_semaphore, #tpu.memory_space<semaphore_mem>>)
    %dma_wait3A_159 = tpu.memref_slice %arg4[%add3A_113, %add3A_141] : memref<64x65536xf32, #tpu.memory_space<hbm>> -> memref<1x4096xf32, #tpu.memory_space<hbm>>
    %dma_wait3A_160 = tpu.memref_squeeze %dma_wait3A_159 : memref<1x4096xf32, #tpu.memory_space<hbm>> -> memref<4096xf32, #tpu.memory_space<hbm>>
    %dma_wait3A_161 = tpu.memref_slice %arg4[%add3A_113, %add3A_141] : memref<64x65536xf32, #tpu.memory_space<hbm>> -> memref<1x4096xf32, #tpu.memory_space<hbm>>
    %dma_wait3A_162 = tpu.memref_squeeze %dma_wait3A_161 : memref<1x4096xf32, #tpu.memory_space<hbm>> -> memref<4096xf32, #tpu.memory_space<hbm>>
    tpu.wait_dma2 semaphore(%arg11 : memref<!tpu.dma_semaphore, #tpu.memory_space<semaphore_mem>>) src(%arg8 : memref<4096xf32, #tpu.memory_space<vmem>>) dst(%dma_wait3A_162 : memref<4096xf32, #tpu.memory_space<hbm>>)
    %parallel_loop3A_163 = arith.constant 0 : i32
    %parallel_loop3A_164 = arith.constant 4096 : i32
    %parallel_loop3A_165 = arith.constant 16 : i32
    scf.for %parallel_loop3A_630 = %parallel_loop3A_163 to %parallel_loop3A_164 step %parallel_loop3A_165  : i32 {
      %parallel_loop3A_631 = arith.constant 12288 : i32
      %parallel_loop3A_632 = arith.addi %parallel_loop3A_631, %parallel_loop3A_630 : i32
      %parallel_loop3A_633 = arith.index_cast %parallel_loop3A_632 : i32 to index
      %parallel_loop3A_634 = tpu.vector_load %arg6[%parallel_loop3A_633] {strides = array<i32>} : memref<16384xi32, #tpu.memory_space<vmem>>, vector<16xi32>,
      %parallel_loop3A_635 = tpu.vector_load_idx %arg5[%parallel_loop3A_634] : memref<100000xf32, #tpu.memory_space<vmem>>[vector<16xi32>], vector<16xf32>,
      %parallel_loop3A_636 = arith.index_cast %parallel_loop3A_630 : i32 to index
      %parallel_loop3A_637 = tpu.vector_load %arg8[%parallel_loop3A_636] {strides = array<i32>} : memref<4096xf32, #tpu.memory_space<vmem>>, vector<16xf32>,
      tpu.vector_store %arg8[%parallel_loop3A_636], %parallel_loop3A_635 {strides = array<i32>} : memref<4096xf32, #tpu.memory_space<vmem>>, vector<16xf32>,
    } {sc.loop_unroll_factor = 8 : i64, sc.parallel_access}
    %mul3A_166 = arith.constant 64 : i32
    %mul3A_167 = arith.muli %select_n3A, %mul3A_166 : i32
    %mul3A_168 = arith.constant 8 : i32
    %mul3A_169 = arith.muli %select_n3A_30, %mul3A_168 : i32
    %add3A_170 = arith.addi %mul3A_167, %mul3A_169 : i32
    %add3A_171 = arith.constant 2 : i32
    %add3A_172 = arith.addi %add3A_170, %add3A_171 : i32
    %dma_start3A_173 = arith.constant 0 : i32
    %dma_start3A_174 = tpu.memref_slice %arg2[%add3A_172, %dma_start3A_173] : memref<256x100000xf32, #tpu.memory_space<hbm>> -> memref<1x100000xf32, #tpu.memory_space<hbm>>
    %dma_start3A_175 = tpu.memref_squeeze %dma_start3A_174 : memref<1x100000xf32, #tpu.memory_space<hbm>> -> memref<100000xf32, #tpu.memory_space<hbm>>
    %dma_start3A_176 = arith.constant 0 : i32
    %dma_start3A_177 = tpu.memref_slice %arg2[%add3A_172, %dma_start3A_176] : memref<256x100000xf32, #tpu.memory_space<hbm>> -> memref<1x100000xf32, #tpu.memory_space<hbm>>
    %dma_start3A_178 = tpu.memref_squeeze %dma_start3A_177 : memref<1x100000xf32, #tpu.memory_space<hbm>> -> memref<100000xf32, #tpu.memory_space<hbm>>
    tpu.enqueue_dma source(%dma_start3A_178 : memref<100000xf32, #tpu.memory_space<hbm>>) target(%arg5 : memref<100000xf32, #tpu.memory_space<vmem>>) target_semaphore(%arg9 : memref<!tpu.dma_semaphore, #tpu.memory_space<semaphore_mem>>)
    %add3A_179 = arith.constant 12288 : i32
    %add3A_180 = arith.addi %mul3A_32, %add3A_179 : i32
    %dma_start3A_181 = tpu.memref_slice %arg4[%add3A_113, %add3A_180] : memref<64x65536xf32, #tpu.memory_space<hbm>> -> memref<1x4096xf32, #tpu.memory_space<hbm>>
    %dma_start3A_182 = tpu.memref_squeeze %dma_start3A_181 : memref<1x4096xf32, #tpu.memory_space<hbm>> -> memref<4096xf32, #tpu.memory_space<hbm>>
    %dma_start3A_183 = tpu.memref_slice %arg4[%add3A_113, %add3A_180] : memref<64x65536xf32, #tpu.memory_space<hbm>> -> memref<1x4096xf32, #tpu.memory_space<hbm>>
    %dma_start3A_184 = tpu.memref_squeeze %dma_start3A_183 : memref<1x4096xf32, #tpu.memory_space<hbm>> -> memref<4096xf32, #tpu.memory_space<hbm>>
    tpu.enqueue_dma source(%arg8 : memref<4096xf32, #tpu.memory_space<vmem>>) target(%dma_start3A_184 : memref<4096xf32, #tpu.memory_space<hbm>>) target_semaphore(%arg11 : memref<!tpu.dma_semaphore, #tpu.memory_space<semaphore_mem>>)
    %mul3A_185 = arith.constant 8 : i32
    %mul3A_186 = arith.muli %select_n3A_30, %mul3A_185 : i32
    %add3A_187 = arith.constant 2 : i32
    %add3A_188 = arith.addi %mul3A_186, %add3A_187 : i32
    %dma_wait3A_189 = arith.constant 0 : i32
    %dma_wait3A_190 = tpu.memref_slice %arg2[%add3A_172, %dma_wait3A_189] : memref<256x100000xf32, #tpu.memory_space<hbm>> -> memref<1x100000xf32, #tpu.memory_space<hbm>>
    %dma_wait3A_191 = tpu.memref_squeeze %dma_wait3A_190 : memref<1x100000xf32, #tpu.memory_space<hbm>> -> memref<100000xf32, #tpu.memory_space<hbm>>
    %dma_wait3A_192 = arith.constant 0 : i32
    %dma_wait3A_193 = tpu.memref_slice %arg2[%add3A_172, %dma_wait3A_192] : memref<256x100000xf32, #tpu.memory_space<hbm>> -> memref<1x100000xf32, #tpu.memory_space<hbm>>
    %dma_wait3A_194 = tpu.memref_squeeze %dma_wait3A_193 : memref<1x100000xf32, #tpu.memory_space<hbm>> -> memref<100000xf32, #tpu.memory_space<hbm>>
    tpu.wait_dma2 semaphore(%arg9 : memref<!tpu.dma_semaphore, #tpu.memory_space<semaphore_mem>>) src(%dma_wait3A_194 : memref<100000xf32, #tpu.memory_space<hbm>>) dst(%arg5 : memref<100000xf32, #tpu.memory_space<vmem>>)
    %dma_wait3A_195 = tpu.memref_slice %arg4[%add3A_113, %add3A_154] : memref<64x65536xf32, #tpu.memory_space<hbm>> -> memref<1x4096xf32, #tpu.memory_space<hbm>>
    %dma_wait3A_196 = tpu.memref_squeeze %dma_wait3A_195 : memref<1x4096xf32, #tpu.memory_space<hbm>> -> memref<4096xf32, #tpu.memory_space<hbm>>
    %dma_wait3A_197 = tpu.memref_slice %arg4[%add3A_113, %add3A_154] : memref<64x65536xf32, #tpu.memory_space<hbm>> -> memref<1x4096xf32, #tpu.memory_space<hbm>>
    %dma_wait3A_198 = tpu.memref_squeeze %dma_wait3A_197 : memref<1x4096xf32, #tpu.memory_space<hbm>> -> memref<4096xf32, #tpu.memory_space<hbm>>
    tpu.wait_dma2 semaphore(%arg10 : memref<!tpu.dma_semaphore, #tpu.memory_space<semaphore_mem>>) src(%arg7 : memref<4096xf32, #tpu.memory_space<vmem>>) dst(%dma_wait3A_198 : memref<4096xf32, #tpu.memory_space<hbm>>)
    %parallel_loop3A_199 = arith.constant 0 : i32
    %parallel_loop3A_200 = arith.constant 4096 : i32
    %parallel_loop3A_201 = arith.constant 16 : i32
    scf.for %parallel_loop3A_630 = %parallel_loop3A_199 to %parallel_loop3A_200 step %parallel_loop3A_201  : i32 {
      %parallel_loop3A_631 = arith.constant 0 : i32
      %parallel_loop3A_632 = arith.addi %parallel_loop3A_631, %parallel_loop3A_630 : i32
      %parallel_loop3A_633 = arith.index_cast %parallel_loop3A_632 : i32 to index
      %parallel_loop3A_634 = tpu.vector_load %arg6[%parallel_loop3A_633] {strides = array<i32>} : memref<16384xi32, #tpu.memory_space<vmem>>, vector<16xi32>,
      %parallel_loop3A_635 = tpu.vector_load_idx %arg5[%parallel_loop3A_634] : memref<100000xf32, #tpu.memory_space<vmem>>[vector<16xi32>], vector<16xf32>,
      %parallel_loop3A_636 = arith.index_cast %parallel_loop3A_630 : i32 to index
      %parallel_loop3A_637 = tpu.vector_load %arg7[%parallel_loop3A_636] {strides = array<i32>} : memref<4096xf32, #tpu.memory_space<vmem>>, vector<16xf32>,
      tpu.vector_store %arg7[%parallel_loop3A_636], %parallel_loop3A_635 {strides = array<i32>} : memref<4096xf32, #tpu.memory_space<vmem>>, vector<16xf32>,
    } {sc.loop_unroll_factor = 8 : i64, sc.parallel_access}
    %add3A_202 = arith.constant 0 : i32
    %add3A_203 = arith.addi %mul3A_32, %add3A_202 : i32
    %dma_start3A_204 = tpu.memref_slice %arg4[%add3A_188, %add3A_203] : memref<64x65536xf32, #tpu.memory_space<hbm>> -> memref<1x4096xf32, #tpu.memory_space<hbm>>
    %dma_start3A_205 = tpu.memref_squeeze %dma_start3A_204 : memref<1x4096xf32, #tpu.memory_space<hbm>> -> memref<4096xf32, #tpu.memory_space<hbm>>
    %dma_start3A_206 = tpu.memref_slice %arg4[%add3A_188, %add3A_203] : memref<64x65536xf32, #tpu.memory_space<hbm>> -> memref<1x4096xf32, #tpu.memory_space<hbm>>
    %dma_start3A_207 = tpu.memref_squeeze %dma_start3A_206 : memref<1x4096xf32, #tpu.memory_space<hbm>> -> memref<4096xf32, #tpu.memory_space<hbm>>
    tpu.enqueue_dma source(%arg7 : memref<4096xf32, #tpu.memory_space<vmem>>) target(%dma_start3A_207 : memref<4096xf32, #tpu.memory_space<hbm>>) target_semaphore(%arg10 : memref<!tpu.dma_semaphore, #tpu.memory_space<semaphore_mem>>)
    %dma_wait3A_208 = tpu.memref_slice %arg4[%add3A_113, %add3A_180] : memref<64x65536xf32, #tpu.memory_space<hbm>> -> memref<1x4096xf32, #tpu.memory_space<hbm>>
    %dma_wait3A_209 = tpu.memref_squeeze %dma_wait3A_208 : memref<1x4096xf32, #tpu.memory_space<hbm>> -> memref<4096xf32, #tpu.memory_space<hbm>>
    %dma_wait3A_210 = tpu.memref_slice %arg4[%add3A_113, %add3A_180] : memref<64x65536xf32, #tpu.memory_space<hbm>> -> memref<1x4096xf32, #tpu.memory_space<hbm>>
    %dma_wait3A_211 = tpu.memref_squeeze %dma_wait3A_210 : memref<1x4096xf32, #tpu.memory_space<hbm>> -> memref<4096xf32, #tpu.memory_space<hbm>>
    tpu.wait_dma2 semaphore(%arg11 : memref<!tpu.dma_semaphore, #tpu.memory_space<semaphore_mem>>) src(%arg8 : memref<4096xf32, #tpu.memory_space<vmem>>) dst(%dma_wait3A_211 : memref<4096xf32, #tpu.memory_space<hbm>>)
    %parallel_loop3A_212 = arith.constant 0 : i32
    %parallel_loop3A_213 = arith.constant 4096 : i32
    %parallel_loop3A_214 = arith.constant 16 : i32
    scf.for %parallel_loop3A_630 = %parallel_loop3A_212 to %parallel_loop3A_213 step %parallel_loop3A_214  : i32 {
      %parallel_loop3A_631 = arith.constant 4096 : i32
      %parallel_loop3A_632 = arith.addi %parallel_loop3A_631, %parallel_loop3A_630 : i32
      %parallel_loop3A_633 = arith.index_cast %parallel_loop3A_632 : i32 to index
      %parallel_loop3A_634 = tpu.vector_load %arg6[%parallel_loop3A_633] {strides = array<i32>} : memref<16384xi32, #tpu.memory_space<vmem>>, vector<16xi32>,
      %parallel_loop3A_635 = tpu.vector_load_idx %arg5[%parallel_loop3A_634] : memref<100000xf32, #tpu.memory_space<vmem>>[vector<16xi32>], vector<16xf32>,
      %parallel_loop3A_636 = arith.index_cast %parallel_loop3A_630 : i32 to index
      %parallel_loop3A_637 = tpu.vector_load %arg8[%parallel_loop3A_636] {strides = array<i32>} : memref<4096xf32, #tpu.memory_space<vmem>>, vector<16xf32>,
      tpu.vector_store %arg8[%parallel_loop3A_636], %parallel_loop3A_635 {strides = array<i32>} : memref<4096xf32, #tpu.memory_space<vmem>>, vector<16xf32>,
    } {sc.loop_unroll_factor = 8 : i64, sc.parallel_access}
    %add3A_215 = arith.constant 4096 : i32
    %add3A_216 = arith.addi %mul3A_32, %add3A_215 : i32
    %dma_start3A_217 = tpu.memref_slice %arg4[%add3A_188, %add3A_216] : memref<64x65536xf32, #tpu.memory_space<hbm>> -> memref<1x4096xf32, #tpu.memory_space<hbm>>
    %dma_start3A_218 = tpu.memref_squeeze %dma_start3A_217 : memref<1x4096xf32, #tpu.memory_space<hbm>> -> memref<4096xf32, #tpu.memory_space<hbm>>
    %dma_start3A_219 = tpu.memref_slice %arg4[%add3A_188, %add3A_216] : memref<64x65536xf32, #tpu.memory_space<hbm>> -> memref<1x4096xf32, #tpu.memory_space<hbm>>
    %dma_start3A_220 = tpu.memref_squeeze %dma_start3A_219 : memref<1x4096xf32, #tpu.memory_space<hbm>> -> memref<4096xf32, #tpu.memory_space<hbm>>
    tpu.enqueue_dma source(%arg8 : memref<4096xf32, #tpu.memory_space<vmem>>) target(%dma_start3A_220 : memref<4096xf32, #tpu.memory_space<hbm>>) target_semaphore(%arg11 : memref<!tpu.dma_semaphore, #tpu.memory_space<semaphore_mem>>)
    %dma_wait3A_221 = tpu.memref_slice %arg4[%add3A_188, %add3A_203] : memref<64x65536xf32, #tpu.memory_space<hbm>> -> memref<1x4096xf32, #tpu.memory_space<hbm>>
    %dma_wait3A_222 = tpu.memref_squeeze %dma_wait3A_221 : memref<1x4096xf32, #tpu.memory_space<hbm>> -> memref<4096xf32, #tpu.memory_space<hbm>>
    %dma_wait3A_223 = tpu.memref_slice %arg4[%add3A_188, %add3A_203] : memref<64x65536xf32, #tpu.memory_space<hbm>> -> memref<1x4096xf32, #tpu.memory_space<hbm>>
    %dma_wait3A_224 = tpu.memref_squeeze %dma_wait3A_223 : memref<1x4096xf32, #tpu.memory_space<hbm>> -> memref<4096xf32, #tpu.memory_space<hbm>>
    tpu.wait_dma2 semaphore(%arg10 : memref<!tpu.dma_semaphore, #tpu.memory_space<semaphore_mem>>) src(%arg7 : memref<4096xf32, #tpu.memory_space<vmem>>) dst(%dma_wait3A_224 : memref<4096xf32, #tpu.memory_space<hbm>>)
    %parallel_loop3A_225 = arith.constant 0 : i32
    %parallel_loop3A_226 = arith.constant 4096 : i32
    %parallel_loop3A_227 = arith.constant 16 : i32
    scf.for %parallel_loop3A_630 = %parallel_loop3A_225 to %parallel_loop3A_226 step %parallel_loop3A_227  : i32 {
      %parallel_loop3A_631 = arith.constant 8192 : i32
      %parallel_loop3A_632 = arith.addi %parallel_loop3A_631, %parallel_loop3A_630 : i32
      %parallel_loop3A_633 = arith.index_cast %parallel_loop3A_632 : i32 to index
      %parallel_loop3A_634 = tpu.vector_load %arg6[%parallel_loop3A_633] {strides = array<i32>} : memref<16384xi32, #tpu.memory_space<vmem>>, vector<16xi32>,
      %parallel_loop3A_635 = tpu.vector_load_idx %arg5[%parallel_loop3A_634] : memref<100000xf32, #tpu.memory_space<vmem>>[vector<16xi32>], vector<16xf32>,
      %parallel_loop3A_636 = arith.index_cast %parallel_loop3A_630 : i32 to index
      %parallel_loop3A_637 = tpu.vector_load %arg7[%parallel_loop3A_636] {strides = array<i32>} : memref<4096xf32, #tpu.memory_space<vmem>>, vector<16xf32>,
      tpu.vector_store %arg7[%parallel_loop3A_636], %parallel_loop3A_635 {strides = array<i32>} : memref<4096xf32, #tpu.memory_space<vmem>>, vector<16xf32>,
    } {sc.loop_unroll_factor = 8 : i64, sc.parallel_access}
    %add3A_228 = arith.constant 8192 : i32
    %add3A_229 = arith.addi %mul3A_32, %add3A_228 : i32
    %dma_start3A_230 = tpu.memref_slice %arg4[%add3A_188, %add3A_229] : memref<64x65536xf32, #tpu.memory_space<hbm>> -> memref<1x4096xf32, #tpu.memory_space<hbm>>
    %dma_start3A_231 = tpu.memref_squeeze %dma_start3A_230 : memref<1x4096xf32, #tpu.memory_space<hbm>> -> memref<4096xf32, #tpu.memory_space<hbm>>
    %dma_start3A_232 = tpu.memref_slice %arg4[%add3A_188, %add3A_229] : memref<64x65536xf32, #tpu.memory_space<hbm>> -> memref<1x4096xf32, #tpu.memory_space<hbm>>
    %dma_start3A_233 = tpu.memref_squeeze %dma_start3A_232 : memref<1x4096xf32, #tpu.memory_space<hbm>> -> memref<4096xf32, #tpu.memory_space<hbm>>
    tpu.enqueue_dma source(%arg7 : memref<4096xf32, #tpu.memory_space<vmem>>) target(%dma_start3A_233 : memref<4096xf32, #tpu.memory_space<hbm>>) target_semaphore(%arg10 : memref<!tpu.dma_semaphore, #tpu.memory_space<semaphore_mem>>)
    %dma_wait3A_234 = tpu.memref_slice %arg4[%add3A_188, %add3A_216] : memref<64x65536xf32, #tpu.memory_space<hbm>> -> memref<1x4096xf32, #tpu.memory_space<hbm>>
    %dma_wait3A_235 = tpu.memref_squeeze %dma_wait3A_234 : memref<1x4096xf32, #tpu.memory_space<hbm>> -> memref<4096xf32, #tpu.memory_space<hbm>>
    %dma_wait3A_236 = tpu.memref_slice %arg4[%add3A_188, %add3A_216] : memref<64x65536xf32, #tpu.memory_space<hbm>> -> memref<1x4096xf32, #tpu.memory_space<hbm>>
    %dma_wait3A_237 = tpu.memref_squeeze %dma_wait3A_236 : memref<1x4096xf32, #tpu.memory_space<hbm>> -> memref<4096xf32, #tpu.memory_space<hbm>>
    tpu.wait_dma2 semaphore(%arg11 : memref<!tpu.dma_semaphore, #tpu.memory_space<semaphore_mem>>) src(%arg8 : memref<4096xf32, #tpu.memory_space<vmem>>) dst(%dma_wait3A_237 : memref<4096xf32, #tpu.memory_space<hbm>>)
    %parallel_loop3A_238 = arith.constant 0 : i32
    %parallel_loop3A_239 = arith.constant 4096 : i32
    %parallel_loop3A_240 = arith.constant 16 : i32
    scf.for %parallel_loop3A_630 = %parallel_loop3A_238 to %parallel_loop3A_239 step %parallel_loop3A_240  : i32 {
      %parallel_loop3A_631 = arith.constant 12288 : i32
      %parallel_loop3A_632 = arith.addi %parallel_loop3A_631, %parallel_loop3A_630 : i32
      %parallel_loop3A_633 = arith.index_cast %parallel_loop3A_632 : i32 to index
      %parallel_loop3A_634 = tpu.vector_load %arg6[%parallel_loop3A_633] {strides = array<i32>} : memref<16384xi32, #tpu.memory_space<vmem>>, vector<16xi32>,
      %parallel_loop3A_635 = tpu.vector_load_idx %arg5[%parallel_loop3A_634] : memref<100000xf32, #tpu.memory_space<vmem>>[vector<16xi32>], vector<16xf32>,
      %parallel_loop3A_636 = arith.index_cast %parallel_loop3A_630 : i32 to index
      %parallel_loop3A_637 = tpu.vector_load %arg8[%parallel_loop3A_636] {strides = array<i32>} : memref<4096xf32, #tpu.memory_space<vmem>>, vector<16xf32>,
      tpu.vector_store %arg8[%parallel_loop3A_636], %parallel_loop3A_635 {strides = array<i32>} : memref<4096xf32, #tpu.memory_space<vmem>>, vector<16xf32>,
    } {sc.loop_unroll_factor = 8 : i64, sc.parallel_access}
    %mul3A_241 = arith.constant 64 : i32
    %mul3A_242 = arith.muli %select_n3A, %mul3A_241 : i32
    %mul3A_243 = arith.constant 8 : i32
    %mul3A_244 = arith.muli %select_n3A_30, %mul3A_243 : i32
    %add3A_245 = arith.addi %mul3A_242, %mul3A_244 : i32
    %add3A_246 = arith.constant 3 : i32
    %add3A_247 = arith.addi %add3A_245, %add3A_246 : i32
    %dma_start3A_248 = arith.constant 0 : i32
    %dma_start3A_249 = tpu.memref_slice %arg2[%add3A_247, %dma_start3A_248] : memref<256x100000xf32, #tpu.memory_space<hbm>> -> memref<1x100000xf32, #tpu.memory_space<hbm>>
    %dma_start3A_250 = tpu.memref_squeeze %dma_start3A_249 : memref<1x100000xf32, #tpu.memory_space<hbm>> -> memref<100000xf32, #tpu.memory_space<hbm>>
    %dma_start3A_251 = arith.constant 0 : i32
    %dma_start3A_252 = tpu.memref_slice %arg2[%add3A_247, %dma_start3A_251] : memref<256x100000xf32, #tpu.memory_space<hbm>> -> memref<1x100000xf32, #tpu.memory_space<hbm>>
    %dma_start3A_253 = tpu.memref_squeeze %dma_start3A_252 : memref<1x100000xf32, #tpu.memory_space<hbm>> -> memref<100000xf32, #tpu.memory_space<hbm>>
    tpu.enqueue_dma source(%dma_start3A_253 : memref<100000xf32, #tpu.memory_space<hbm>>) target(%arg5 : memref<100000xf32, #tpu.memory_space<vmem>>) target_semaphore(%arg9 : memref<!tpu.dma_semaphore, #tpu.memory_space<semaphore_mem>>)
    %add3A_254 = arith.constant 12288 : i32
    %add3A_255 = arith.addi %mul3A_32, %add3A_254 : i32
    %dma_start3A_256 = tpu.memref_slice %arg4[%add3A_188, %add3A_255] : memref<64x65536xf32, #tpu.memory_space<hbm>> -> memref<1x4096xf32, #tpu.memory_space<hbm>>
    %dma_start3A_257 = tpu.memref_squeeze %dma_start3A_256 : memref<1x4096xf32, #tpu.memory_space<hbm>> -> memref<4096xf32, #tpu.memory_space<hbm>>
    %dma_start3A_258 = tpu.memref_slice %arg4[%add3A_188, %add3A_255] : memref<64x65536xf32, #tpu.memory_space<hbm>> -> memref<1x4096xf32, #tpu.memory_space<hbm>>
    %dma_start3A_259 = tpu.memref_squeeze %dma_start3A_258 : memref<1x4096xf32, #tpu.memory_space<hbm>> -> memref<4096xf32, #tpu.memory_space<hbm>>
    tpu.enqueue_dma source(%arg8 : memref<4096xf32, #tpu.memory_space<vmem>>) target(%dma_start3A_259 : memref<4096xf32, #tpu.memory_space<hbm>>) target_semaphore(%arg11 : memref<!tpu.dma_semaphore, #tpu.memory_space<semaphore_mem>>)
    %mul3A_260 = arith.constant 8 : i32
    %mul3A_261 = arith.muli %select_n3A_30, %mul3A_260 : i32
    %add3A_262 = arith.constant 3 : i32
    %add3A_263 = arith.addi %mul3A_261, %add3A_262 : i32
    %dma_wait3A_264 = arith.constant 0 : i32
    %dma_wait3A_265 = tpu.memref_slice %arg2[%add3A_247, %dma_wait3A_264] : memref<256x100000xf32, #tpu.memory_space<hbm>> -> memref<1x100000xf32, #tpu.memory_space<hbm>>
    %dma_wait3A_266 = tpu.memref_squeeze %dma_wait3A_265 : memref<1x100000xf32, #tpu.memory_space<hbm>> -> memref<100000xf32, #tpu.memory_space<hbm>>
    %dma_wait3A_267 = arith.constant 0 : i32
    %dma_wait3A_268 = tpu.memref_slice %arg2[%add3A_247, %dma_wait3A_267] : memref<256x100000xf32, #tpu.memory_space<hbm>> -> memref<1x100000xf32, #tpu.memory_space<hbm>>
    %dma_wait3A_269 = tpu.memref_squeeze %dma_wait3A_268 : memref<1x100000xf32, #tpu.memory_space<hbm>> -> memref<100000xf32, #tpu.memory_space<hbm>>
    tpu.wait_dma2 semaphore(%arg9 : memref<!tpu.dma_semaphore, #tpu.memory_space<semaphore_mem>>) src(%dma_wait3A_269 : memref<100000xf32, #tpu.memory_space<hbm>>) dst(%arg5 : memref<100000xf32, #tpu.memory_space<vmem>>)
    %dma_wait3A_270 = tpu.memref_slice %arg4[%add3A_188, %add3A_229] : memref<64x65536xf32, #tpu.memory_space<hbm>> -> memref<1x4096xf32, #tpu.memory_space<hbm>>
    %dma_wait3A_271 = tpu.memref_squeeze %dma_wait3A_270 : memref<1x4096xf32, #tpu.memory_space<hbm>> -> memref<4096xf32, #tpu.memory_space<hbm>>
    %dma_wait3A_272 = tpu.memref_slice %arg4[%add3A_188, %add3A_229] : memref<64x65536xf32, #tpu.memory_space<hbm>> -> memref<1x4096xf32, #tpu.memory_space<hbm>>
    %dma_wait3A_273 = tpu.memref_squeeze %dma_wait3A_272 : memref<1x4096xf32, #tpu.memory_space<hbm>> -> memref<4096xf32, #tpu.memory_space<hbm>>
    tpu.wait_dma2 semaphore(%arg10 : memref<!tpu.dma_semaphore, #tpu.memory_space<semaphore_mem>>) src(%arg7 : memref<4096xf32, #tpu.memory_space<vmem>>) dst(%dma_wait3A_273 : memref<4096xf32, #tpu.memory_space<hbm>>)
    %parallel_loop3A_274 = arith.constant 0 : i32
    %parallel_loop3A_275 = arith.constant 4096 : i32
    %parallel_loop3A_276 = arith.constant 16 : i32
    scf.for %parallel_loop3A_630 = %parallel_loop3A_274 to %parallel_loop3A_275 step %parallel_loop3A_276  : i32 {
      %parallel_loop3A_631 = arith.constant 0 : i32
      %parallel_loop3A_632 = arith.addi %parallel_loop3A_631, %parallel_loop3A_630 : i32
      %parallel_loop3A_633 = arith.index_cast %parallel_loop3A_632 : i32 to index
      %parallel_loop3A_634 = tpu.vector_load %arg6[%parallel_loop3A_633] {strides = array<i32>} : memref<16384xi32, #tpu.memory_space<vmem>>, vector<16xi32>,
      %parallel_loop3A_635 = tpu.vector_load_idx %arg5[%parallel_loop3A_634] : memref<100000xf32, #tpu.memory_space<vmem>>[vector<16xi32>], vector<16xf32>,
      %parallel_loop3A_636 = arith.index_cast %parallel_loop3A_630 : i32 to index
      %parallel_loop3A_637 = tpu.vector_load %arg7[%parallel_loop3A_636] {strides = array<i32>} : memref<4096xf32, #tpu.memory_space<vmem>>, vector<16xf32>,
      tpu.vector_store %arg7[%parallel_loop3A_636], %parallel_loop3A_635 {strides = array<i32>} : memref<4096xf32, #tpu.memory_space<vmem>>, vector<16xf32>,
    } {sc.loop_unroll_factor = 8 : i64, sc.parallel_access}
    %add3A_277 = arith.constant 0 : i32
    %add3A_278 = arith.addi %mul3A_32, %add3A_277 : i32
    %dma_start3A_279 = tpu.memref_slice %arg4[%add3A_263, %add3A_278] : memref<64x65536xf32, #tpu.memory_space<hbm>> -> memref<1x4096xf32, #tpu.memory_space<hbm>>
    %dma_start3A_280 = tpu.memref_squeeze %dma_start3A_279 : memref<1x4096xf32, #tpu.memory_space<hbm>> -> memref<4096xf32, #tpu.memory_space<hbm>>
    %dma_start3A_281 = tpu.memref_slice %arg4[%add3A_263, %add3A_278] : memref<64x65536xf32, #tpu.memory_space<hbm>> -> memref<1x4096xf32, #tpu.memory_space<hbm>>
    %dma_start3A_282 = tpu.memref_squeeze %dma_start3A_281 : memref<1x4096xf32, #tpu.memory_space<hbm>> -> memref<4096xf32, #tpu.memory_space<hbm>>
    tpu.enqueue_dma source(%arg7 : memref<4096xf32, #tpu.memory_space<vmem>>) target(%dma_start3A_282 : memref<4096xf32, #tpu.memory_space<hbm>>) target_semaphore(%arg10 : memref<!tpu.dma_semaphore, #tpu.memory_space<semaphore_mem>>)
    %dma_wait3A_283 = tpu.memref_slice %arg4[%add3A_188, %add3A_255] : memref<64x65536xf32, #tpu.memory_space<hbm>> -> memref<1x4096xf32, #tpu.memory_space<hbm>>
    %dma_wait3A_284 = tpu.memref_squeeze %dma_wait3A_283 : memref<1x4096xf32, #tpu.memory_space<hbm>> -> memref<4096xf32, #tpu.memory_space<hbm>>
    %dma_wait3A_285 = tpu.memref_slice %arg4[%add3A_188, %add3A_255] : memref<64x65536xf32, #tpu.memory_space<hbm>> -> memref<1x4096xf32, #tpu.memory_space<hbm>>
    %dma_wait3A_286 = tpu.memref_squeeze %dma_wait3A_285 : memref<1x4096xf32, #tpu.memory_space<hbm>> -> memref<4096xf32, #tpu.memory_space<hbm>>
    tpu.wait_dma2 semaphore(%arg11 : memref<!tpu.dma_semaphore, #tpu.memory_space<semaphore_mem>>) src(%arg8 : memref<4096xf32, #tpu.memory_space<vmem>>) dst(%dma_wait3A_286 : memref<4096xf32, #tpu.memory_space<hbm>>)
    %parallel_loop3A_287 = arith.constant 0 : i32
    %parallel_loop3A_288 = arith.constant 4096 : i32
    %parallel_loop3A_289 = arith.constant 16 : i32
    scf.for %parallel_loop3A_630 = %parallel_loop3A_287 to %parallel_loop3A_288 step %parallel_loop3A_289  : i32 {
      %parallel_loop3A_631 = arith.constant 4096 : i32
      %parallel_loop3A_632 = arith.addi %parallel_loop3A_631, %parallel_loop3A_630 : i32
      %parallel_loop3A_633 = arith.index_cast %parallel_loop3A_632 : i32 to index
      %parallel_loop3A_634 = tpu.vector_load %arg6[%parallel_loop3A_633] {strides = array<i32>} : memref<16384xi32, #tpu.memory_space<vmem>>, vector<16xi32>,
      %parallel_loop3A_635 = tpu.vector_load_idx %arg5[%parallel_loop3A_634] : memref<100000xf32, #tpu.memory_space<vmem>>[vector<16xi32>], vector<16xf32>,
      %parallel_loop3A_636 = arith.index_cast %parallel_loop3A_630 : i32 to index
      %parallel_loop3A_637 = tpu.vector_load %arg8[%parallel_loop3A_636] {strides = array<i32>} : memref<4096xf32, #tpu.memory_space<vmem>>, vector<16xf32>,
      tpu.vector_store %arg8[%parallel_loop3A_636], %parallel_loop3A_635 {strides = array<i32>} : memref<4096xf32, #tpu.memory_space<vmem>>, vector<16xf32>,
    } {sc.loop_unroll_factor = 8 : i64, sc.parallel_access}
    %add3A_290 = arith.constant 4096 : i32
    %add3A_291 = arith.addi %mul3A_32, %add3A_290 : i32
    %dma_start3A_292 = tpu.memref_slice %arg4[%add3A_263, %add3A_291] : memref<64x65536xf32, #tpu.memory_space<hbm>> -> memref<1x4096xf32, #tpu.memory_space<hbm>>
    %dma_start3A_293 = tpu.memref_squeeze %dma_start3A_292 : memref<1x4096xf32, #tpu.memory_space<hbm>> -> memref<4096xf32, #tpu.memory_space<hbm>>
    %dma_start3A_294 = tpu.memref_slice %arg4[%add3A_263, %add3A_291] : memref<64x65536xf32, #tpu.memory_space<hbm>> -> memref<1x4096xf32, #tpu.memory_space<hbm>>
    %dma_start3A_295 = tpu.memref_squeeze %dma_start3A_294 : memref<1x4096xf32, #tpu.memory_space<hbm>> -> memref<4096xf32, #tpu.memory_space<hbm>>
    tpu.enqueue_dma source(%arg8 : memref<4096xf32, #tpu.memory_space<vmem>>) target(%dma_start3A_295 : memref<4096xf32, #tpu.memory_space<hbm>>) target_semaphore(%arg11 : memref<!tpu.dma_semaphore, #tpu.memory_space<semaphore_mem>>)
    %dma_wait3A_296 = tpu.memref_slice %arg4[%add3A_263, %add3A_278] : memref<64x65536xf32, #tpu.memory_space<hbm>> -> memref<1x4096xf32, #tpu.memory_space<hbm>>
    %dma_wait3A_297 = tpu.memref_squeeze %dma_wait3A_296 : memref<1x4096xf32, #tpu.memory_space<hbm>> -> memref<4096xf32, #tpu.memory_space<hbm>>
    %dma_wait3A_298 = tpu.memref_slice %arg4[%add3A_263, %add3A_278] : memref<64x65536xf32, #tpu.memory_space<hbm>> -> memref<1x4096xf32, #tpu.memory_space<hbm>>
    %dma_wait3A_299 = tpu.memref_squeeze %dma_wait3A_298 : memref<1x4096xf32, #tpu.memory_space<hbm>> -> memref<4096xf32, #tpu.memory_space<hbm>>
    tpu.wait_dma2 semaphore(%arg10 : memref<!tpu.dma_semaphore, #tpu.memory_space<semaphore_mem>>) src(%arg7 : memref<4096xf32, #tpu.memory_space<vmem>>) dst(%dma_wait3A_299 : memref<4096xf32, #tpu.memory_space<hbm>>)
    %parallel_loop3A_300 = arith.constant 0 : i32
    %parallel_loop3A_301 = arith.constant 4096 : i32
    %parallel_loop3A_302 = arith.constant 16 : i32
    scf.for %parallel_loop3A_630 = %parallel_loop3A_300 to %parallel_loop3A_301 step %parallel_loop3A_302  : i32 {
      %parallel_loop3A_631 = arith.constant 8192 : i32
      %parallel_loop3A_632 = arith.addi %parallel_loop3A_631, %parallel_loop3A_630 : i32
      %parallel_loop3A_633 = arith.index_cast %parallel_loop3A_632 : i32 to index
      %parallel_loop3A_634 = tpu.vector_load %arg6[%parallel_loop3A_633] {strides = array<i32>} : memref<16384xi32, #tpu.memory_space<vmem>>, vector<16xi32>,
      %parallel_loop3A_635 = tpu.vector_load_idx %arg5[%parallel_loop3A_634] : memref<100000xf32, #tpu.memory_space<vmem>>[vector<16xi32>], vector<16xf32>,
      %parallel_loop3A_636 = arith.index_cast %parallel_loop3A_630 : i32 to index
      %parallel_loop3A_637 = tpu.vector_load %arg7[%parallel_loop3A_636] {strides = array<i32>} : memref<4096xf32, #tpu.memory_space<vmem>>, vector<16xf32>,
      tpu.vector_store %arg7[%parallel_loop3A_636], %parallel_loop3A_635 {strides = array<i32>} : memref<4096xf32, #tpu.memory_space<vmem>>, vector<16xf32>,
    } {sc.loop_unroll_factor = 8 : i64, sc.parallel_access}
    %add3A_303 = arith.constant 8192 : i32
    %add3A_304 = arith.addi %mul3A_32, %add3A_303 : i32
    %dma_start3A_305 = tpu.memref_slice %arg4[%add3A_263, %add3A_304] : memref<64x65536xf32, #tpu.memory_space<hbm>> -> memref<1x4096xf32, #tpu.memory_space<hbm>>
    %dma_start3A_306 = tpu.memref_squeeze %dma_start3A_305 : memref<1x4096xf32, #tpu.memory_space<hbm>> -> memref<4096xf32, #tpu.memory_space<hbm>>
    %dma_start3A_307 = tpu.memref_slice %arg4[%add3A_263, %add3A_304] : memref<64x65536xf32, #tpu.memory_space<hbm>> -> memref<1x4096xf32, #tpu.memory_space<hbm>>
    %dma_start3A_308 = tpu.memref_squeeze %dma_start3A_307 : memref<1x4096xf32, #tpu.memory_space<hbm>> -> memref<4096xf32, #tpu.memory_space<hbm>>
    tpu.enqueue_dma source(%arg7 : memref<4096xf32, #tpu.memory_space<vmem>>) target(%dma_start3A_308 : memref<4096xf32, #tpu.memory_space<hbm>>) target_semaphore(%arg10 : memref<!tpu.dma_semaphore, #tpu.memory_space<semaphore_mem>>)
    %dma_wait3A_309 = tpu.memref_slice %arg4[%add3A_263, %add3A_291] : memref<64x65536xf32, #tpu.memory_space<hbm>> -> memref<1x4096xf32, #tpu.memory_space<hbm>>
    %dma_wait3A_310 = tpu.memref_squeeze %dma_wait3A_309 : memref<1x4096xf32, #tpu.memory_space<hbm>> -> memref<4096xf32, #tpu.memory_space<hbm>>
    %dma_wait3A_311 = tpu.memref_slice %arg4[%add3A_263, %add3A_291] : memref<64x65536xf32, #tpu.memory_space<hbm>> -> memref<1x4096xf32, #tpu.memory_space<hbm>>
    %dma_wait3A_312 = tpu.memref_squeeze %dma_wait3A_311 : memref<1x4096xf32, #tpu.memory_space<hbm>> -> memref<4096xf32, #tpu.memory_space<hbm>>
    tpu.wait_dma2 semaphore(%arg11 : memref<!tpu.dma_semaphore, #tpu.memory_space<semaphore_mem>>) src(%arg8 : memref<4096xf32, #tpu.memory_space<vmem>>) dst(%dma_wait3A_312 : memref<4096xf32, #tpu.memory_space<hbm>>)
    %parallel_loop3A_313 = arith.constant 0 : i32
    %parallel_loop3A_314 = arith.constant 4096 : i32
    %parallel_loop3A_315 = arith.constant 16 : i32
    scf.for %parallel_loop3A_630 = %parallel_loop3A_313 to %parallel_loop3A_314 step %parallel_loop3A_315  : i32 {
      %parallel_loop3A_631 = arith.constant 12288 : i32
      %parallel_loop3A_632 = arith.addi %parallel_loop3A_631, %parallel_loop3A_630 : i32
      %parallel_loop3A_633 = arith.index_cast %parallel_loop3A_632 : i32 to index
      %parallel_loop3A_634 = tpu.vector_load %arg6[%parallel_loop3A_633] {strides = array<i32>} : memref<16384xi32, #tpu.memory_space<vmem>>, vector<16xi32>,
      %parallel_loop3A_635 = tpu.vector_load_idx %arg5[%parallel_loop3A_634] : memref<100000xf32, #tpu.memory_space<vmem>>[vector<16xi32>], vector<16xf32>,
      %parallel_loop3A_636 = arith.index_cast %parallel_loop3A_630 : i32 to index
      %parallel_loop3A_637 = tpu.vector_load %arg8[%parallel_loop3A_636] {strides = array<i32>} : memref<4096xf32, #tpu.memory_space<vmem>>, vector<16xf32>,
      tpu.vector_store %arg8[%parallel_loop3A_636], %parallel_loop3A_635 {strides = array<i32>} : memref<4096xf32, #tpu.memory_space<vmem>>, vector<16xf32>,
    } {sc.loop_unroll_factor = 8 : i64, sc.parallel_access}
    %mul3A_316 = arith.constant 64 : i32
    %mul3A_317 = arith.muli %select_n3A, %mul3A_316 : i32
    %mul3A_318 = arith.constant 8 : i32
    %mul3A_319 = arith.muli %select_n3A_30, %mul3A_318 : i32
    %add3A_320 = arith.addi %mul3A_317, %mul3A_319 : i32
    %add3A_321 = arith.constant 4 : i32
    %add3A_322 = arith.addi %add3A_320, %add3A_321 : i32
    %dma_start3A_323 = arith.constant 0 : i32
    %dma_start3A_324 = tpu.memref_slice %arg2[%add3A_322, %dma_start3A_323] : memref<256x100000xf32, #tpu.memory_space<hbm>> -> memref<1x100000xf32, #tpu.memory_space<hbm>>
    %dma_start3A_325 = tpu.memref_squeeze %dma_start3A_324 : memref<1x100000xf32, #tpu.memory_space<hbm>> -> memref<100000xf32, #tpu.memory_space<hbm>>
    %dma_start3A_326 = arith.constant 0 : i32
    %dma_start3A_327 = tpu.memref_slice %arg2[%add3A_322, %dma_start3A_326] : memref<256x100000xf32, #tpu.memory_space<hbm>> -> memref<1x100000xf32, #tpu.memory_space<hbm>>
    %dma_start3A_328 = tpu.memref_squeeze %dma_start3A_327 : memref<1x100000xf32, #tpu.memory_space<hbm>> -> memref<100000xf32, #tpu.memory_space<hbm>>
    tpu.enqueue_dma source(%dma_start3A_328 : memref<100000xf32, #tpu.memory_space<hbm>>) target(%arg5 : memref<100000xf32, #tpu.memory_space<vmem>>) target_semaphore(%arg9 : memref<!tpu.dma_semaphore, #tpu.memory_space<semaphore_mem>>)
    %add3A_329 = arith.constant 12288 : i32
    %add3A_330 = arith.addi %mul3A_32, %add3A_329 : i32
    %dma_start3A_331 = tpu.memref_slice %arg4[%add3A_263, %add3A_330] : memref<64x65536xf32, #tpu.memory_space<hbm>> -> memref<1x4096xf32, #tpu.memory_space<hbm>>
    %dma_start3A_332 = tpu.memref_squeeze %dma_start3A_331 : memref<1x4096xf32, #tpu.memory_space<hbm>> -> memref<4096xf32, #tpu.memory_space<hbm>>
    %dma_start3A_333 = tpu.memref_slice %arg4[%add3A_263, %add3A_330] : memref<64x65536xf32, #tpu.memory_space<hbm>> -> memref<1x4096xf32, #tpu.memory_space<hbm>>
    %dma_start3A_334 = tpu.memref_squeeze %dma_start3A_333 : memref<1x4096xf32, #tpu.memory_space<hbm>> -> memref<4096xf32, #tpu.memory_space<hbm>>
    tpu.enqueue_dma source(%arg8 : memref<4096xf32, #tpu.memory_space<vmem>>) target(%dma_start3A_334 : memref<4096xf32, #tpu.memory_space<hbm>>) target_semaphore(%arg11 : memref<!tpu.dma_semaphore, #tpu.memory_space<semaphore_mem>>)
    %mul3A_335 = arith.constant 8 : i32
    %mul3A_336 = arith.muli %select_n3A_30, %mul3A_335 : i32
    %add3A_337 = arith.constant 4 : i32
    %add3A_338 = arith.addi %mul3A_336, %add3A_337 : i32
    %dma_wait3A_339 = arith.constant 0 : i32
    %dma_wait3A_340 = tpu.memref_slice %arg2[%add3A_322, %dma_wait3A_339] : memref<256x100000xf32, #tpu.memory_space<hbm>> -> memref<1x100000xf32, #tpu.memory_space<hbm>>
    %dma_wait3A_341 = tpu.memref_squeeze %dma_wait3A_340 : memref<1x100000xf32, #tpu.memory_space<hbm>> -> memref<100000xf32, #tpu.memory_space<hbm>>
    %dma_wait3A_342 = arith.constant 0 : i32
    %dma_wait3A_343 = tpu.memref_slice %arg2[%add3A_322, %dma_wait3A_342] : memref<256x100000xf32, #tpu.memory_space<hbm>> -> memref<1x100000xf32, #tpu.memory_space<hbm>>
    %dma_wait3A_344 = tpu.memref_squeeze %dma_wait3A_343 : memref<1x100000xf32, #tpu.memory_space<hbm>> -> memref<100000xf32, #tpu.memory_space<hbm>>
    tpu.wait_dma2 semaphore(%arg9 : memref<!tpu.dma_semaphore, #tpu.memory_space<semaphore_mem>>) src(%dma_wait3A_344 : memref<100000xf32, #tpu.memory_space<hbm>>) dst(%arg5 : memref<100000xf32, #tpu.memory_space<vmem>>)
    %dma_wait3A_345 = tpu.memref_slice %arg4[%add3A_263, %add3A_304] : memref<64x65536xf32, #tpu.memory_space<hbm>> -> memref<1x4096xf32, #tpu.memory_space<hbm>>
    %dma_wait3A_346 = tpu.memref_squeeze %dma_wait3A_345 : memref<1x4096xf32, #tpu.memory_space<hbm>> -> memref<4096xf32, #tpu.memory_space<hbm>>
    %dma_wait3A_347 = tpu.memref_slice %arg4[%add3A_263, %add3A_304] : memref<64x65536xf32, #tpu.memory_space<hbm>> -> memref<1x4096xf32, #tpu.memory_space<hbm>>
    %dma_wait3A_348 = tpu.memref_squeeze %dma_wait3A_347 : memref<1x4096xf32, #tpu.memory_space<hbm>> -> memref<4096xf32, #tpu.memory_space<hbm>>
    tpu.wait_dma2 semaphore(%arg10 : memref<!tpu.dma_semaphore, #tpu.memory_space<semaphore_mem>>) src(%arg7 : memref<4096xf32, #tpu.memory_space<vmem>>) dst(%dma_wait3A_348 : memref<4096xf32, #tpu.memory_space<hbm>>)
    %parallel_loop3A_349 = arith.constant 0 : i32
    %parallel_loop3A_350 = arith.constant 4096 : i32
    %parallel_loop3A_351 = arith.constant 16 : i32
    scf.for %parallel_loop3A_630 = %parallel_loop3A_349 to %parallel_loop3A_350 step %parallel_loop3A_351  : i32 {
      %parallel_loop3A_631 = arith.constant 0 : i32
      %parallel_loop3A_632 = arith.addi %parallel_loop3A_631, %parallel_loop3A_630 : i32
      %parallel_loop3A_633 = arith.index_cast %parallel_loop3A_632 : i32 to index
      %parallel_loop3A_634 = tpu.vector_load %arg6[%parallel_loop3A_633] {strides = array<i32>} : memref<16384xi32, #tpu.memory_space<vmem>>, vector<16xi32>,
      %parallel_loop3A_635 = tpu.vector_load_idx %arg5[%parallel_loop3A_634] : memref<100000xf32, #tpu.memory_space<vmem>>[vector<16xi32>], vector<16xf32>,
      %parallel_loop3A_636 = arith.index_cast %parallel_loop3A_630 : i32 to index
      %parallel_loop3A_637 = tpu.vector_load %arg7[%parallel_loop3A_636] {strides = array<i32>} : memref<4096xf32, #tpu.memory_space<vmem>>, vector<16xf32>,
      tpu.vector_store %arg7[%parallel_loop3A_636], %parallel_loop3A_635 {strides = array<i32>} : memref<4096xf32, #tpu.memory_space<vmem>>, vector<16xf32>,
    } {sc.loop_unroll_factor = 8 : i64, sc.parallel_access}
    %add3A_352 = arith.constant 0 : i32
    %add3A_353 = arith.addi %mul3A_32, %add3A_352 : i32
    %dma_start3A_354 = tpu.memref_slice %arg4[%add3A_338, %add3A_353] : memref<64x65536xf32, #tpu.memory_space<hbm>> -> memref<1x4096xf32, #tpu.memory_space<hbm>>
    %dma_start3A_355 = tpu.memref_squeeze %dma_start3A_354 : memref<1x4096xf32, #tpu.memory_space<hbm>> -> memref<4096xf32, #tpu.memory_space<hbm>>
    %dma_start3A_356 = tpu.memref_slice %arg4[%add3A_338, %add3A_353] : memref<64x65536xf32, #tpu.memory_space<hbm>> -> memref<1x4096xf32, #tpu.memory_space<hbm>>
    %dma_start3A_357 = tpu.memref_squeeze %dma_start3A_356 : memref<1x4096xf32, #tpu.memory_space<hbm>> -> memref<4096xf32, #tpu.memory_space<hbm>>
    tpu.enqueue_dma source(%arg7 : memref<4096xf32, #tpu.memory_space<vmem>>) target(%dma_start3A_357 : memref<4096xf32, #tpu.memory_space<hbm>>) target_semaphore(%arg10 : memref<!tpu.dma_semaphore, #tpu.memory_space<semaphore_mem>>)
    %dma_wait3A_358 = tpu.memref_slice %arg4[%add3A_263, %add3A_330] : memref<64x65536xf32, #tpu.memory_space<hbm>> -> memref<1x4096xf32, #tpu.memory_space<hbm>>
    %dma_wait3A_359 = tpu.memref_squeeze %dma_wait3A_358 : memref<1x4096xf32, #tpu.memory_space<hbm>> -> memref<4096xf32, #tpu.memory_space<hbm>>
    %dma_wait3A_360 = tpu.memref_slice %arg4[%add3A_263, %add3A_330] : memref<64x65536xf32, #tpu.memory_space<hbm>> -> memref<1x4096xf32, #tpu.memory_space<hbm>>
    %dma_wait3A_361 = tpu.memref_squeeze %dma_wait3A_360 : memref<1x4096xf32, #tpu.memory_space<hbm>> -> memref<4096xf32, #tpu.memory_space<hbm>>
    tpu.wait_dma2 semaphore(%arg11 : memref<!tpu.dma_semaphore, #tpu.memory_space<semaphore_mem>>) src(%arg8 : memref<4096xf32, #tpu.memory_space<vmem>>) dst(%dma_wait3A_361 : memref<4096xf32, #tpu.memory_space<hbm>>)
    %parallel_loop3A_362 = arith.constant 0 : i32
    %parallel_loop3A_363 = arith.constant 4096 : i32
    %parallel_loop3A_364 = arith.constant 16 : i32
    scf.for %parallel_loop3A_630 = %parallel_loop3A_362 to %parallel_loop3A_363 step %parallel_loop3A_364  : i32 {
      %parallel_loop3A_631 = arith.constant 4096 : i32
      %parallel_loop3A_632 = arith.addi %parallel_loop3A_631, %parallel_loop3A_630 : i32
      %parallel_loop3A_633 = arith.index_cast %parallel_loop3A_632 : i32 to index
      %parallel_loop3A_634 = tpu.vector_load %arg6[%parallel_loop3A_633] {strides = array<i32>} : memref<16384xi32, #tpu.memory_space<vmem>>, vector<16xi32>,
      %parallel_loop3A_635 = tpu.vector_load_idx %arg5[%parallel_loop3A_634] : memref<100000xf32, #tpu.memory_space<vmem>>[vector<16xi32>], vector<16xf32>,
      %parallel_loop3A_636 = arith.index_cast %parallel_loop3A_630 : i32 to index
      %parallel_loop3A_637 = tpu.vector_load %arg8[%parallel_loop3A_636] {strides = array<i32>} : memref<4096xf32, #tpu.memory_space<vmem>>, vector<16xf32>,
      tpu.vector_store %arg8[%parallel_loop3A_636], %parallel_loop3A_635 {strides = array<i32>} : memref<4096xf32, #tpu.memory_space<vmem>>, vector<16xf32>,
    } {sc.loop_unroll_factor = 8 : i64, sc.parallel_access}
    %add3A_365 = arith.constant 4096 : i32
    %add3A_366 = arith.addi %mul3A_32, %add3A_365 : i32
    %dma_start3A_367 = tpu.memref_slice %arg4[%add3A_338, %add3A_366] : memref<64x65536xf32, #tpu.memory_space<hbm>> -> memref<1x4096xf32, #tpu.memory_space<hbm>>
    %dma_start3A_368 = tpu.memref_squeeze %dma_start3A_367 : memref<1x4096xf32, #tpu.memory_space<hbm>> -> memref<4096xf32, #tpu.memory_space<hbm>>
    %dma_start3A_369 = tpu.memref_slice %arg4[%add3A_338, %add3A_366] : memref<64x65536xf32, #tpu.memory_space<hbm>> -> memref<1x4096xf32, #tpu.memory_space<hbm>>
    %dma_start3A_370 = tpu.memref_squeeze %dma_start3A_369 : memref<1x4096xf32, #tpu.memory_space<hbm>> -> memref<4096xf32, #tpu.memory_space<hbm>>
    tpu.enqueue_dma source(%arg8 : memref<4096xf32, #tpu.memory_space<vmem>>) target(%dma_start3A_370 : memref<4096xf32, #tpu.memory_space<hbm>>) target_semaphore(%arg11 : memref<!tpu.dma_semaphore, #tpu.memory_space<semaphore_mem>>)
    %dma_wait3A_371 = tpu.memref_slice %arg4[%add3A_338, %add3A_353] : memref<64x65536xf32, #tpu.memory_space<hbm>> -> memref<1x4096xf32, #tpu.memory_space<hbm>>
    %dma_wait3A_372 = tpu.memref_squeeze %dma_wait3A_371 : memref<1x4096xf32, #tpu.memory_space<hbm>> -> memref<4096xf32, #tpu.memory_space<hbm>>
    %dma_wait3A_373 = tpu.memref_slice %arg4[%add3A_338, %add3A_353] : memref<64x65536xf32, #tpu.memory_space<hbm>> -> memref<1x4096xf32, #tpu.memory_space<hbm>>
    %dma_wait3A_374 = tpu.memref_squeeze %dma_wait3A_373 : memref<1x4096xf32, #tpu.memory_space<hbm>> -> memref<4096xf32, #tpu.memory_space<hbm>>
    tpu.wait_dma2 semaphore(%arg10 : memref<!tpu.dma_semaphore, #tpu.memory_space<semaphore_mem>>) src(%arg7 : memref<4096xf32, #tpu.memory_space<vmem>>) dst(%dma_wait3A_374 : memref<4096xf32, #tpu.memory_space<hbm>>)
    %parallel_loop3A_375 = arith.constant 0 : i32
    %parallel_loop3A_376 = arith.constant 4096 : i32
    %parallel_loop3A_377 = arith.constant 16 : i32
    scf.for %parallel_loop3A_630 = %parallel_loop3A_375 to %parallel_loop3A_376 step %parallel_loop3A_377  : i32 {
      %parallel_loop3A_631 = arith.constant 8192 : i32
      %parallel_loop3A_632 = arith.addi %parallel_loop3A_631, %parallel_loop3A_630 : i32
      %parallel_loop3A_633 = arith.index_cast %parallel_loop3A_632 : i32 to index
      %parallel_loop3A_634 = tpu.vector_load %arg6[%parallel_loop3A_633] {strides = array<i32>} : memref<16384xi32, #tpu.memory_space<vmem>>, vector<16xi32>,
      %parallel_loop3A_635 = tpu.vector_load_idx %arg5[%parallel_loop3A_634] : memref<100000xf32, #tpu.memory_space<vmem>>[vector<16xi32>], vector<16xf32>,
      %parallel_loop3A_636 = arith.index_cast %parallel_loop3A_630 : i32 to index
      %parallel_loop3A_637 = tpu.vector_load %arg7[%parallel_loop3A_636] {strides = array<i32>} : memref<4096xf32, #tpu.memory_space<vmem>>, vector<16xf32>,
      tpu.vector_store %arg7[%parallel_loop3A_636], %parallel_loop3A_635 {strides = array<i32>} : memref<4096xf32, #tpu.memory_space<vmem>>, vector<16xf32>,
    } {sc.loop_unroll_factor = 8 : i64, sc.parallel_access}
    %add3A_378 = arith.constant 8192 : i32
    %add3A_379 = arith.addi %mul3A_32, %add3A_378 : i32
    %dma_start3A_380 = tpu.memref_slice %arg4[%add3A_338, %add3A_379] : memref<64x65536xf32, #tpu.memory_space<hbm>> -> memref<1x4096xf32, #tpu.memory_space<hbm>>
    %dma_start3A_381 = tpu.memref_squeeze %dma_start3A_380 : memref<1x4096xf32, #tpu.memory_space<hbm>> -> memref<4096xf32, #tpu.memory_space<hbm>>
    %dma_start3A_382 = tpu.memref_slice %arg4[%add3A_338, %add3A_379] : memref<64x65536xf32, #tpu.memory_space<hbm>> -> memref<1x4096xf32, #tpu.memory_space<hbm>>
    %dma_start3A_383 = tpu.memref_squeeze %dma_start3A_382 : memref<1x4096xf32, #tpu.memory_space<hbm>> -> memref<4096xf32, #tpu.memory_space<hbm>>
    tpu.enqueue_dma source(%arg7 : memref<4096xf32, #tpu.memory_space<vmem>>) target(%dma_start3A_383 : memref<4096xf32, #tpu.memory_space<hbm>>) target_semaphore(%arg10 : memref<!tpu.dma_semaphore, #tpu.memory_space<semaphore_mem>>)
    %dma_wait3A_384 = tpu.memref_slice %arg4[%add3A_338, %add3A_366] : memref<64x65536xf32, #tpu.memory_space<hbm>> -> memref<1x4096xf32, #tpu.memory_space<hbm>>
    %dma_wait3A_385 = tpu.memref_squeeze %dma_wait3A_384 : memref<1x4096xf32, #tpu.memory_space<hbm>> -> memref<4096xf32, #tpu.memory_space<hbm>>
    %dma_wait3A_386 = tpu.memref_slice %arg4[%add3A_338, %add3A_366] : memref<64x65536xf32, #tpu.memory_space<hbm>> -> memref<1x4096xf32, #tpu.memory_space<hbm>>
    %dma_wait3A_387 = tpu.memref_squeeze %dma_wait3A_386 : memref<1x4096xf32, #tpu.memory_space<hbm>> -> memref<4096xf32, #tpu.memory_space<hbm>>
    tpu.wait_dma2 semaphore(%arg11 : memref<!tpu.dma_semaphore, #tpu.memory_space<semaphore_mem>>) src(%arg8 : memref<4096xf32, #tpu.memory_space<vmem>>) dst(%dma_wait3A_387 : memref<4096xf32, #tpu.memory_space<hbm>>)
    %parallel_loop3A_388 = arith.constant 0 : i32
    %parallel_loop3A_389 = arith.constant 4096 : i32
    %parallel_loop3A_390 = arith.constant 16 : i32
    scf.for %parallel_loop3A_630 = %parallel_loop3A_388 to %parallel_loop3A_389 step %parallel_loop3A_390  : i32 {
      %parallel_loop3A_631 = arith.constant 12288 : i32
      %parallel_loop3A_632 = arith.addi %parallel_loop3A_631, %parallel_loop3A_630 : i32
      %parallel_loop3A_633 = arith.index_cast %parallel_loop3A_632 : i32 to index
      %parallel_loop3A_634 = tpu.vector_load %arg6[%parallel_loop3A_633] {strides = array<i32>} : memref<16384xi32, #tpu.memory_space<vmem>>, vector<16xi32>,
      %parallel_loop3A_635 = tpu.vector_load_idx %arg5[%parallel_loop3A_634] : memref<100000xf32, #tpu.memory_space<vmem>>[vector<16xi32>], vector<16xf32>,
      %parallel_loop3A_636 = arith.index_cast %parallel_loop3A_630 : i32 to index
      %parallel_loop3A_637 = tpu.vector_load %arg8[%parallel_loop3A_636] {strides = array<i32>} : memref<4096xf32, #tpu.memory_space<vmem>>, vector<16xf32>,
      tpu.vector_store %arg8[%parallel_loop3A_636], %parallel_loop3A_635 {strides = array<i32>} : memref<4096xf32, #tpu.memory_space<vmem>>, vector<16xf32>,
    } {sc.loop_unroll_factor = 8 : i64, sc.parallel_access}
    %mul3A_391 = arith.constant 64 : i32
    %mul3A_392 = arith.muli %select_n3A, %mul3A_391 : i32
    %mul3A_393 = arith.constant 8 : i32
    %mul3A_394 = arith.muli %select_n3A_30, %mul3A_393 : i32
    %add3A_395 = arith.addi %mul3A_392, %mul3A_394 : i32
    %add3A_396 = arith.constant 5 : i32
    %add3A_397 = arith.addi %add3A_395, %add3A_396 : i32
    %dma_start3A_398 = arith.constant 0 : i32
    %dma_start3A_399 = tpu.memref_slice %arg2[%add3A_397, %dma_start3A_398] : memref<256x100000xf32, #tpu.memory_space<hbm>> -> memref<1x100000xf32, #tpu.memory_space<hbm>>
    %dma_start3A_400 = tpu.memref_squeeze %dma_start3A_399 : memref<1x100000xf32, #tpu.memory_space<hbm>> -> memref<100000xf32, #tpu.memory_space<hbm>>
    %dma_start3A_401 = arith.constant 0 : i32
    %dma_start3A_402 = tpu.memref_slice %arg2[%add3A_397, %dma_start3A_401] : memref<256x100000xf32, #tpu.memory_space<hbm>> -> memref<1x100000xf32, #tpu.memory_space<hbm>>
    %dma_start3A_403 = tpu.memref_squeeze %dma_start3A_402 : memref<1x100000xf32, #tpu.memory_space<hbm>> -> memref<100000xf32, #tpu.memory_space<hbm>>
    tpu.enqueue_dma source(%dma_start3A_403 : memref<100000xf32, #tpu.memory_space<hbm>>) target(%arg5 : memref<100000xf32, #tpu.memory_space<vmem>>) target_semaphore(%arg9 : memref<!tpu.dma_semaphore, #tpu.memory_space<semaphore_mem>>)
    %add3A_404 = arith.constant 12288 : i32
    %add3A_405 = arith.addi %mul3A_32, %add3A_404 : i32
    %dma_start3A_406 = tpu.memref_slice %arg4[%add3A_338, %add3A_405] : memref<64x65536xf32, #tpu.memory_space<hbm>> -> memref<1x4096xf32, #tpu.memory_space<hbm>>
    %dma_start3A_407 = tpu.memref_squeeze %dma_start3A_406 : memref<1x4096xf32, #tpu.memory_space<hbm>> -> memref<4096xf32, #tpu.memory_space<hbm>>
    %dma_start3A_408 = tpu.memref_slice %arg4[%add3A_338, %add3A_405] : memref<64x65536xf32, #tpu.memory_space<hbm>> -> memref<1x4096xf32, #tpu.memory_space<hbm>>
    %dma_start3A_409 = tpu.memref_squeeze %dma_start3A_408 : memref<1x4096xf32, #tpu.memory_space<hbm>> -> memref<4096xf32, #tpu.memory_space<hbm>>
    tpu.enqueue_dma source(%arg8 : memref<4096xf32, #tpu.memory_space<vmem>>) target(%dma_start3A_409 : memref<4096xf32, #tpu.memory_space<hbm>>) target_semaphore(%arg11 : memref<!tpu.dma_semaphore, #tpu.memory_space<semaphore_mem>>)
    %mul3A_410 = arith.constant 8 : i32
    %mul3A_411 = arith.muli %select_n3A_30, %mul3A_410 : i32
    %add3A_412 = arith.constant 5 : i32
    %add3A_413 = arith.addi %mul3A_411, %add3A_412 : i32
    %dma_wait3A_414 = arith.constant 0 : i32
    %dma_wait3A_415 = tpu.memref_slice %arg2[%add3A_397, %dma_wait3A_414] : memref<256x100000xf32, #tpu.memory_space<hbm>> -> memref<1x100000xf32, #tpu.memory_space<hbm>>
    %dma_wait3A_416 = tpu.memref_squeeze %dma_wait3A_415 : memref<1x100000xf32, #tpu.memory_space<hbm>> -> memref<100000xf32, #tpu.memory_space<hbm>>
    %dma_wait3A_417 = arith.constant 0 : i32
    %dma_wait3A_418 = tpu.memref_slice %arg2[%add3A_397, %dma_wait3A_417] : memref<256x100000xf32, #tpu.memory_space<hbm>> -> memref<1x100000xf32, #tpu.memory_space<hbm>>
    %dma_wait3A_419 = tpu.memref_squeeze %dma_wait3A_418 : memref<1x100000xf32, #tpu.memory_space<hbm>> -> memref<100000xf32, #tpu.memory_space<hbm>>
    tpu.wait_dma2 semaphore(%arg9 : memref<!tpu.dma_semaphore, #tpu.memory_space<semaphore_mem>>) src(%dma_wait3A_419 : memref<100000xf32, #tpu.memory_space<hbm>>) dst(%arg5 : memref<100000xf32, #tpu.memory_space<vmem>>)
    %dma_wait3A_420 = tpu.memref_slice %arg4[%add3A_338, %add3A_379] : memref<64x65536xf32, #tpu.memory_space<hbm>> -> memref<1x4096xf32, #tpu.memory_space<hbm>>
    %dma_wait3A_421 = tpu.memref_squeeze %dma_wait3A_420 : memref<1x4096xf32, #tpu.memory_space<hbm>> -> memref<4096xf32, #tpu.memory_space<hbm>>
    %dma_wait3A_422 = tpu.memref_slice %arg4[%add3A_338, %add3A_379] : memref<64x65536xf32, #tpu.memory_space<hbm>> -> memref<1x4096xf32, #tpu.memory_space<hbm>>
    %dma_wait3A_423 = tpu.memref_squeeze %dma_wait3A_422 : memref<1x4096xf32, #tpu.memory_space<hbm>> -> memref<4096xf32, #tpu.memory_space<hbm>>
    tpu.wait_dma2 semaphore(%arg10 : memref<!tpu.dma_semaphore, #tpu.memory_space<semaphore_mem>>) src(%arg7 : memref<4096xf32, #tpu.memory_space<vmem>>) dst(%dma_wait3A_423 : memref<4096xf32, #tpu.memory_space<hbm>>)
    %parallel_loop3A_424 = arith.constant 0 : i32
    %parallel_loop3A_425 = arith.constant 4096 : i32
    %parallel_loop3A_426 = arith.constant 16 : i32
    scf.for %parallel_loop3A_630 = %parallel_loop3A_424 to %parallel_loop3A_425 step %parallel_loop3A_426  : i32 {
      %parallel_loop3A_631 = arith.constant 0 : i32
      %parallel_loop3A_632 = arith.addi %parallel_loop3A_631, %parallel_loop3A_630 : i32
      %parallel_loop3A_633 = arith.index_cast %parallel_loop3A_632 : i32 to index
      %parallel_loop3A_634 = tpu.vector_load %arg6[%parallel_loop3A_633] {strides = array<i32>} : memref<16384xi32, #tpu.memory_space<vmem>>, vector<16xi32>,
      %parallel_loop3A_635 = tpu.vector_load_idx %arg5[%parallel_loop3A_634] : memref<100000xf32, #tpu.memory_space<vmem>>[vector<16xi32>], vector<16xf32>,
      %parallel_loop3A_636 = arith.index_cast %parallel_loop3A_630 : i32 to index
      %parallel_loop3A_637 = tpu.vector_load %arg7[%parallel_loop3A_636] {strides = array<i32>} : memref<4096xf32, #tpu.memory_space<vmem>>, vector<16xf32>,
      tpu.vector_store %arg7[%parallel_loop3A_636], %parallel_loop3A_635 {strides = array<i32>} : memref<4096xf32, #tpu.memory_space<vmem>>, vector<16xf32>,
    } {sc.loop_unroll_factor = 8 : i64, sc.parallel_access}
    %add3A_427 = arith.constant 0 : i32
    %add3A_428 = arith.addi %mul3A_32, %add3A_427 : i32
    %dma_start3A_429 = tpu.memref_slice %arg4[%add3A_413, %add3A_428] : memref<64x65536xf32, #tpu.memory_space<hbm>> -> memref<1x4096xf32, #tpu.memory_space<hbm>>
    %dma_start3A_430 = tpu.memref_squeeze %dma_start3A_429 : memref<1x4096xf32, #tpu.memory_space<hbm>> -> memref<4096xf32, #tpu.memory_space<hbm>>
    %dma_start3A_431 = tpu.memref_slice %arg4[%add3A_413, %add3A_428] : memref<64x65536xf32, #tpu.memory_space<hbm>> -> memref<1x4096xf32, #tpu.memory_space<hbm>>
    %dma_start3A_432 = tpu.memref_squeeze %dma_start3A_431 : memref<1x4096xf32, #tpu.memory_space<hbm>> -> memref<4096xf32, #tpu.memory_space<hbm>>
    tpu.enqueue_dma source(%arg7 : memref<4096xf32, #tpu.memory_space<vmem>>) target(%dma_start3A_432 : memref<4096xf32, #tpu.memory_space<hbm>>) target_semaphore(%arg10 : memref<!tpu.dma_semaphore, #tpu.memory_space<semaphore_mem>>)
    %dma_wait3A_433 = tpu.memref_slice %arg4[%add3A_338, %add3A_405] : memref<64x65536xf32, #tpu.memory_space<hbm>> -> memref<1x4096xf32, #tpu.memory_space<hbm>>
    %dma_wait3A_434 = tpu.memref_squeeze %dma_wait3A_433 : memref<1x4096xf32, #tpu.memory_space<hbm>> -> memref<4096xf32, #tpu.memory_space<hbm>>
    %dma_wait3A_435 = tpu.memref_slice %arg4[%add3A_338, %add3A_405] : memref<64x65536xf32, #tpu.memory_space<hbm>> -> memref<1x4096xf32, #tpu.memory_space<hbm>>
    %dma_wait3A_436 = tpu.memref_squeeze %dma_wait3A_435 : memref<1x4096xf32, #tpu.memory_space<hbm>> -> memref<4096xf32, #tpu.memory_space<hbm>>
    tpu.wait_dma2 semaphore(%arg11 : memref<!tpu.dma_semaphore, #tpu.memory_space<semaphore_mem>>) src(%arg8 : memref<4096xf32, #tpu.memory_space<vmem>>) dst(%dma_wait3A_436 : memref<4096xf32, #tpu.memory_space<hbm>>)
    %parallel_loop3A_437 = arith.constant 0 : i32
    %parallel_loop3A_438 = arith.constant 4096 : i32
    %parallel_loop3A_439 = arith.constant 16 : i32
    scf.for %parallel_loop3A_630 = %parallel_loop3A_437 to %parallel_loop3A_438 step %parallel_loop3A_439  : i32 {
      %parallel_loop3A_631 = arith.constant 4096 : i32
      %parallel_loop3A_632 = arith.addi %parallel_loop3A_631, %parallel_loop3A_630 : i32
      %parallel_loop3A_633 = arith.index_cast %parallel_loop3A_632 : i32 to index
      %parallel_loop3A_634 = tpu.vector_load %arg6[%parallel_loop3A_633] {strides = array<i32>} : memref<16384xi32, #tpu.memory_space<vmem>>, vector<16xi32>,
      %parallel_loop3A_635 = tpu.vector_load_idx %arg5[%parallel_loop3A_634] : memref<100000xf32, #tpu.memory_space<vmem>>[vector<16xi32>], vector<16xf32>,
      %parallel_loop3A_636 = arith.index_cast %parallel_loop3A_630 : i32 to index
      %parallel_loop3A_637 = tpu.vector_load %arg8[%parallel_loop3A_636] {strides = array<i32>} : memref<4096xf32, #tpu.memory_space<vmem>>, vector<16xf32>,
      tpu.vector_store %arg8[%parallel_loop3A_636], %parallel_loop3A_635 {strides = array<i32>} : memref<4096xf32, #tpu.memory_space<vmem>>, vector<16xf32>,
    } {sc.loop_unroll_factor = 8 : i64, sc.parallel_access}
    %add3A_440 = arith.constant 4096 : i32
    %add3A_441 = arith.addi %mul3A_32, %add3A_440 : i32
    %dma_start3A_442 = tpu.memref_slice %arg4[%add3A_413, %add3A_441] : memref<64x65536xf32, #tpu.memory_space<hbm>> -> memref<1x4096xf32, #tpu.memory_space<hbm>>
    %dma_start3A_443 = tpu.memref_squeeze %dma_start3A_442 : memref<1x4096xf32, #tpu.memory_space<hbm>> -> memref<4096xf32, #tpu.memory_space<hbm>>
    %dma_start3A_444 = tpu.memref_slice %arg4[%add3A_413, %add3A_441] : memref<64x65536xf32, #tpu.memory_space<hbm>> -> memref<1x4096xf32, #tpu.memory_space<hbm>>
    %dma_start3A_445 = tpu.memref_squeeze %dma_start3A_444 : memref<1x4096xf32, #tpu.memory_space<hbm>> -> memref<4096xf32, #tpu.memory_space<hbm>>
    tpu.enqueue_dma source(%arg8 : memref<4096xf32, #tpu.memory_space<vmem>>) target(%dma_start3A_445 : memref<4096xf32, #tpu.memory_space<hbm>>) target_semaphore(%arg11 : memref<!tpu.dma_semaphore, #tpu.memory_space<semaphore_mem>>)
    %dma_wait3A_446 = tpu.memref_slice %arg4[%add3A_413, %add3A_428] : memref<64x65536xf32, #tpu.memory_space<hbm>> -> memref<1x4096xf32, #tpu.memory_space<hbm>>
    %dma_wait3A_447 = tpu.memref_squeeze %dma_wait3A_446 : memref<1x4096xf32, #tpu.memory_space<hbm>> -> memref<4096xf32, #tpu.memory_space<hbm>>
    %dma_wait3A_448 = tpu.memref_slice %arg4[%add3A_413, %add3A_428] : memref<64x65536xf32, #tpu.memory_space<hbm>> -> memref<1x4096xf32, #tpu.memory_space<hbm>>
    %dma_wait3A_449 = tpu.memref_squeeze %dma_wait3A_448 : memref<1x4096xf32, #tpu.memory_space<hbm>> -> memref<4096xf32, #tpu.memory_space<hbm>>
    tpu.wait_dma2 semaphore(%arg10 : memref<!tpu.dma_semaphore, #tpu.memory_space<semaphore_mem>>) src(%arg7 : memref<4096xf32, #tpu.memory_space<vmem>>) dst(%dma_wait3A_449 : memref<4096xf32, #tpu.memory_space<hbm>>)
    %parallel_loop3A_450 = arith.constant 0 : i32
    %parallel_loop3A_451 = arith.constant 4096 : i32
    %parallel_loop3A_452 = arith.constant 16 : i32
    scf.for %parallel_loop3A_630 = %parallel_loop3A_450 to %parallel_loop3A_451 step %parallel_loop3A_452  : i32 {
      %parallel_loop3A_631 = arith.constant 8192 : i32
      %parallel_loop3A_632 = arith.addi %parallel_loop3A_631, %parallel_loop3A_630 : i32
      %parallel_loop3A_633 = arith.index_cast %parallel_loop3A_632 : i32 to index
      %parallel_loop3A_634 = tpu.vector_load %arg6[%parallel_loop3A_633] {strides = array<i32>} : memref<16384xi32, #tpu.memory_space<vmem>>, vector<16xi32>,
      %parallel_loop3A_635 = tpu.vector_load_idx %arg5[%parallel_loop3A_634] : memref<100000xf32, #tpu.memory_space<vmem>>[vector<16xi32>], vector<16xf32>,
      %parallel_loop3A_636 = arith.index_cast %parallel_loop3A_630 : i32 to index
      %parallel_loop3A_637 = tpu.vector_load %arg7[%parallel_loop3A_636] {strides = array<i32>} : memref<4096xf32, #tpu.memory_space<vmem>>, vector<16xf32>,
      tpu.vector_store %arg7[%parallel_loop3A_636], %parallel_loop3A_635 {strides = array<i32>} : memref<4096xf32, #tpu.memory_space<vmem>>, vector<16xf32>,
    } {sc.loop_unroll_factor = 8 : i64, sc.parallel_access}
    %add3A_453 = arith.constant 8192 : i32
    %add3A_454 = arith.addi %mul3A_32, %add3A_453 : i32
    %dma_start3A_455 = tpu.memref_slice %arg4[%add3A_413, %add3A_454] : memref<64x65536xf32, #tpu.memory_space<hbm>> -> memref<1x4096xf32, #tpu.memory_space<hbm>>
    %dma_start3A_456 = tpu.memref_squeeze %dma_start3A_455 : memref<1x4096xf32, #tpu.memory_space<hbm>> -> memref<4096xf32, #tpu.memory_space<hbm>>
    %dma_start3A_457 = tpu.memref_slice %arg4[%add3A_413, %add3A_454] : memref<64x65536xf32, #tpu.memory_space<hbm>> -> memref<1x4096xf32, #tpu.memory_space<hbm>>
    %dma_start3A_458 = tpu.memref_squeeze %dma_start3A_457 : memref<1x4096xf32, #tpu.memory_space<hbm>> -> memref<4096xf32, #tpu.memory_space<hbm>>
    tpu.enqueue_dma source(%arg7 : memref<4096xf32, #tpu.memory_space<vmem>>) target(%dma_start3A_458 : memref<4096xf32, #tpu.memory_space<hbm>>) target_semaphore(%arg10 : memref<!tpu.dma_semaphore, #tpu.memory_space<semaphore_mem>>)
    %dma_wait3A_459 = tpu.memref_slice %arg4[%add3A_413, %add3A_441] : memref<64x65536xf32, #tpu.memory_space<hbm>> -> memref<1x4096xf32, #tpu.memory_space<hbm>>
    %dma_wait3A_460 = tpu.memref_squeeze %dma_wait3A_459 : memref<1x4096xf32, #tpu.memory_space<hbm>> -> memref<4096xf32, #tpu.memory_space<hbm>>
    %dma_wait3A_461 = tpu.memref_slice %arg4[%add3A_413, %add3A_441] : memref<64x65536xf32, #tpu.memory_space<hbm>> -> memref<1x4096xf32, #tpu.memory_space<hbm>>
    %dma_wait3A_462 = tpu.memref_squeeze %dma_wait3A_461 : memref<1x4096xf32, #tpu.memory_space<hbm>> -> memref<4096xf32, #tpu.memory_space<hbm>>
    tpu.wait_dma2 semaphore(%arg11 : memref<!tpu.dma_semaphore, #tpu.memory_space<semaphore_mem>>) src(%arg8 : memref<4096xf32, #tpu.memory_space<vmem>>) dst(%dma_wait3A_462 : memref<4096xf32, #tpu.memory_space<hbm>>)
    %parallel_loop3A_463 = arith.constant 0 : i32
    %parallel_loop3A_464 = arith.constant 4096 : i32
    %parallel_loop3A_465 = arith.constant 16 : i32
    scf.for %parallel_loop3A_630 = %parallel_loop3A_463 to %parallel_loop3A_464 step %parallel_loop3A_465  : i32 {
      %parallel_loop3A_631 = arith.constant 12288 : i32
      %parallel_loop3A_632 = arith.addi %parallel_loop3A_631, %parallel_loop3A_630 : i32
      %parallel_loop3A_633 = arith.index_cast %parallel_loop3A_632 : i32 to index
      %parallel_loop3A_634 = tpu.vector_load %arg6[%parallel_loop3A_633] {strides = array<i32>} : memref<16384xi32, #tpu.memory_space<vmem>>, vector<16xi32>,
      %parallel_loop3A_635 = tpu.vector_load_idx %arg5[%parallel_loop3A_634] : memref<100000xf32, #tpu.memory_space<vmem>>[vector<16xi32>], vector<16xf32>,
      %parallel_loop3A_636 = arith.index_cast %parallel_loop3A_630 : i32 to index
      %parallel_loop3A_637 = tpu.vector_load %arg8[%parallel_loop3A_636] {strides = array<i32>} : memref<4096xf32, #tpu.memory_space<vmem>>, vector<16xf32>,
      tpu.vector_store %arg8[%parallel_loop3A_636], %parallel_loop3A_635 {strides = array<i32>} : memref<4096xf32, #tpu.memory_space<vmem>>, vector<16xf32>,
    } {sc.loop_unroll_factor = 8 : i64, sc.parallel_access}
    %mul3A_466 = arith.constant 64 : i32
    %mul3A_467 = arith.muli %select_n3A, %mul3A_466 : i32
    %mul3A_468 = arith.constant 8 : i32
    %mul3A_469 = arith.muli %select_n3A_30, %mul3A_468 : i32
    %add3A_470 = arith.addi %mul3A_467, %mul3A_469 : i32
    %add3A_471 = arith.constant 6 : i32
    %add3A_472 = arith.addi %add3A_470, %add3A_471 : i32
    %dma_start3A_473 = arith.constant 0 : i32
    %dma_start3A_474 = tpu.memref_slice %arg2[%add3A_472, %dma_start3A_473] : memref<256x100000xf32, #tpu.memory_space<hbm>> -> memref<1x100000xf32, #tpu.memory_space<hbm>>
    %dma_start3A_475 = tpu.memref_squeeze %dma_start3A_474 : memref<1x100000xf32, #tpu.memory_space<hbm>> -> memref<100000xf32, #tpu.memory_space<hbm>>
    %dma_start3A_476 = arith.constant 0 : i32
    %dma_start3A_477 = tpu.memref_slice %arg2[%add3A_472, %dma_start3A_476] : memref<256x100000xf32, #tpu.memory_space<hbm>> -> memref<1x100000xf32, #tpu.memory_space<hbm>>
    %dma_start3A_478 = tpu.memref_squeeze %dma_start3A_477 : memref<1x100000xf32, #tpu.memory_space<hbm>> -> memref<100000xf32, #tpu.memory_space<hbm>>
    tpu.enqueue_dma source(%dma_start3A_478 : memref<100000xf32, #tpu.memory_space<hbm>>) target(%arg5 : memref<100000xf32, #tpu.memory_space<vmem>>) target_semaphore(%arg9 : memref<!tpu.dma_semaphore, #tpu.memory_space<semaphore_mem>>)
    %add3A_479 = arith.constant 12288 : i32
    %add3A_480 = arith.addi %mul3A_32, %add3A_479 : i32
    %dma_start3A_481 = tpu.memref_slice %arg4[%add3A_413, %add3A_480] : memref<64x65536xf32, #tpu.memory_space<hbm>> -> memref<1x4096xf32, #tpu.memory_space<hbm>>
    %dma_start3A_482 = tpu.memref_squeeze %dma_start3A_481 : memref<1x4096xf32, #tpu.memory_space<hbm>> -> memref<4096xf32, #tpu.memory_space<hbm>>
    %dma_start3A_483 = tpu.memref_slice %arg4[%add3A_413, %add3A_480] : memref<64x65536xf32, #tpu.memory_space<hbm>> -> memref<1x4096xf32, #tpu.memory_space<hbm>>
    %dma_start3A_484 = tpu.memref_squeeze %dma_start3A_483 : memref<1x4096xf32, #tpu.memory_space<hbm>> -> memref<4096xf32, #tpu.memory_space<hbm>>
    tpu.enqueue_dma source(%arg8 : memref<4096xf32, #tpu.memory_space<vmem>>) target(%dma_start3A_484 : memref<4096xf32, #tpu.memory_space<hbm>>) target_semaphore(%arg11 : memref<!tpu.dma_semaphore, #tpu.memory_space<semaphore_mem>>)
    %mul3A_485 = arith.constant 8 : i32
    %mul3A_486 = arith.muli %select_n3A_30, %mul3A_485 : i32
    %add3A_487 = arith.constant 6 : i32
    %add3A_488 = arith.addi %mul3A_486, %add3A_487 : i32
    %dma_wait3A_489 = arith.constant 0 : i32
    %dma_wait3A_490 = tpu.memref_slice %arg2[%add3A_472, %dma_wait3A_489] : memref<256x100000xf32, #tpu.memory_space<hbm>> -> memref<1x100000xf32, #tpu.memory_space<hbm>>
    %dma_wait3A_491 = tpu.memref_squeeze %dma_wait3A_490 : memref<1x100000xf32, #tpu.memory_space<hbm>> -> memref<100000xf32, #tpu.memory_space<hbm>>
    %dma_wait3A_492 = arith.constant 0 : i32
    %dma_wait3A_493 = tpu.memref_slice %arg2[%add3A_472, %dma_wait3A_492] : memref<256x100000xf32, #tpu.memory_space<hbm>> -> memref<1x100000xf32, #tpu.memory_space<hbm>>
    %dma_wait3A_494 = tpu.memref_squeeze %dma_wait3A_493 : memref<1x100000xf32, #tpu.memory_space<hbm>> -> memref<100000xf32, #tpu.memory_space<hbm>>
    tpu.wait_dma2 semaphore(%arg9 : memref<!tpu.dma_semaphore, #tpu.memory_space<semaphore_mem>>) src(%dma_wait3A_494 : memref<100000xf32, #tpu.memory_space<hbm>>) dst(%arg5 : memref<100000xf32, #tpu.memory_space<vmem>>)
    %dma_wait3A_495 = tpu.memref_slice %arg4[%add3A_413, %add3A_454] : memref<64x65536xf32, #tpu.memory_space<hbm>> -> memref<1x4096xf32, #tpu.memory_space<hbm>>
    %dma_wait3A_496 = tpu.memref_squeeze %dma_wait3A_495 : memref<1x4096xf32, #tpu.memory_space<hbm>> -> memref<4096xf32, #tpu.memory_space<hbm>>
    %dma_wait3A_497 = tpu.memref_slice %arg4[%add3A_413, %add3A_454] : memref<64x65536xf32, #tpu.memory_space<hbm>> -> memref<1x4096xf32, #tpu.memory_space<hbm>>
    %dma_wait3A_498 = tpu.memref_squeeze %dma_wait3A_497 : memref<1x4096xf32, #tpu.memory_space<hbm>> -> memref<4096xf32, #tpu.memory_space<hbm>>
    tpu.wait_dma2 semaphore(%arg10 : memref<!tpu.dma_semaphore, #tpu.memory_space<semaphore_mem>>) src(%arg7 : memref<4096xf32, #tpu.memory_space<vmem>>) dst(%dma_wait3A_498 : memref<4096xf32, #tpu.memory_space<hbm>>)
    %parallel_loop3A_499 = arith.constant 0 : i32
    %parallel_loop3A_500 = arith.constant 4096 : i32
    %parallel_loop3A_501 = arith.constant 16 : i32
    scf.for %parallel_loop3A_630 = %parallel_loop3A_499 to %parallel_loop3A_500 step %parallel_loop3A_501  : i32 {
      %parallel_loop3A_631 = arith.constant 0 : i32
      %parallel_loop3A_632 = arith.addi %parallel_loop3A_631, %parallel_loop3A_630 : i32
      %parallel_loop3A_633 = arith.index_cast %parallel_loop3A_632 : i32 to index
      %parallel_loop3A_634 = tpu.vector_load %arg6[%parallel_loop3A_633] {strides = array<i32>} : memref<16384xi32, #tpu.memory_space<vmem>>, vector<16xi32>,
      %parallel_loop3A_635 = tpu.vector_load_idx %arg5[%parallel_loop3A_634] : memref<100000xf32, #tpu.memory_space<vmem>>[vector<16xi32>], vector<16xf32>,
      %parallel_loop3A_636 = arith.index_cast %parallel_loop3A_630 : i32 to index
      %parallel_loop3A_637 = tpu.vector_load %arg7[%parallel_loop3A_636] {strides = array<i32>} : memref<4096xf32, #tpu.memory_space<vmem>>, vector<16xf32>,
      tpu.vector_store %arg7[%parallel_loop3A_636], %parallel_loop3A_635 {strides = array<i32>} : memref<4096xf32, #tpu.memory_space<vmem>>, vector<16xf32>,
    } {sc.loop_unroll_factor = 8 : i64, sc.parallel_access}
    %add3A_502 = arith.constant 0 : i32
    %add3A_503 = arith.addi %mul3A_32, %add3A_502 : i32
    %dma_start3A_504 = tpu.memref_slice %arg4[%add3A_488, %add3A_503] : memref<64x65536xf32, #tpu.memory_space<hbm>> -> memref<1x4096xf32, #tpu.memory_space<hbm>>
    %dma_start3A_505 = tpu.memref_squeeze %dma_start3A_504 : memref<1x4096xf32, #tpu.memory_space<hbm>> -> memref<4096xf32, #tpu.memory_space<hbm>>
    %dma_start3A_506 = tpu.memref_slice %arg4[%add3A_488, %add3A_503] : memref<64x65536xf32, #tpu.memory_space<hbm>> -> memref<1x4096xf32, #tpu.memory_space<hbm>>
    %dma_start3A_507 = tpu.memref_squeeze %dma_start3A_506 : memref<1x4096xf32, #tpu.memory_space<hbm>> -> memref<4096xf32, #tpu.memory_space<hbm>>
    tpu.enqueue_dma source(%arg7 : memref<4096xf32, #tpu.memory_space<vmem>>) target(%dma_start3A_507 : memref<4096xf32, #tpu.memory_space<hbm>>) target_semaphore(%arg10 : memref<!tpu.dma_semaphore, #tpu.memory_space<semaphore_mem>>)
    %dma_wait3A_508 = tpu.memref_slice %arg4[%add3A_413, %add3A_480] : memref<64x65536xf32, #tpu.memory_space<hbm>> -> memref<1x4096xf32, #tpu.memory_space<hbm>>
    %dma_wait3A_509 = tpu.memref_squeeze %dma_wait3A_508 : memref<1x4096xf32, #tpu.memory_space<hbm>> -> memref<4096xf32, #tpu.memory_space<hbm>>
    %dma_wait3A_510 = tpu.memref_slice %arg4[%add3A_413, %add3A_480] : memref<64x65536xf32, #tpu.memory_space<hbm>> -> memref<1x4096xf32, #tpu.memory_space<hbm>>
    %dma_wait3A_511 = tpu.memref_squeeze %dma_wait3A_510 : memref<1x4096xf32, #tpu.memory_space<hbm>> -> memref<4096xf32, #tpu.memory_space<hbm>>
    tpu.wait_dma2 semaphore(%arg11 : memref<!tpu.dma_semaphore, #tpu.memory_space<semaphore_mem>>) src(%arg8 : memref<4096xf32, #tpu.memory_space<vmem>>) dst(%dma_wait3A_511 : memref<4096xf32, #tpu.memory_space<hbm>>)
    %parallel_loop3A_512 = arith.constant 0 : i32
    %parallel_loop3A_513 = arith.constant 4096 : i32
    %parallel_loop3A_514 = arith.constant 16 : i32
    scf.for %parallel_loop3A_630 = %parallel_loop3A_512 to %parallel_loop3A_513 step %parallel_loop3A_514  : i32 {
      %parallel_loop3A_631 = arith.constant 4096 : i32
      %parallel_loop3A_632 = arith.addi %parallel_loop3A_631, %parallel_loop3A_630 : i32
      %parallel_loop3A_633 = arith.index_cast %parallel_loop3A_632 : i32 to index
      %parallel_loop3A_634 = tpu.vector_load %arg6[%parallel_loop3A_633] {strides = array<i32>} : memref<16384xi32, #tpu.memory_space<vmem>>, vector<16xi32>,
      %parallel_loop3A_635 = tpu.vector_load_idx %arg5[%parallel_loop3A_634] : memref<100000xf32, #tpu.memory_space<vmem>>[vector<16xi32>], vector<16xf32>,
      %parallel_loop3A_636 = arith.index_cast %parallel_loop3A_630 : i32 to index
      %parallel_loop3A_637 = tpu.vector_load %arg8[%parallel_loop3A_636] {strides = array<i32>} : memref<4096xf32, #tpu.memory_space<vmem>>, vector<16xf32>,
      tpu.vector_store %arg8[%parallel_loop3A_636], %parallel_loop3A_635 {strides = array<i32>} : memref<4096xf32, #tpu.memory_space<vmem>>, vector<16xf32>,
    } {sc.loop_unroll_factor = 8 : i64, sc.parallel_access}
    %add3A_515 = arith.constant 4096 : i32
    %add3A_516 = arith.addi %mul3A_32, %add3A_515 : i32
    %dma_start3A_517 = tpu.memref_slice %arg4[%add3A_488, %add3A_516] : memref<64x65536xf32, #tpu.memory_space<hbm>> -> memref<1x4096xf32, #tpu.memory_space<hbm>>
    %dma_start3A_518 = tpu.memref_squeeze %dma_start3A_517 : memref<1x4096xf32, #tpu.memory_space<hbm>> -> memref<4096xf32, #tpu.memory_space<hbm>>
    %dma_start3A_519 = tpu.memref_slice %arg4[%add3A_488, %add3A_516] : memref<64x65536xf32, #tpu.memory_space<hbm>> -> memref<1x4096xf32, #tpu.memory_space<hbm>>
    %dma_start3A_520 = tpu.memref_squeeze %dma_start3A_519 : memref<1x4096xf32, #tpu.memory_space<hbm>> -> memref<4096xf32, #tpu.memory_space<hbm>>
    tpu.enqueue_dma source(%arg8 : memref<4096xf32, #tpu.memory_space<vmem>>) target(%dma_start3A_520 : memref<4096xf32, #tpu.memory_space<hbm>>) target_semaphore(%arg11 : memref<!tpu.dma_semaphore, #tpu.memory_space<semaphore_mem>>)
    %dma_wait3A_521 = tpu.memref_slice %arg4[%add3A_488, %add3A_503] : memref<64x65536xf32, #tpu.memory_space<hbm>> -> memref<1x4096xf32, #tpu.memory_space<hbm>>
    %dma_wait3A_522 = tpu.memref_squeeze %dma_wait3A_521 : memref<1x4096xf32, #tpu.memory_space<hbm>> -> memref<4096xf32, #tpu.memory_space<hbm>>
    %dma_wait3A_523 = tpu.memref_slice %arg4[%add3A_488, %add3A_503] : memref<64x65536xf32, #tpu.memory_space<hbm>> -> memref<1x4096xf32, #tpu.memory_space<hbm>>
    %dma_wait3A_524 = tpu.memref_squeeze %dma_wait3A_523 : memref<1x4096xf32, #tpu.memory_space<hbm>> -> memref<4096xf32, #tpu.memory_space<hbm>>
    tpu.wait_dma2 semaphore(%arg10 : memref<!tpu.dma_semaphore, #tpu.memory_space<semaphore_mem>>) src(%arg7 : memref<4096xf32, #tpu.memory_space<vmem>>) dst(%dma_wait3A_524 : memref<4096xf32, #tpu.memory_space<hbm>>)
    %parallel_loop3A_525 = arith.constant 0 : i32
    %parallel_loop3A_526 = arith.constant 4096 : i32
    %parallel_loop3A_527 = arith.constant 16 : i32
    scf.for %parallel_loop3A_630 = %parallel_loop3A_525 to %parallel_loop3A_526 step %parallel_loop3A_527  : i32 {
      %parallel_loop3A_631 = arith.constant 8192 : i32
      %parallel_loop3A_632 = arith.addi %parallel_loop3A_631, %parallel_loop3A_630 : i32
      %parallel_loop3A_633 = arith.index_cast %parallel_loop3A_632 : i32 to index
      %parallel_loop3A_634 = tpu.vector_load %arg6[%parallel_loop3A_633] {strides = array<i32>} : memref<16384xi32, #tpu.memory_space<vmem>>, vector<16xi32>,
      %parallel_loop3A_635 = tpu.vector_load_idx %arg5[%parallel_loop3A_634] : memref<100000xf32, #tpu.memory_space<vmem>>[vector<16xi32>], vector<16xf32>,
      %parallel_loop3A_636 = arith.index_cast %parallel_loop3A_630 : i32 to index
      %parallel_loop3A_637 = tpu.vector_load %arg7[%parallel_loop3A_636] {strides = array<i32>} : memref<4096xf32, #tpu.memory_space<vmem>>, vector<16xf32>,
      tpu.vector_store %arg7[%parallel_loop3A_636], %parallel_loop3A_635 {strides = array<i32>} : memref<4096xf32, #tpu.memory_space<vmem>>, vector<16xf32>,
    } {sc.loop_unroll_factor = 8 : i64, sc.parallel_access}
    %add3A_528 = arith.constant 8192 : i32
    %add3A_529 = arith.addi %mul3A_32, %add3A_528 : i32
    %dma_start3A_530 = tpu.memref_slice %arg4[%add3A_488, %add3A_529] : memref<64x65536xf32, #tpu.memory_space<hbm>> -> memref<1x4096xf32, #tpu.memory_space<hbm>>
    %dma_start3A_531 = tpu.memref_squeeze %dma_start3A_530 : memref<1x4096xf32, #tpu.memory_space<hbm>> -> memref<4096xf32, #tpu.memory_space<hbm>>
    %dma_start3A_532 = tpu.memref_slice %arg4[%add3A_488, %add3A_529] : memref<64x65536xf32, #tpu.memory_space<hbm>> -> memref<1x4096xf32, #tpu.memory_space<hbm>>
    %dma_start3A_533 = tpu.memref_squeeze %dma_start3A_532 : memref<1x4096xf32, #tpu.memory_space<hbm>> -> memref<4096xf32, #tpu.memory_space<hbm>>
    tpu.enqueue_dma source(%arg7 : memref<4096xf32, #tpu.memory_space<vmem>>) target(%dma_start3A_533 : memref<4096xf32, #tpu.memory_space<hbm>>) target_semaphore(%arg10 : memref<!tpu.dma_semaphore, #tpu.memory_space<semaphore_mem>>)
    %dma_wait3A_534 = tpu.memref_slice %arg4[%add3A_488, %add3A_516] : memref<64x65536xf32, #tpu.memory_space<hbm>> -> memref<1x4096xf32, #tpu.memory_space<hbm>>
    %dma_wait3A_535 = tpu.memref_squeeze %dma_wait3A_534 : memref<1x4096xf32, #tpu.memory_space<hbm>> -> memref<4096xf32, #tpu.memory_space<hbm>>
    %dma_wait3A_536 = tpu.memref_slice %arg4[%add3A_488, %add3A_516] : memref<64x65536xf32, #tpu.memory_space<hbm>> -> memref<1x4096xf32, #tpu.memory_space<hbm>>
    %dma_wait3A_537 = tpu.memref_squeeze %dma_wait3A_536 : memref<1x4096xf32, #tpu.memory_space<hbm>> -> memref<4096xf32, #tpu.memory_space<hbm>>
    tpu.wait_dma2 semaphore(%arg11 : memref<!tpu.dma_semaphore, #tpu.memory_space<semaphore_mem>>) src(%arg8 : memref<4096xf32, #tpu.memory_space<vmem>>) dst(%dma_wait3A_537 : memref<4096xf32, #tpu.memory_space<hbm>>)
    %parallel_loop3A_538 = arith.constant 0 : i32
    %parallel_loop3A_539 = arith.constant 4096 : i32
    %parallel_loop3A_540 = arith.constant 16 : i32
    scf.for %parallel_loop3A_630 = %parallel_loop3A_538 to %parallel_loop3A_539 step %parallel_loop3A_540  : i32 {
      %parallel_loop3A_631 = arith.constant 12288 : i32
      %parallel_loop3A_632 = arith.addi %parallel_loop3A_631, %parallel_loop3A_630 : i32
      %parallel_loop3A_633 = arith.index_cast %parallel_loop3A_632 : i32 to index
      %parallel_loop3A_634 = tpu.vector_load %arg6[%parallel_loop3A_633] {strides = array<i32>} : memref<16384xi32, #tpu.memory_space<vmem>>, vector<16xi32>,
      %parallel_loop3A_635 = tpu.vector_load_idx %arg5[%parallel_loop3A_634] : memref<100000xf32, #tpu.memory_space<vmem>>[vector<16xi32>], vector<16xf32>,
      %parallel_loop3A_636 = arith.index_cast %parallel_loop3A_630 : i32 to index
      %parallel_loop3A_637 = tpu.vector_load %arg8[%parallel_loop3A_636] {strides = array<i32>} : memref<4096xf32, #tpu.memory_space<vmem>>, vector<16xf32>,
      tpu.vector_store %arg8[%parallel_loop3A_636], %parallel_loop3A_635 {strides = array<i32>} : memref<4096xf32, #tpu.memory_space<vmem>>, vector<16xf32>,
    } {sc.loop_unroll_factor = 8 : i64, sc.parallel_access}
    %mul3A_541 = arith.constant 64 : i32
    %mul3A_542 = arith.muli %select_n3A, %mul3A_541 : i32
    %mul3A_543 = arith.constant 8 : i32
    %mul3A_544 = arith.muli %select_n3A_30, %mul3A_543 : i32
    %add3A_545 = arith.addi %mul3A_542, %mul3A_544 : i32
    %add3A_546 = arith.constant 7 : i32
    %add3A_547 = arith.addi %add3A_545, %add3A_546 : i32
    %dma_start3A_548 = arith.constant 0 : i32
    %dma_start3A_549 = tpu.memref_slice %arg2[%add3A_547, %dma_start3A_548] : memref<256x100000xf32, #tpu.memory_space<hbm>> -> memref<1x100000xf32, #tpu.memory_space<hbm>>
    %dma_start3A_550 = tpu.memref_squeeze %dma_start3A_549 : memref<1x100000xf32, #tpu.memory_space<hbm>> -> memref<100000xf32, #tpu.memory_space<hbm>>
    %dma_start3A_551 = arith.constant 0 : i32
    %dma_start3A_552 = tpu.memref_slice %arg2[%add3A_547, %dma_start3A_551] : memref<256x100000xf32, #tpu.memory_space<hbm>> -> memref<1x100000xf32, #tpu.memory_space<hbm>>
    %dma_start3A_553 = tpu.memref_squeeze %dma_start3A_552 : memref<1x100000xf32, #tpu.memory_space<hbm>> -> memref<100000xf32, #tpu.memory_space<hbm>>
    tpu.enqueue_dma source(%dma_start3A_553 : memref<100000xf32, #tpu.memory_space<hbm>>) target(%arg5 : memref<100000xf32, #tpu.memory_space<vmem>>) target_semaphore(%arg9 : memref<!tpu.dma_semaphore, #tpu.memory_space<semaphore_mem>>)
    %add3A_554 = arith.constant 12288 : i32
    %add3A_555 = arith.addi %mul3A_32, %add3A_554 : i32
    %dma_start3A_556 = tpu.memref_slice %arg4[%add3A_488, %add3A_555] : memref<64x65536xf32, #tpu.memory_space<hbm>> -> memref<1x4096xf32, #tpu.memory_space<hbm>>
    %dma_start3A_557 = tpu.memref_squeeze %dma_start3A_556 : memref<1x4096xf32, #tpu.memory_space<hbm>> -> memref<4096xf32, #tpu.memory_space<hbm>>
    %dma_start3A_558 = tpu.memref_slice %arg4[%add3A_488, %add3A_555] : memref<64x65536xf32, #tpu.memory_space<hbm>> -> memref<1x4096xf32, #tpu.memory_space<hbm>>
    %dma_start3A_559 = tpu.memref_squeeze %dma_start3A_558 : memref<1x4096xf32, #tpu.memory_space<hbm>> -> memref<4096xf32, #tpu.memory_space<hbm>>
    tpu.enqueue_dma source(%arg8 : memref<4096xf32, #tpu.memory_space<vmem>>) target(%dma_start3A_559 : memref<4096xf32, #tpu.memory_space<hbm>>) target_semaphore(%arg11 : memref<!tpu.dma_semaphore, #tpu.memory_space<semaphore_mem>>)
    %mul3A_560 = arith.constant 8 : i32
    %mul3A_561 = arith.muli %select_n3A_30, %mul3A_560 : i32
    %add3A_562 = arith.constant 7 : i32
    %add3A_563 = arith.addi %mul3A_561, %add3A_562 : i32
    %dma_wait3A_564 = arith.constant 0 : i32
    %dma_wait3A_565 = tpu.memref_slice %arg2[%add3A_547, %dma_wait3A_564] : memref<256x100000xf32, #tpu.memory_space<hbm>> -> memref<1x100000xf32, #tpu.memory_space<hbm>>
    %dma_wait3A_566 = tpu.memref_squeeze %dma_wait3A_565 : memref<1x100000xf32, #tpu.memory_space<hbm>> -> memref<100000xf32, #tpu.memory_space<hbm>>
    %dma_wait3A_567 = arith.constant 0 : i32
    %dma_wait3A_568 = tpu.memref_slice %arg2[%add3A_547, %dma_wait3A_567] : memref<256x100000xf32, #tpu.memory_space<hbm>> -> memref<1x100000xf32, #tpu.memory_space<hbm>>
    %dma_wait3A_569 = tpu.memref_squeeze %dma_wait3A_568 : memref<1x100000xf32, #tpu.memory_space<hbm>> -> memref<100000xf32, #tpu.memory_space<hbm>>
    tpu.wait_dma2 semaphore(%arg9 : memref<!tpu.dma_semaphore, #tpu.memory_space<semaphore_mem>>) src(%dma_wait3A_569 : memref<100000xf32, #tpu.memory_space<hbm>>) dst(%arg5 : memref<100000xf32, #tpu.memory_space<vmem>>)
    %dma_wait3A_570 = tpu.memref_slice %arg4[%add3A_488, %add3A_529] : memref<64x65536xf32, #tpu.memory_space<hbm>> -> memref<1x4096xf32, #tpu.memory_space<hbm>>
    %dma_wait3A_571 = tpu.memref_squeeze %dma_wait3A_570 : memref<1x4096xf32, #tpu.memory_space<hbm>> -> memref<4096xf32, #tpu.memory_space<hbm>>
    %dma_wait3A_572 = tpu.memref_slice %arg4[%add3A_488, %add3A_529] : memref<64x65536xf32, #tpu.memory_space<hbm>> -> memref<1x4096xf32, #tpu.memory_space<hbm>>
    %dma_wait3A_573 = tpu.memref_squeeze %dma_wait3A_572 : memref<1x4096xf32, #tpu.memory_space<hbm>> -> memref<4096xf32, #tpu.memory_space<hbm>>
    tpu.wait_dma2 semaphore(%arg10 : memref<!tpu.dma_semaphore, #tpu.memory_space<semaphore_mem>>) src(%arg7 : memref<4096xf32, #tpu.memory_space<vmem>>) dst(%dma_wait3A_573 : memref<4096xf32, #tpu.memory_space<hbm>>)
    %parallel_loop3A_574 = arith.constant 0 : i32
    %parallel_loop3A_575 = arith.constant 4096 : i32
    %parallel_loop3A_576 = arith.constant 16 : i32
    scf.for %parallel_loop3A_630 = %parallel_loop3A_574 to %parallel_loop3A_575 step %parallel_loop3A_576  : i32 {
      %parallel_loop3A_631 = arith.constant 0 : i32
      %parallel_loop3A_632 = arith.addi %parallel_loop3A_631, %parallel_loop3A_630 : i32
      %parallel_loop3A_633 = arith.index_cast %parallel_loop3A_632 : i32 to index
      %parallel_loop3A_634 = tpu.vector_load %arg6[%parallel_loop3A_633] {strides = array<i32>} : memref<16384xi32, #tpu.memory_space<vmem>>, vector<16xi32>,
      %parallel_loop3A_635 = tpu.vector_load_idx %arg5[%parallel_loop3A_634] : memref<100000xf32, #tpu.memory_space<vmem>>[vector<16xi32>], vector<16xf32>,
      %parallel_loop3A_636 = arith.index_cast %parallel_loop3A_630 : i32 to index
      %parallel_loop3A_637 = tpu.vector_load %arg7[%parallel_loop3A_636] {strides = array<i32>} : memref<4096xf32, #tpu.memory_space<vmem>>, vector<16xf32>,
      tpu.vector_store %arg7[%parallel_loop3A_636], %parallel_loop3A_635 {strides = array<i32>} : memref<4096xf32, #tpu.memory_space<vmem>>, vector<16xf32>,
    } {sc.loop_unroll_factor = 8 : i64, sc.parallel_access}
    %add3A_577 = arith.constant 0 : i32
    %add3A_578 = arith.addi %mul3A_32, %add3A_577 : i32
    %dma_start3A_579 = tpu.memref_slice %arg4[%add3A_563, %add3A_578] : memref<64x65536xf32, #tpu.memory_space<hbm>> -> memref<1x4096xf32, #tpu.memory_space<hbm>>
    %dma_start3A_580 = tpu.memref_squeeze %dma_start3A_579 : memref<1x4096xf32, #tpu.memory_space<hbm>> -> memref<4096xf32, #tpu.memory_space<hbm>>
    %dma_start3A_581 = tpu.memref_slice %arg4[%add3A_563, %add3A_578] : memref<64x65536xf32, #tpu.memory_space<hbm>> -> memref<1x4096xf32, #tpu.memory_space<hbm>>
    %dma_start3A_582 = tpu.memref_squeeze %dma_start3A_581 : memref<1x4096xf32, #tpu.memory_space<hbm>> -> memref<4096xf32, #tpu.memory_space<hbm>>
    tpu.enqueue_dma source(%arg7 : memref<4096xf32, #tpu.memory_space<vmem>>) target(%dma_start3A_582 : memref<4096xf32, #tpu.memory_space<hbm>>) target_semaphore(%arg10 : memref<!tpu.dma_semaphore, #tpu.memory_space<semaphore_mem>>)
    %dma_wait3A_583 = tpu.memref_slice %arg4[%add3A_488, %add3A_555] : memref<64x65536xf32, #tpu.memory_space<hbm>> -> memref<1x4096xf32, #tpu.memory_space<hbm>>
    %dma_wait3A_584 = tpu.memref_squeeze %dma_wait3A_583 : memref<1x4096xf32, #tpu.memory_space<hbm>> -> memref<4096xf32, #tpu.memory_space<hbm>>
    %dma_wait3A_585 = tpu.memref_slice %arg4[%add3A_488, %add3A_555] : memref<64x65536xf32, #tpu.memory_space<hbm>> -> memref<1x4096xf32, #tpu.memory_space<hbm>>
    %dma_wait3A_586 = tpu.memref_squeeze %dma_wait3A_585 : memref<1x4096xf32, #tpu.memory_space<hbm>> -> memref<4096xf32, #tpu.memory_space<hbm>>
    tpu.wait_dma2 semaphore(%arg11 : memref<!tpu.dma_semaphore, #tpu.memory_space<semaphore_mem>>) src(%arg8 : memref<4096xf32, #tpu.memory_space<vmem>>) dst(%dma_wait3A_586 : memref<4096xf32, #tpu.memory_space<hbm>>)
    %parallel_loop3A_587 = arith.constant 0 : i32
    %parallel_loop3A_588 = arith.constant 4096 : i32
    %parallel_loop3A_589 = arith.constant 16 : i32
    scf.for %parallel_loop3A_630 = %parallel_loop3A_587 to %parallel_loop3A_588 step %parallel_loop3A_589  : i32 {
      %parallel_loop3A_631 = arith.constant 4096 : i32
      %parallel_loop3A_632 = arith.addi %parallel_loop3A_631, %parallel_loop3A_630 : i32
      %parallel_loop3A_633 = arith.index_cast %parallel_loop3A_632 : i32 to index
      %parallel_loop3A_634 = tpu.vector_load %arg6[%parallel_loop3A_633] {strides = array<i32>} : memref<16384xi32, #tpu.memory_space<vmem>>, vector<16xi32>,
      %parallel_loop3A_635 = tpu.vector_load_idx %arg5[%parallel_loop3A_634] : memref<100000xf32, #tpu.memory_space<vmem>>[vector<16xi32>], vector<16xf32>,
      %parallel_loop3A_636 = arith.index_cast %parallel_loop3A_630 : i32 to index
      %parallel_loop3A_637 = tpu.vector_load %arg8[%parallel_loop3A_636] {strides = array<i32>} : memref<4096xf32, #tpu.memory_space<vmem>>, vector<16xf32>,
      tpu.vector_store %arg8[%parallel_loop3A_636], %parallel_loop3A_635 {strides = array<i32>} : memref<4096xf32, #tpu.memory_space<vmem>>, vector<16xf32>,
    } {sc.loop_unroll_factor = 8 : i64, sc.parallel_access}
    %add3A_590 = arith.constant 4096 : i32
    %add3A_591 = arith.addi %mul3A_32, %add3A_590 : i32
    %dma_start3A_592 = tpu.memref_slice %arg4[%add3A_563, %add3A_591] : memref<64x65536xf32, #tpu.memory_space<hbm>> -> memref<1x4096xf32, #tpu.memory_space<hbm>>
    %dma_start3A_593 = tpu.memref_squeeze %dma_start3A_592 : memref<1x4096xf32, #tpu.memory_space<hbm>> -> memref<4096xf32, #tpu.memory_space<hbm>>
    %dma_start3A_594 = tpu.memref_slice %arg4[%add3A_563, %add3A_591] : memref<64x65536xf32, #tpu.memory_space<hbm>> -> memref<1x4096xf32, #tpu.memory_space<hbm>>
    %dma_start3A_595 = tpu.memref_squeeze %dma_start3A_594 : memref<1x4096xf32, #tpu.memory_space<hbm>> -> memref<4096xf32, #tpu.memory_space<hbm>>
    tpu.enqueue_dma source(%arg8 : memref<4096xf32, #tpu.memory_space<vmem>>) target(%dma_start3A_595 : memref<4096xf32, #tpu.memory_space<hbm>>) target_semaphore(%arg11 : memref<!tpu.dma_semaphore, #tpu.memory_space<semaphore_mem>>)
    %dma_wait3A_596 = tpu.memref_slice %arg4[%add3A_563, %add3A_578] : memref<64x65536xf32, #tpu.memory_space<hbm>> -> memref<1x4096xf32, #tpu.memory_space<hbm>>
    %dma_wait3A_597 = tpu.memref_squeeze %dma_wait3A_596 : memref<1x4096xf32, #tpu.memory_space<hbm>> -> memref<4096xf32, #tpu.memory_space<hbm>>
    %dma_wait3A_598 = tpu.memref_slice %arg4[%add3A_563, %add3A_578] : memref<64x65536xf32, #tpu.memory_space<hbm>> -> memref<1x4096xf32, #tpu.memory_space<hbm>>
    %dma_wait3A_599 = tpu.memref_squeeze %dma_wait3A_598 : memref<1x4096xf32, #tpu.memory_space<hbm>> -> memref<4096xf32, #tpu.memory_space<hbm>>
    tpu.wait_dma2 semaphore(%arg10 : memref<!tpu.dma_semaphore, #tpu.memory_space<semaphore_mem>>) src(%arg7 : memref<4096xf32, #tpu.memory_space<vmem>>) dst(%dma_wait3A_599 : memref<4096xf32, #tpu.memory_space<hbm>>)
    %parallel_loop3A_600 = arith.constant 0 : i32
    %parallel_loop3A_601 = arith.constant 4096 : i32
    %parallel_loop3A_602 = arith.constant 16 : i32
    scf.for %parallel_loop3A_630 = %parallel_loop3A_600 to %parallel_loop3A_601 step %parallel_loop3A_602  : i32 {
      %parallel_loop3A_631 = arith.constant 8192 : i32
      %parallel_loop3A_632 = arith.addi %parallel_loop3A_631, %parallel_loop3A_630 : i32
      %parallel_loop3A_633 = arith.index_cast %parallel_loop3A_632 : i32 to index
      %parallel_loop3A_634 = tpu.vector_load %arg6[%parallel_loop3A_633] {strides = array<i32>} : memref<16384xi32, #tpu.memory_space<vmem>>, vector<16xi32>,
      %parallel_loop3A_635 = tpu.vector_load_idx %arg5[%parallel_loop3A_634] : memref<100000xf32, #tpu.memory_space<vmem>>[vector<16xi32>], vector<16xf32>,
      %parallel_loop3A_636 = arith.index_cast %parallel_loop3A_630 : i32 to index
      %parallel_loop3A_637 = tpu.vector_load %arg7[%parallel_loop3A_636] {strides = array<i32>} : memref<4096xf32, #tpu.memory_space<vmem>>, vector<16xf32>,
      tpu.vector_store %arg7[%parallel_loop3A_636], %parallel_loop3A_635 {strides = array<i32>} : memref<4096xf32, #tpu.memory_space<vmem>>, vector<16xf32>,
    } {sc.loop_unroll_factor = 8 : i64, sc.parallel_access}
    %add3A_603 = arith.constant 8192 : i32
    %add3A_604 = arith.addi %mul3A_32, %add3A_603 : i32
    %dma_start3A_605 = tpu.memref_slice %arg4[%add3A_563, %add3A_604] : memref<64x65536xf32, #tpu.memory_space<hbm>> -> memref<1x4096xf32, #tpu.memory_space<hbm>>
    %dma_start3A_606 = tpu.memref_squeeze %dma_start3A_605 : memref<1x4096xf32, #tpu.memory_space<hbm>> -> memref<4096xf32, #tpu.memory_space<hbm>>
    %dma_start3A_607 = tpu.memref_slice %arg4[%add3A_563, %add3A_604] : memref<64x65536xf32, #tpu.memory_space<hbm>> -> memref<1x4096xf32, #tpu.memory_space<hbm>>
    %dma_start3A_608 = tpu.memref_squeeze %dma_start3A_607 : memref<1x4096xf32, #tpu.memory_space<hbm>> -> memref<4096xf32, #tpu.memory_space<hbm>>
    tpu.enqueue_dma source(%arg7 : memref<4096xf32, #tpu.memory_space<vmem>>) target(%dma_start3A_608 : memref<4096xf32, #tpu.memory_space<hbm>>) target_semaphore(%arg10 : memref<!tpu.dma_semaphore, #tpu.memory_space<semaphore_mem>>)
    %dma_wait3A_609 = tpu.memref_slice %arg4[%add3A_563, %add3A_591] : memref<64x65536xf32, #tpu.memory_space<hbm>> -> memref<1x4096xf32, #tpu.memory_space<hbm>>
    %dma_wait3A_610 = tpu.memref_squeeze %dma_wait3A_609 : memref<1x4096xf32, #tpu.memory_space<hbm>> -> memref<4096xf32, #tpu.memory_space<hbm>>
    %dma_wait3A_611 = tpu.memref_slice %arg4[%add3A_563, %add3A_591] : memref<64x65536xf32, #tpu.memory_space<hbm>> -> memref<1x4096xf32, #tpu.memory_space<hbm>>
    %dma_wait3A_612 = tpu.memref_squeeze %dma_wait3A_611 : memref<1x4096xf32, #tpu.memory_space<hbm>> -> memref<4096xf32, #tpu.memory_space<hbm>>
    tpu.wait_dma2 semaphore(%arg11 : memref<!tpu.dma_semaphore, #tpu.memory_space<semaphore_mem>>) src(%arg8 : memref<4096xf32, #tpu.memory_space<vmem>>) dst(%dma_wait3A_612 : memref<4096xf32, #tpu.memory_space<hbm>>)
    %parallel_loop3A_613 = arith.constant 0 : i32
    %parallel_loop3A_614 = arith.constant 4096 : i32
    %parallel_loop3A_615 = arith.constant 16 : i32
    scf.for %parallel_loop3A_630 = %parallel_loop3A_613 to %parallel_loop3A_614 step %parallel_loop3A_615  : i32 {
      %parallel_loop3A_631 = arith.constant 12288 : i32
      %parallel_loop3A_632 = arith.addi %parallel_loop3A_631, %parallel_loop3A_630 : i32
      %parallel_loop3A_633 = arith.index_cast %parallel_loop3A_632 : i32 to index
      %parallel_loop3A_634 = tpu.vector_load %arg6[%parallel_loop3A_633] {strides = array<i32>} : memref<16384xi32, #tpu.memory_space<vmem>>, vector<16xi32>,
      %parallel_loop3A_635 = tpu.vector_load_idx %arg5[%parallel_loop3A_634] : memref<100000xf32, #tpu.memory_space<vmem>>[vector<16xi32>], vector<16xf32>,
      %parallel_loop3A_636 = arith.index_cast %parallel_loop3A_630 : i32 to index
      %parallel_loop3A_637 = tpu.vector_load %arg8[%parallel_loop3A_636] {strides = array<i32>} : memref<4096xf32, #tpu.memory_space<vmem>>, vector<16xf32>,
      tpu.vector_store %arg8[%parallel_loop3A_636], %parallel_loop3A_635 {strides = array<i32>} : memref<4096xf32, #tpu.memory_space<vmem>>, vector<16xf32>,
    } {sc.loop_unroll_factor = 8 : i64, sc.parallel_access}
    %add3A_616 = arith.constant 12288 : i32
    %add3A_617 = arith.addi %mul3A_32, %add3A_616 : i32
    %dma_start3A_618 = tpu.memref_slice %arg4[%add3A_563, %add3A_617] : memref<64x65536xf32, #tpu.memory_space<hbm>> -> memref<1x4096xf32, #tpu.memory_space<hbm>>
    %dma_start3A_619 = tpu.memref_squeeze %dma_start3A_618 : memref<1x4096xf32, #tpu.memory_space<hbm>> -> memref<4096xf32, #tpu.memory_space<hbm>>
    %dma_start3A_620 = tpu.memref_slice %arg4[%add3A_563, %add3A_617] : memref<64x65536xf32, #tpu.memory_space<hbm>> -> memref<1x4096xf32, #tpu.memory_space<hbm>>
    %dma_start3A_621 = tpu.memref_squeeze %dma_start3A_620 : memref<1x4096xf32, #tpu.memory_space<hbm>> -> memref<4096xf32, #tpu.memory_space<hbm>>
    tpu.enqueue_dma source(%arg8 : memref<4096xf32, #tpu.memory_space<vmem>>) target(%dma_start3A_621 : memref<4096xf32, #tpu.memory_space<hbm>>) target_semaphore(%arg11 : memref<!tpu.dma_semaphore, #tpu.memory_space<semaphore_mem>>)
    %dma_wait3A_622 = tpu.memref_slice %arg4[%add3A_563, %add3A_604] : memref<64x65536xf32, #tpu.memory_space<hbm>> -> memref<1x4096xf32, #tpu.memory_space<hbm>>
    %dma_wait3A_623 = tpu.memref_squeeze %dma_wait3A_622 : memref<1x4096xf32, #tpu.memory_space<hbm>> -> memref<4096xf32, #tpu.memory_space<hbm>>
    %dma_wait3A_624 = tpu.memref_slice %arg4[%add3A_563, %add3A_604] : memref<64x65536xf32, #tpu.memory_space<hbm>> -> memref<1x4096xf32, #tpu.memory_space<hbm>>
    %dma_wait3A_625 = tpu.memref_squeeze %dma_wait3A_624 : memref<1x4096xf32, #tpu.memory_space<hbm>> -> memref<4096xf32, #tpu.memory_space<hbm>>
    tpu.wait_dma2 semaphore(%arg10 : memref<!tpu.dma_semaphore, #tpu.memory_space<semaphore_mem>>) src(%arg7 : memref<4096xf32, #tpu.memory_space<vmem>>) dst(%dma_wait3A_625 : memref<4096xf32, #tpu.memory_space<hbm>>)
    %dma_wait3A_626 = tpu.memref_slice %arg4[%add3A_563, %add3A_617] : memref<64x65536xf32, #tpu.memory_space<hbm>> -> memref<1x4096xf32, #tpu.memory_space<hbm>>
    %dma_wait3A_627 = tpu.memref_squeeze %dma_wait3A_626 : memref<1x4096xf32, #tpu.memory_space<hbm>> -> memref<4096xf32, #tpu.memory_space<hbm>>
    %dma_wait3A_628 = tpu.memref_slice %arg4[%add3A_563, %add3A_617] : memref<64x65536xf32, #tpu.memory_space<hbm>> -> memref<1x4096xf32, #tpu.memory_space<hbm>>
    %dma_wait3A_629 = tpu.memref_squeeze %dma_wait3A_628 : memref<1x4096xf32, #tpu.memory_space<hbm>> -> memref<4096xf32, #tpu.memory_space<hbm>>
    tpu.wait_dma2 semaphore(%arg11 : memref<!tpu.dma_semaphore, #tpu.memory_space<semaphore_mem>>) src(%arg8 : memref<4096xf32, #tpu.memory_space<vmem>>) dst(%dma_wait3A_629 : memref<4096xf32, #tpu.memory_space<hbm>>)
    return
  }
}

</mosaic_0001>

<sc_bundles>
// kernel: kernel.3.cloned.1.call-start
scs
__scs_entry_jumppad:
0x0: {  	(pc) =	sbr.rel $0x88, $3  }
0x1: {  	(tag) =	ssettag $0x0;
	lr =	simm.s32 $0x1  }
0x2: {  	[smem:$0x3F9F] =	sst lr;
	_ =	strace $0xD0000000  }
0x3: {  	_ = 	snop  }
0x4: {  	_ = 	snop  }
0x5: {  	_ = 	snop  }
0x6: {  	_ = 	snop  }
0x7: {  	_ = 	snop  }
__scs_overlays_trampoline_lowered:
0x8: {  	[smem:$0x3FAE] =	sst s0  }
0x9: {  	[smem:$0x3FAF] =	sst s1  }
0xa: {  	[smem:$0x3FB0] =	sst s2  }
0xb: {  	[smem:$0x3FB1] =	sst s3  }
0xc: {  	[smem:$0x3FB2] =	sst s4  }
0xd: {  	[smem:$0x3FB3] =	sst s5  }
0xe: {  	[smem:$0x3FB4] =	sst s6  }
0xf: {  	[smem:$0x3FB5] =	sst s7  }
0x10: {  	[smem:$0x3FB6] =	sst s8  }
0x11: {  	[smem:$0x3FB7] =	sst s9;
	s0 =	simm.s32 @!p0 $0x0  }
0x12: {  	s1 =	sld [smem:$0x3F9D];
	s0 =	simm.s32 @p0 $0x1  }
0x13: {  	[smem:$0x3FB8] =	sst s0;
	s0 =	simm.s32 @!p1 $0x0  }
0x14: {  	s2 =	sld [smem:$0x3F9C];
	s0 =	simm.s32 @p1 $0x1  }
0x15: {  	[smem:$0x3FB9] =	sst s0;
	s0 =	simm.s32 @!p2 $0x0  }
0x16: {  	s3 =	sld [smem:$0x3FDB];
	s0 =	simm.s32 @p2 $0x1  }
0x17: {  	s4 =	simm.s32 $0x1BF5;
	[smem:$0x3FBB] =	sst s0  }
0x18: {  	s0 =	sld [smem:$0x3F9E];
	_ =	swait.ge [sflag:s4], $0x0  }
0x19: {  	s7 =	sld [smem:$0x3F9F]  }
0x1a: {  	s8 =	sadd.s32 $0xFFFFE003, lr  }
0x1b: {  	s9 =	sadd.s32 $0xFFFFFEF7, lr;
	s5 =	simm.s32 $0xFFFFFFFF;
	p2 =	slt.u32 s8, $0xFFFFF086  }
0x1c: {  	p1 =	slt.u32 s9, $0xF7A;
	s5 =	simm.s32 @!p2 $0x0  }
0x1d: {  	s5 =	simm.s32 @p1 $0x1;
	p0 =	seq.s32 s7, s2  }
0x1e: {  	s7 =	smul.u32 @!p0 $0xF7A, s2;
	p2 =	seq.s32 @!p0 s5, $0x0  }
0x1f: {  	s9 =	smul.u32 $0xF7A, s1;
	s8 =	simm.s32 @!p0 $0x1BF5;
	p2 =	por !p2, p0  }
0x20: {  	[sflag:s8] =	ssyncset.s32 @!p0 $0xFFFFF086;
	s6 =	sadd.s32 @!p0 s3, s7;
	s7 =	simm.s32 @!p0 $0x108  }
0x21: {  	s3 =	sadd.s32 s3, s9;
	s6 =	sadd.s32 @!p0 $0x88, s6;
	s7 =	simm.s32 @p2 $0x1082  }
0x22: {  	[simem:s7], [sflag:s8] =	dma.local @!p0 [hbm:s6], $0xF7A  }
0x23: {  	s9 =	sor.u32 $0xD0000000, s2;
	s6 =	simm.s32 $0x108;
	_ =	swait.ge @!p0 [sflag:s8], $0x0  }
0x24: {  	s3 =	sadd.s32 $0x88, s3;
	s6 =	simm.s32 @!p1 $0x1082;
	[sflag:s4] =	ssyncset.s32 $0xFFFFF086  }
0x25: {  	[simem:s6], [sflag:s4] =	dma.local [hbm:s3], $0xF7A  }
0x26: {  	[smem:$0x3F9F] =	sst s1;
	(tag) =	ssettag s2;
	_ =	strace s9  }
0x27: {  	s1 =	sld [smem:$0x3FAF]  }
0x28: {  	s2 =	sld [smem:$0x3FB0]  }
0x29: {  	s4 =	sld [smem:$0x3FB2]  }
0x2a: {  	p0 =	seq.s32 s5, $0x0;
	s5 =	sld [smem:$0x3FB3]  }
0x2b: {  	s6 =	sld [smem:$0x3FB4]  }
0x2c: {  	s7 =	sld [smem:$0x3FB5]  }
0x2d: {  	s3 =	simm.s32 $0x108;
	s8 =	sld [smem:$0x3FB6]  }
0x2e: {  	s3 =	simm.s32 @!p0 $0x1082;
	s9 =	sld [smem:$0x3FB7]  }
0x2f: {  	lr =	sadd.s32 s0, s3;
	s0 =	sld [smem:$0x3FAE]  }
0x30: {  	s3 =	sld [smem:$0x3FB1]  }
0x31: {  	[smem:$0x3FBA] =	sst s10  }
0x32: {  	s10 =	sld [smem:$0x3FB8];
	_ =	sdelay $0x3  }
0x33: {  	p0 =	seq.s32 s10, $0x1;
	s10 =	sld [smem:$0x3FBA];
	_ =	sdelay $0x3  }
0x34: {  	[smem:$0x3FBA] =	sst s10  }
0x35: {  	s10 =	sld [smem:$0x3FB9];
	_ =	sdelay $0x3  }
0x36: {  	p1 =	seq.s32 s10, $0x1;
	s10 =	sld [smem:$0x3FBA];
	_ =	sdelay $0x3  }
0x37: {  	[smem:$0x3FBA] =	sst s10  }
0x38: {  	s10 =	sld [smem:$0x3FBB]  }
0x39: {  	_ = 	snop;
	(pc) =	sbr.ind lr, $3  }
0x3a: {  	_ = 	snop  }
0x3b: {  	_ = 	snop  }
0x3c: {  	p2 =	seq.s32 s10, $0x1;
	s10 =	sld [smem:$0x3FBA]  }
0x3d: {  	_ =	shalt  }
0x3e: {  	_ =	shalt  }
0x3f: {  	_ =	shalt  }
0x40: {  	_ =	shalt  }
0x41: {  	_ =	shalt  }
0x42: {  	_ =	shalt  }
0x43: {  	_ =	shalt  }
0x44: {  	_ =	shalt  }
0x45: {  	_ =	shalt  }
0x46: {  	_ =	shalt  }
0x47: {  	_ =	shalt  }
0x48: {  	_ =	shalt  }
0x49: {  	_ =	shalt  }
0x4a: {  	_ =	shalt  }
0x4b: {  	_ =	shalt  }
0x4c: {  	_ =	shalt  }
0x4d: {  	_ =	shalt  }
0x4e: {  	_ =	shalt  }
0x4f: {  	_ =	shalt  }
0x50: {  	_ =	shalt  }
0x51: {  	_ =	shalt  }
0x52: {  	_ =	shalt  }
0x53: {  	_ =	shalt  }
0x54: {  	_ =	shalt  }
0x55: {  	_ =	shalt  }
0x56: {  	_ =	shalt  }
0x57: {  	_ =	shalt  }
0x58: {  	_ =	shalt  }
0x59: {  	_ =	shalt  }
0x5a: {  	_ =	shalt  }
0x5b: {  	_ =	shalt  }
0x5c: {  	_ =	shalt  }
0x5d: {  	_ =	shalt  }
0x5e: {  	_ =	shalt  }
0x5f: {  	_ =	shalt  }
0x60: {  	_ =	shalt  }
0x61: {  	_ =	shalt  }
0x62: {  	_ =	shalt  }
0x63: {  	_ =	shalt  }
0x64: {  	_ =	shalt  }
0x65: {  	_ =	shalt  }
0x66: {  	_ =	shalt  }
0x67: {  	_ =	shalt  }
0x68: {  	_ =	shalt  }
0x69: {  	_ =	shalt  }
0x6a: {  	_ =	shalt  }
0x6b: {  	_ =	shalt  }
0x6c: {  	_ =	shalt  }
0x6d: {  	_ =	shalt  }
0x6e: {  	_ =	shalt  }
0x6f: {  	_ =	shalt  }
0x70: {  	_ =	shalt  }
0x71: {  	_ =	shalt  }
0x72: {  	_ =	shalt  }
0x73: {  	_ =	shalt  }
0x74: {  	_ =	shalt  }
0x75: {  	_ =	shalt  }
0x76: {  	_ =	shalt  }
0x77: {  	_ =	shalt  }
0x78: {  	_ =	shalt  }
0x79: {  	_ =	shalt  }
0x7a: {  	_ =	shalt  }
0x7b: {  	_ =	shalt  }
0x7c: {  	_ =	shalt  }
0x7d: {  	_ =	shalt  }
0x7e: {  	_ =	shalt  }
0x7f: {  	_ =	shalt  }
0x80: {  	_ =	shalt  }
0x81: {  	_ =	shalt  }
0x82: {  	_ =	shalt  }
0x83: {  	_ =	shalt  }
0x84: {  	_ =	shalt  }
0x85: {  	_ =	shalt  }
0x86: {  	_ =	shalt  }
0x87: {  	_ =	shalt  }
.Lfunc_end0:
.L_simem_size_0:
called_computation_lowered:
.L_overlay_start_0:
0x88: {  	s2 =	sld [smem:$0x3FD9]  }
0x89: {  	s3 =	sld [smem:$0x3FFE];
	_ =	sdelay $0x1  }
0x8a: {  	s1 =	srdreg.scid  }
0x8b: {  	s0 =	sand.u32 $0x1, s1  }
0x8c: {  	s18 =	sshll.u32 s0, $0xA;
	s2 =	sadd.s32 s3, s2  }
0x8d: {  	s2 =	sadd.s32 s2, s18  }
0x8e: {  	[smem:$0x3FC6] =	sst s2  }
0x8f: {  	_ = 	snop  }
0x90: {  	s2 =	sld [smem:$0x3FC9]  }
0x91: {  	s19 =	sld [smem:$0x3FC8]  }
0x92: {  	s4 =	sld [smem:$0x3FD0];
	(tm) =	ssettm $0x1  }
0x93: {  	s5 =	sld [smem:$0x3FFB];
	_ =	sdelay $0x3  }
0x94: {  	_ =	strace s5  }
0x95: {  	s5 =	sld [smem:$0x3FFC];
	_ =	sdelay $0x3  }
0x96: {  	_ =	strace s5  }
0x97: {  	s5 =	sld [smem:$0x3FFD];
	_ =	sdelay $0x3  }
0x98: {  	_ =	strace s5  }
0x99: {  	_ =	strace $0x8FFFFFFF  }
0x9a: {  	s20 =	sld [smem:$0x3FDB];
	_ =	sdelay $0x1  }
0x9b: {  	s6 =	simm.s32 $_scs_section_size  }
0x9c: {  	s7 =	simm.s32 $_size__tile_overlayer_lowered;
	s8 =	simm.s32 $_tile_overlayer_lowered  }
0x9d: {  	s23 =	simm.s32 $0x1BFF;
	s22 =	sshll.u32 s8, $0x1;
	s5 =	sadd.s32 s6, s20  }
0x9e: {  	s9 =	simm.s32 $0x0;
	s21 =	sshll.u32 s7, $0x1;
	s7 =	sadd.s32 s22, s5  }
0x9f: {  	[timem:s9], [sflag:s23] =	dma.local [hbm:s7], s21  }
0xa0: {  	_ =	swait.ge [sflag:s23], s21  }
0xa1: {  	s6 =	ssub.s32 $0x0, s21;
	[sflag:s23] =	ssyncset.done $0x0  }
0xa2: {  	[sflag:s23] =	ssyncadd.s32 s6;
	_ =	sdelay $0x1  }
0xa3: {  	s24 =	simm.s32 $0x1B8B  }
0xa4: {  	_ =	swait.ge [sflag:s24], $0x1  }
0xa5: {  	[sflag:s24] =	ssyncset.done $0x0  }
0xa6: {  	s25 =	simm.s32 $0x1B8E;
	[sflag:s24] =	ssyncadd.s32 $0xFFFFFFFF  }
0xa7: {  	s26 =	simm.s32 $execute0_lowered;
	[smem:$0x3FD2] =	sst s25  }
0xa8: {  	s6 =	sshll.u32 s26, $0x1;
	_ =	strace $0x80000046;
	[dreg:$0x1] =	wrdreg $0xFFFFFFFF  }
0xa9: {  	s28 =	simm.s32 $_size_execute0_lowered;
	s5 =	sadd.s32 s5, s6;
	[dreg:$0x0] =	wrdreg $0x0  }
0xaa: {  	s6 =	sshll.u32 s28, $0x1;
	[dreg:$0x2] =	wrdreg s5  }
0xab: {  	[dreg:$0x3] =	wrdreg s6  }
0xac: {  	[dreg:$0x4] =	wrdreg $0xC0  }
0xad: {  	_ =	task [dreg:s9], $0x5FFFF  }
0xae: {  	[dreg:$0x1] =	wrdreg $0xFFFFFFFF  }
0xaf: {  	[dreg:$0x0] =	wrdreg $0x60  }
0xb0: {  	[dreg:$0x2] =	wrdreg s19  }
0xb1: {  	[dreg:$0x3] =	wrdreg s2  }
0xb2: {  	[dreg:$0x4] =	wrdreg s4  }
0xb3: {  	[dreg:$0x5] =	wrdreg $0x9  }
0xb4: {  	_ =	task.clear_ibuf [dreg:s9], $0x6FFFF;
	_ =	strace $0x90000046  }
0xb5: {  	s29 =	simm.s32 $0x9;
	_ =	strace $0x80000048  }
0xb6: {  	_ =	swait.ge [sflag:s29], $0x1  }
0xb7: {  	[sflag:s29] =	ssyncadd.s32 $0xFFFFFFFF  }
0xb8: {  	_ =	strace $0x90000048  }
0xb9: {  	_ =	sfence  }
0xba: {  	s30 =	sld [smem:$0x0];
	_ =	sdelay $0x2  }
0xbb: {  	s31 =	sshll.u32 s1, $0xD;
	s1 =	sshrl.u32 s1, $0x2  }
0xbc: {  	s3 =	sand.u32 $0x4000, s31;
	s1 =	sadd.s32 s1, s30  }
0xbd: {  	s0 =	sor.u32 s3, s0;
	s1 =	sshll.u32 s1, $0x11  }
0xbe: {  	s0 =	sor.u32 s1, s0  }
0xbf: {  	s0 =	sadd.s32 $0x8F2B, s0  }
0xc0: {  	[sflag:s0] =	ssyncadd.remote.s32 $0x1  }
0xc1: {  	_ =	sfence.sel $0xFFFF  }
0xc2: {  	[dreg:$0x0] =	wrdreg $0xFFFFFFFF;
	(pc) =	sbr.abs _section_cstart, $3  }
0xc3: {  	[dreg:$0x1] =	wrdreg $0xFFFFFFFF  }
0xc4: {  	_ =	task.clear_ibuf [dreg:s9], $0x2FFFF;
	_ =	strace $0x9FFFFFFF  }
0xc5: {  	(tm) =	ssettm $0x7FFFFFFF  }
tec
execute0_lowered:
.L_overlay_start_1:
0x0: {  	(tag) =	ssettag $0x1  }
0x1: {  	s0 =	rddreg [dreg:$0x0];
	s5 =	stileid.u32  }
0x2: {  	s3 =	rddreg [dreg:$0x1];
	s1 =	srdreg.scid  }
0x3: {  	s6 =	rddreg [dreg:$0x2];
	s2 =	sshll.u32 s5, $0x1;
	s4 =	sand.u32 $0x1, s1  }
0x4: {  	s5 =	sshrl.u32 s5, $0x2;
	s1 =	simm.s32 $0x0;
	s20 =	sadd.s32 $0x10, s6  }
0x5: {  	s24 =	sadd.s32 $0x20, s6;
	s12 =	sadd.s32 $0x30, s6;
	s17 =	sand.u32 $0x6, s2  }
0x6: {  	s15 =	sadd.s32 $0x40, s6;
	s2 =	sor.u32 s4, s17;
	s4 =	ssub.s32 $0x2, s4  }
0x7: {  	s9 =	sshll.u32 s5, $0xE;
	s8 =	sshrl.u32 s4, $0x1;
	s18 =	sshll.u32 s2, $0x10  }
0x8: {  	s7 =	sshll.u32 s5, $0x3;
	s8 =	ssub.s32 s4, s8;
	s4 =	sor.u32 s9, s18  }
0x9: {  	[smem:$0x7FF] =	sst s1;
	s19 =	sshll.u32 s5, $0xB;
	s21 =	sadd.s32 s4, s20  }
0xa: {  	s7 =	sor.u32 s7, s2;
	s25 =	sadd.s32 s4, s24;
	[dreg:$0x5] =	wrdreg s21  }
0xb: {  	s7 =	smul.u32 $0x18700, s7;
	s13 =	sadd.s32 s4, s12;
	[dreg:$0x9] =	wrdreg s25  }
0xc: {  	s5 =	sor.u32 $0x1000, s4;
	s16 =	sadd.s32 s4, s15;
	[dreg:$0xd] =	wrdreg s13  }
0xd: {  	s2 =	sadd.s32 s0, s7;
	s0 =	sadd.s32 s3, s19;
	[dreg:$0x11] =	wrdreg s16  }
0xe: {  	s22 =	sadd.s32 s5, s20;
	[dreg:$0x4] =	wrdreg s0  }
0xf: {  	s9 =	sor.u32 $0x3000, s4;
	s26 =	sadd.s32 s5, s24;
	[dreg:$0x6] =	wrdreg s22  }
0x10: {  	s29 =	sadd.s32 s6, s4;
	s11 =	sadd.s32 s9, s24;
	[dreg:$0xa] =	wrdreg s26  }
0x11: {  	s7 =	sor.u32 $0x2000, s4;
	s14 =	sadd.s32 s5, s12;
	[dreg:$0xc] =	wrdreg s11  }
0x12: {  	s17 =	sadd.s32 s5, s15;
	s19 =	sadd.s32 $0x50, s6;
	[dreg:$0xe] =	wrdreg s14  }
0x13: {  	s3 =	sadd.s32 s9, s15;
	s31 =	sadd.s32 s6, s5;
	[dreg:$0x12] =	wrdreg s17  }
0x14: {  	s16 =	simm.s32 $0x400;
	s23 =	sadd.s32 s7, s20;
	[dreg:$0x14] =	wrdreg s3  }
0x15: {  	s0 =	sadd.s32 s9, s20;
	s10 =	sadd.s32 s7, s24;
	[dreg:$0x7] =	wrdreg s23  }
0x16: {  	s18 =	sadd.s32 s7, s15;
	s20 =	sadd.s32 s4, s19;
	[dreg:$0x8] =	wrdreg s0  }
0x17: {  	s21 =	sadd.s32 s5, s19;
	s22 =	sadd.s32 s7, s19;
	[dreg:$0xb] =	wrdreg s10  }
0x18: {  	s30 =	sadd.s32 s6, s7;
	s11 =	sadd.s32 $0x40, s2;
	[dreg:$0x13] =	wrdreg s18  }
0x19: {  	s13 =	sadd.s32 $0x60, s2;
	s14 =	sadd.s32 $0x70, s2;
	[dreg:$0x15] =	wrdreg s20  }
0x1a: {  	s15 =	simm.s32 $0x80;
	s17 =	simm.s32 $0x4;
	[dreg:$0x16] =	wrdreg s21  }
0x1b: {  	s10 =	sadd.s32 s7, s12;
	s0 =	sadd.s32 s9, s12;
	[dreg:$0x17] =	wrdreg s22  }
0x1c: {  	s23 =	sadd.s32 $0x60, s6;
	s12 =	sadd.s32 $0x50, s2;
	s18 =	simm.s32 $0x1  }
0x1d: {  	s20 =	simm.s32 $0x1D700;
	s21 =	simm.s32 $0x2;
	[dreg:$0xf] =	wrdreg s10  }
0x1e: {  	s22 =	simm.s32 $0x3;
	[dreg:$0x10] =	wrdreg s0;
	s0 =	sadd.s32 s9, s19  }
0x1f: {  	s24 =	sadd.s32 s4, s23;
	s25 =	sadd.s32 s5, s23;
	s26 =	sadd.s32 s7, s23  }
0x20: {  	s28 =	sadd.s32 s9, s23;
	s10 =	sadd.s32 $0x30, s2;
	[dreg:$0x18] =	wrdreg s0  }
0x21: {  	s19 =	simm.s32 $0x1C700;
	s23 =	simm.s32 $0x0;
	[dreg:$0x19] =	wrdreg s24  }
0x22: {  	[dreg:$0x1a] =	wrdreg s25;
	s0 =	sadd.s32 s6, s9;
	s6 =	sadd.s32 $0x70, s6  }
0x23: {  	[dreg:$0x1b] =	wrdreg s26;
	s3 =	sadd.s32 s4, s6;
	s4 =	sadd.s32 s5, s6  }
0x24: {  	s5 =	sadd.s32 s7, s6;
	s6 =	sadd.s32 s9, s6;
	_ =	strace $0x80000047  }
0x25: {  	s7 =	smax.u32 s8, $0x1;
	s8 =	sadd.s32 $0x10, s2;
	s9 =	sadd.s32 $0x20, s2  }
.LBB2_1:
0x26: {  	[tilespmem:s1], [sflag:$0x1] =	stream.strided.gather [hbm4b:s2+s15], $0x18700, s16, s15, $0x38;
	[tilespmem:$0x1E700] =	vst v63  }
0x27: {  	s24 =	rddreg [dreg:$0x4];
	s25 =	simm.s32 $0x18700  }
0x28: {  	[tilespmem:s25], [sflag:$0x4] =	stream.linear.gather [hbm4b:s24+s1], $0x4000, $0x38;
	[tilespmem:$0x1E700] =	vst v63  }
0x29: {  	_ =	swait.ge [sflag:s17], $0x4000  }
0x2a: {  	[sflag:s17] =	ssyncset.done $0x0  }
0x2b: {  	[sflag:s17] =	ssyncadd.s32 $0xFFFFC000  }
0x2c: {  	_ =	swait.ge [sflag:s18], $0x18700  }
0x2d: {  	[sflag:s18] =	ssyncset.done $0x0  }
0x2e: {  	s26 =	simm.s32 $0x18740;
	[sflag:s18] =	ssyncadd.s32 $0xFFFE7900  }
0x2f: {  	v0 =	vld [tilespmem:s26+$0x30]  }
0x30: {  	v1 =	vld [tilespmem:s26+$0xFFFFFFD0]  }
0x31: {  	v2 =	vld [tilespmem:s26+$0xFFFFFFE0]  }
0x32: {  	v3 =	vld [tilespmem:s26+$0xFFFFFFF0]  }
0x33: {  	v4 =	vld [tilespmem:s26+$0x0]  }
0x34: {  	v6 =	vld [tilespmem:s26+$0x10]  }
0x35: {  	v7 =	vld [tilespmem:s26+$0x20]  }
0x36: {  	v8 =	vld [tilespmem:s26+$0xFFFFFFC0]  }
0x37: {  	v9 =	vld.idx.msk [tilespmem:v0+s1+$0x0], $0xffff  }
0x38: {  	v10 =	vld.idx.msk [tilespmem:v1+s1+$0x0], $0xffff  }
0x39: {  	v5 =	vld.idx.msk [tilespmem:v2+s1+$0x0], $0xffff  }
0x3a: {  	v3 =	vld.idx.msk [tilespmem:v3+s1+$0x0], $0xffff  }
0x3b: {  	v0 =	vld.idx.msk [tilespmem:v4+s1+$0x0], $0xffff  }
0x3c: {  	s24 =	simm.s32 $0x1C740;
	v1 =	vld.idx.msk [tilespmem:v6+s1+$0x0], $0xffff  }
0x3d: {  	v2 =	vld.idx.msk [tilespmem:v7+s1+$0x0], $0xffff;
	[tilespmem:s24+$0x30] =	vst v9  }
0x3e: {  	s25 =	simm.s32 $0x0;
	s26 =	simm.s32 $0x187C0;
	v4 =	vld.idx.msk [tilespmem:v8+s1+$0x0], $0xffff;
	[tilespmem:s24+$0xFFFFFFD0] =	vst v10  }
.LBB2_2:
0x3f: {  	v6 =	vld [tilespmem:s26+$0x30];
	s25 =	sadd.s32 $0x80, s25;
	[tilespmem:s24+$0xFFFFFFE0] =	vst v5  }
0x40: {  	v5 =	vld [tilespmem:s26+$0xFFFFFFD0];
	p0 =	slt.u32 s25, $0xF80;
	[tilespmem:s24+$0xFFFFFFF0] =	vst v3  }
0x41: {  	v3 =	vld [tilespmem:s26+$0xFFFFFFE0];
	[tilespmem:s24+$0x0] =	vst v0  }
0x42: {  	v0 =	vld [tilespmem:s26+$0xFFFFFFF0];
	[tilespmem:s24+$0x10] =	vst v1  }
0x43: {  	v1 =	vld [tilespmem:s26+$0x0];
	[tilespmem:s24+$0x20] =	vst v2  }
0x44: {  	v2 =	vld [tilespmem:s26+$0x10];
	[tilespmem:s24+$0xFFFFFFC0] =	vst v4  }
0x45: {  	v4 =	vld [tilespmem:s26+$0x20]  }
0x46: {  	v7 =	vld [tilespmem:s26+$0xFFFFFFC0]  }
0x47: {  	v6 =	vld.idx.msk [tilespmem:v6+s1+$0x0], $0xffff  }
0x48: {  	v8 =	vld.idx.msk [tilespmem:v5+s1+$0x0], $0xffff  }
0x49: {  	v5 =	vld.idx.msk [tilespmem:v3+s1+$0x0], $0xffff  }
.Ltmp0:
0x4a: {  	v3 =	vld.idx.msk [tilespmem:v0+s1+$0x0], $0xffff;
	(pc) =	sbr.rel @p0 .LBB2_2-.Ltmp0, $4  }
0x4b: {  	v0 =	vld.idx.msk [tilespmem:v1+s1+$0x0], $0xffff  }
0x4c: {  	s24 =	sadd.s32 $0x80, s24;
	v1 =	vld.idx.msk [tilespmem:v2+s1+$0x0], $0xffff  }
0x4d: {  	v2 =	vld.idx.msk [tilespmem:v4+s1+$0x0], $0xffff;
	[tilespmem:s24+$0x30] =	vst v6  }
0x4e: {  	s26 =	sadd.s32 $0x80, s26;
	v4 =	vld.idx.msk [tilespmem:v7+s1+$0x0], $0xffff;
	[tilespmem:s24+$0xFFFFFFD0] =	vst v8  }
0x4f: {  	[tilespmem:s24+$0xFFFFFFE0] =	vst v5  }
0x50: {  	[tilespmem:s24+$0xFFFFFFF0] =	vst v3  }
0x51: {  	[tilespmem:s24+$0x0] =	vst v0  }
0x52: {  	[tilespmem:s24+$0x10] =	vst v1  }
0x53: {  	[tilespmem:s24+$0x20] =	vst v2  }
0x54: {  	s26 =	simm.s32 $0x19770;
	[tilespmem:s24+$0xFFFFFFC0] =	vst v4  }
0x55: {  	[hbm4b:s29+s15] =	stream.strided.scatter [tilespmem:s19], [sflag:$0x2], $0x1000, s16, s15, $0x38;
	[tilespmem:$0x1E700] =	vst v63  }
0x56: {  	v0 =	vld [tilespmem:s26+$0x0]  }
0x57: {  	v1 =	vld [tilespmem:s26+$0xFFFFFFA0]  }
0x58: {  	v2 =	vld [tilespmem:s26+$0xFFFFFFB0]  }
0x59: {  	v3 =	vld [tilespmem:s26+$0xFFFFFFC0]  }
0x5a: {  	v4 =	vld [tilespmem:s26+$0xFFFFFFD0]  }
0x5b: {  	v6 =	vld [tilespmem:s26+$0xFFFFFFE0]  }
0x5c: {  	v7 =	vld [tilespmem:s26+$0xFFFFFFF0]  }
0x5d: {  	v8 =	vld [tilespmem:s26+$0xFFFFFF90]  }
0x5e: {  	v9 =	vld.idx.msk [tilespmem:v0+s1+$0x0], $0xffff  }
0x5f: {  	v10 =	vld.idx.msk [tilespmem:v1+s1+$0x0], $0xffff  }
0x60: {  	v5 =	vld.idx.msk [tilespmem:v2+s1+$0x0], $0xffff  }
0x61: {  	v3 =	vld.idx.msk [tilespmem:v3+s1+$0x0], $0xffff  }
0x62: {  	v0 =	vld.idx.msk [tilespmem:v4+s1+$0x0], $0xffff  }
0x63: {  	s24 =	simm.s32 $0x1D740;
	v1 =	vld.idx.msk [tilespmem:v6+s1+$0x0], $0xffff  }
0x64: {  	v2 =	vld.idx.msk [tilespmem:v7+s1+$0x0], $0xffff;
	[tilespmem:s24+$0x30] =	vst v9  }
0x65: {  	s25 =	simm.s32 $0x0;
	s26 =	simm.s32 $0x197F0;
	v4 =	vld.idx.msk [tilespmem:v8+s1+$0x0], $0xffff;
	[tilespmem:s24+$0xFFFFFFD0] =	vst v10  }
.LBB2_4:
0x66: {  	v6 =	vld [tilespmem:s26+$0x0];
	s25 =	sadd.s32 $0x80, s25;
	[tilespmem:s24+$0xFFFFFFE0] =	vst v5  }
0x67: {  	v5 =	vld [tilespmem:s26+$0xFFFFFFA0];
	p0 =	slt.u32 s25, $0xF80;
	[tilespmem:s24+$0xFFFFFFF0] =	vst v3  }
0x68: {  	v3 =	vld [tilespmem:s26+$0xFFFFFFB0];
	[tilespmem:s24+$0x0] =	vst v0  }
0x69: {  	v0 =	vld [tilespmem:s26+$0xFFFFFFC0];
	[tilespmem:s24+$0x10] =	vst v1  }
0x6a: {  	v1 =	vld [tilespmem:s26+$0xFFFFFFD0];
	[tilespmem:s24+$0x20] =	vst v2  }
0x6b: {  	v2 =	vld [tilespmem:s26+$0xFFFFFFE0];
	[tilespmem:s24+$0xFFFFFFC0] =	vst v4  }
0x6c: {  	v4 =	vld [tilespmem:s26+$0xFFFFFFF0]  }
0x6d: {  	v7 =	vld [tilespmem:s26+$0xFFFFFF90]  }
0x6e: {  	v6 =	vld.idx.msk [tilespmem:v6+s1+$0x0], $0xffff  }
0x6f: {  	v8 =	vld.idx.msk [tilespmem:v5+s1+$0x0], $0xffff  }
0x70: {  	v5 =	vld.idx.msk [tilespmem:v3+s1+$0x0], $0xffff  }
.Ltmp1:
0x71: {  	v3 =	vld.idx.msk [tilespmem:v0+s1+$0x0], $0xffff;
	(pc) =	sbr.rel @p0 .LBB2_4-.Ltmp1, $4  }
0x72: {  	v0 =	vld.idx.msk [tilespmem:v1+s1+$0x0], $0xffff  }
0x73: {  	s24 =	sadd.s32 $0x80, s24;
	v1 =	vld.idx.msk [tilespmem:v2+s1+$0x0], $0xffff  }
0x74: {  	v2 =	vld.idx.msk [tilespmem:v4+s1+$0x0], $0xffff;
	[tilespmem:s24+$0x30] =	vst v6  }
0x75: {  	s26 =	sadd.s32 $0x80, s26;
	v4 =	vld.idx.msk [tilespmem:v7+s1+$0x0], $0xffff;
	[tilespmem:s24+$0xFFFFFFD0] =	vst v8  }
0x76: {  	[tilespmem:s24+$0xFFFFFFE0] =	vst v5  }
0x77: {  	[tilespmem:s24+$0xFFFFFFF0] =	vst v3  }
0x78: {  	[tilespmem:s24+$0x0] =	vst v0  }
0x79: {  	[tilespmem:s24+$0x10] =	vst v1  }
0x7a: {  	[tilespmem:s24+$0x20] =	vst v2  }
0x7b: {  	[tilespmem:s24+$0xFFFFFFC0] =	vst v4  }
0x7c: {  	[hbm4b:s31+s15] =	stream.strided.scatter [tilespmem:s20], [sflag:$0x3], $0x1000, s16, s15, $0x38;
	[tilespmem:$0x1E700] =	vst v63  }
0x7d: {  	_ =	swait.ge [sflag:s21], $0x1000  }
0x7e: {  	[sflag:s21] =	ssyncset.done $0x0  }
0x7f: {  	s26 =	simm.s32 $0x1A770;
	[sflag:s21] =	ssyncadd.s32 $0xFFFFF000  }
0x80: {  	v0 =	vld [tilespmem:s26+$0x0]  }
0x81: {  	v1 =	vld [tilespmem:s26+$0xFFFFFFA0]  }
0x82: {  	v2 =	vld [tilespmem:s26+$0xFFFFFFB0]  }
0x83: {  	v3 =	vld [tilespmem:s26+$0xFFFFFFC0]  }
0x84: {  	v4 =	vld [tilespmem:s26+$0xFFFFFFD0]  }
0x85: {  	v6 =	vld [tilespmem:s26+$0xFFFFFFE0]  }
0x86: {  	v7 =	vld [tilespmem:s26+$0xFFFFFFF0]  }
0x87: {  	v8 =	vld [tilespmem:s26+$0xFFFFFF90]  }
0x88: {  	v9 =	vld.idx.msk [tilespmem:v0+s1+$0x0], $0xffff  }
0x89: {  	v10 =	vld.idx.msk [tilespmem:v1+s1+$0x0], $0xffff  }
0x8a: {  	v5 =	vld.idx.msk [tilespmem:v2+s1+$0x0], $0xffff  }
0x8b: {  	v3 =	vld.idx.msk [tilespmem:v3+s1+$0x0], $0xffff  }
0x8c: {  	v0 =	vld.idx.msk [tilespmem:v4+s1+$0x0], $0xffff  }
0x8d: {  	s24 =	simm.s32 $0x1C740;
	v1 =	vld.idx.msk [tilespmem:v6+s1+$0x0], $0xffff  }
0x8e: {  	v2 =	vld.idx.msk [tilespmem:v7+s1+$0x0], $0xffff;
	[tilespmem:s24+$0x30] =	vst v9  }
0x8f: {  	s25 =	simm.s32 $0x0;
	s26 =	simm.s32 $0x1A7F0;
	v4 =	vld.idx.msk [tilespmem:v8+s1+$0x0], $0xffff;
	[tilespmem:s24+$0xFFFFFFD0] =	vst v10  }
.LBB2_6:
0x90: {  	v6 =	vld [tilespmem:s26+$0x0];
	s25 =	sadd.s32 $0x80, s25;
	[tilespmem:s24+$0xFFFFFFE0] =	vst v5  }
0x91: {  	v5 =	vld [tilespmem:s26+$0xFFFFFFA0];
	p0 =	slt.u32 s25, $0xF80;
	[tilespmem:s24+$0xFFFFFFF0] =	vst v3  }
0x92: {  	v3 =	vld [tilespmem:s26+$0xFFFFFFB0];
	[tilespmem:s24+$0x0] =	vst v0  }
0x93: {  	v0 =	vld [tilespmem:s26+$0xFFFFFFC0];
	[tilespmem:s24+$0x10] =	vst v1  }
0x94: {  	v1 =	vld [tilespmem:s26+$0xFFFFFFD0];
	[tilespmem:s24+$0x20] =	vst v2  }
0x95: {  	v2 =	vld [tilespmem:s26+$0xFFFFFFE0];
	[tilespmem:s24+$0xFFFFFFC0] =	vst v4  }
0x96: {  	v4 =	vld [tilespmem:s26+$0xFFFFFFF0]  }
0x97: {  	v7 =	vld [tilespmem:s26+$0xFFFFFF90]  }
0x98: {  	v6 =	vld.idx.msk [tilespmem:v6+s1+$0x0], $0xffff  }
0x99: {  	v8 =	vld.idx.msk [tilespmem:v5+s1+$0x0], $0xffff  }
0x9a: {  	v5 =	vld.idx.msk [tilespmem:v3+s1+$0x0], $0xffff  }
.Ltmp2:
0x9b: {  	v3 =	vld.idx.msk [tilespmem:v0+s1+$0x0], $0xffff;
	(pc) =	sbr.rel @p0 .LBB2_6-.Ltmp2, $4  }
0x9c: {  	v0 =	vld.idx.msk [tilespmem:v1+s1+$0x0], $0xffff  }
0x9d: {  	s24 =	sadd.s32 $0x80, s24;
	v1 =	vld.idx.msk [tilespmem:v2+s1+$0x0], $0xffff  }
0x9e: {  	v2 =	vld.idx.msk [tilespmem:v4+s1+$0x0], $0xffff;
	[tilespmem:s24+$0x30] =	vst v6  }
0x9f: {  	s26 =	sadd.s32 $0x80, s26;
	v4 =	vld.idx.msk [tilespmem:v7+s1+$0x0], $0xffff;
	[tilespmem:s24+$0xFFFFFFD0] =	vst v8  }
0xa0: {  	[tilespmem:s24+$0xFFFFFFE0] =	vst v5  }
0xa1: {  	[tilespmem:s24+$0xFFFFFFF0] =	vst v3  }
0xa2: {  	[tilespmem:s24+$0x0] =	vst v0  }
0xa3: {  	[tilespmem:s24+$0x10] =	vst v1  }
0xa4: {  	[tilespmem:s24+$0x20] =	vst v2  }
0xa5: {  	[tilespmem:s24+$0xFFFFFFC0] =	vst v4  }
0xa6: {  	[hbm4b:s30+s15] =	stream.strided.scatter [tilespmem:s19], [sflag:$0x2], $0x1000, s16, s15, $0x38;
	[tilespmem:$0x1E700] =	vst v63  }
0xa7: {  	_ =	swait.ge [sflag:s22], $0x1000  }
0xa8: {  	[sflag:s22] =	ssyncset.done $0x0  }
0xa9: {  	s26 =	simm.s32 $0x1B770;
	[sflag:s22] =	ssyncadd.s32 $0xFFFFF000  }
0xaa: {  	v0 =	vld [tilespmem:s26+$0x0]  }
0xab: {  	v1 =	vld [tilespmem:s26+$0xFFFFFFA0]  }
0xac: {  	v2 =	vld [tilespmem:s26+$0xFFFFFFB0]  }
0xad: {  	v3 =	vld [tilespmem:s26+$0xFFFFFFC0]  }
0xae: {  	v4 =	vld [tilespmem:s26+$0xFFFFFFD0]  }
0xaf: {  	v6 =	vld [tilespmem:s26+$0xFFFFFFE0]  }
0xb0: {  	v7 =	vld [tilespmem:s26+$0xFFFFFFF0]  }
0xb1: {  	v8 =	vld [tilespmem:s26+$0xFFFFFF90]  }
0xb2: {  	v9 =	vld.idx.msk [tilespmem:v0+s1+$0x0], $0xffff  }
0xb3: {  	v10 =	vld.idx.msk [tilespmem:v1+s1+$0x0], $0xffff  }
0xb4: {  	v5 =	vld.idx.msk [tilespmem:v2+s1+$0x0], $0xffff  }
0xb5: {  	v3 =	vld.idx.msk [tilespmem:v3+s1+$0x0], $0xffff  }
0xb6: {  	v0 =	vld.idx.msk [tilespmem:v4+s1+$0x0], $0xffff  }
0xb7: {  	s24 =	simm.s32 $0x1D740;
	v1 =	vld.idx.msk [tilespmem:v6+s1+$0x0], $0xffff  }
0xb8: {  	v2 =	vld.idx.msk [tilespmem:v7+s1+$0x0], $0xffff;
	[tilespmem:s24+$0x30] =	vst v9  }
0xb9: {  	s25 =	simm.s32 $0x0;
	s26 =	simm.s32 $0x1B7F0;
	v4 =	vld.idx.msk [tilespmem:v8+s1+$0x0], $0xffff;
	[tilespmem:s24+$0xFFFFFFD0] =	vst v10  }
.LBB2_8:
0xba: {  	v6 =	vld [tilespmem:s26+$0x0];
	s25 =	sadd.s32 $0x80, s25;
	[tilespmem:s24+$0xFFFFFFE0] =	vst v5  }
0xbb: {  	v5 =	vld [tilespmem:s26+$0xFFFFFFA0];
	p0 =	slt.u32 s25, $0xF80;
	[tilespmem:s24+$0xFFFFFFF0] =	vst v3  }
0xbc: {  	v3 =	vld [tilespmem:s26+$0xFFFFFFB0];
	[tilespmem:s24+$0x0] =	vst v0  }
0xbd: {  	v0 =	vld [tilespmem:s26+$0xFFFFFFC0];
	[tilespmem:s24+$0x10] =	vst v1  }
0xbe: {  	v1 =	vld [tilespmem:s26+$0xFFFFFFD0];
	[tilespmem:s24+$0x20] =	vst v2  }
0xbf: {  	v2 =	vld [tilespmem:s26+$0xFFFFFFE0];
	[tilespmem:s24+$0xFFFFFFC0] =	vst v4  }
0xc0: {  	v4 =	vld [tilespmem:s26+$0xFFFFFFF0]  }
0xc1: {  	v7 =	vld [tilespmem:s26+$0xFFFFFF90]  }
0xc2: {  	v6 =	vld.idx.msk [tilespmem:v6+s1+$0x0], $0xffff  }
0xc3: {  	v8 =	vld.idx.msk [tilespmem:v5+s1+$0x0], $0xffff  }
0xc4: {  	v5 =	vld.idx.msk [tilespmem:v3+s1+$0x0], $0xffff  }
.Ltmp3:
0xc5: {  	v3 =	vld.idx.msk [tilespmem:v0+s1+$0x0], $0xffff;
	(pc) =	sbr.rel @p0 .LBB2_8-.Ltmp3, $4  }
0xc6: {  	v0 =	vld.idx.msk [tilespmem:v1+s1+$0x0], $0xffff  }
0xc7: {  	s24 =	sadd.s32 $0x80, s24;
	v1 =	vld.idx.msk [tilespmem:v2+s1+$0x0], $0xffff  }
0xc8: {  	v2 =	vld.idx.msk [tilespmem:v4+s1+$0x0], $0xffff;
	[tilespmem:s24+$0x30] =	vst v6  }
0xc9: {  	s26 =	sadd.s32 $0x80, s26;
	v4 =	vld.idx.msk [tilespmem:v7+s1+$0x0], $0xffff;
	[tilespmem:s24+$0xFFFFFFD0] =	vst v8  }
0xca: {  	[tilespmem:s24+$0xFFFFFFE0] =	vst v5  }
0xcb: {  	[tilespmem:s24+$0xFFFFFFF0] =	vst v3  }
0xcc: {  	[tilespmem:s24+$0x0] =	vst v0  }
0xcd: {  	[tilespmem:s24+$0x10] =	vst v1  }
0xce: {  	[tilespmem:s24+$0x20] =	vst v2  }
0xcf: {  	[tilespmem:s24+$0xFFFFFFC0] =	vst v4  }
0xd0: {  	[tilespmem:s1], [sflag:$0x1] =	stream.strided.gather [hbm4b:s8+s15], $0x18700, s16, s15, $0x38;
	[tilespmem:$0x1E700] =	vst v63  }
0xd1: {  	_ = 	snop  }
0xd2: {  	[hbm4b:s0+s15] =	stream.strided.scatter [tilespmem:s20], [sflag:$0x3], $0x1000, s16, s15, $0x38;
	[tilespmem:$0x1E700] =	vst v63  }
0xd3: {  	_ =	swait.ge [sflag:s18], $0x18700  }
0xd4: {  	[sflag:s18] =	ssyncset.done $0x0  }
0xd5: {  	[sflag:s18] =	ssyncadd.s32 $0xFFFE7900  }
0xd6: {  	_ =	swait.ge [sflag:s21], $0x1000  }
0xd7: {  	[sflag:s21] =	ssyncset.done $0x0  }
0xd8: {  	s26 =	simm.s32 $0x18740;
	[sflag:s21] =	ssyncadd.s32 $0xFFFFF000  }
0xd9: {  	v0 =	vld [tilespmem:s26+$0x30]  }
0xda: {  	v1 =	vld [tilespmem:s26+$0xFFFFFFD0]  }
0xdb: {  	v2 =	vld [tilespmem:s26+$0xFFFFFFE0]  }
0xdc: {  	v3 =	vld [tilespmem:s26+$0xFFFFFFF0]  }
0xdd: {  	v4 =	vld [tilespmem:s26+$0x0]  }
0xde: {  	v6 =	vld [tilespmem:s26+$0x10]  }
0xdf: {  	v7 =	vld [tilespmem:s26+$0x20]  }
0xe0: {  	v8 =	vld [tilespmem:s26+$0xFFFFFFC0]  }
0xe1: {  	v9 =	vld.idx.msk [tilespmem:v0+s1+$0x0], $0xffff  }
0xe2: {  	v10 =	vld.idx.msk [tilespmem:v1+s1+$0x0], $0xffff  }
0xe3: {  	v5 =	vld.idx.msk [tilespmem:v2+s1+$0x0], $0xffff  }
0xe4: {  	v3 =	vld.idx.msk [tilespmem:v3+s1+$0x0], $0xffff  }
0xe5: {  	v0 =	vld.idx.msk [tilespmem:v4+s1+$0x0], $0xffff  }
0xe6: {  	s24 =	simm.s32 $0x1C740;
	v1 =	vld.idx.msk [tilespmem:v6+s1+$0x0], $0xffff  }
0xe7: {  	v2 =	vld.idx.msk [tilespmem:v7+s1+$0x0], $0xffff;
	[tilespmem:s24+$0x30] =	vst v9  }
0xe8: {  	s25 =	simm.s32 $0x0;
	s26 =	simm.s32 $0x187C0;
	v4 =	vld.idx.msk [tilespmem:v8+s1+$0x0], $0xffff;
	[tilespmem:s24+$0xFFFFFFD0] =	vst v10  }
.LBB2_10:
0xe9: {  	v6 =	vld [tilespmem:s26+$0x30];
	s25 =	sadd.s32 $0x80, s25;
	[tilespmem:s24+$0xFFFFFFE0] =	vst v5  }
0xea: {  	v5 =	vld [tilespmem:s26+$0xFFFFFFD0];
	p0 =	slt.u32 s25, $0xF80;
	[tilespmem:s24+$0xFFFFFFF0] =	vst v3  }
0xeb: {  	v3 =	vld [tilespmem:s26+$0xFFFFFFE0];
	[tilespmem:s24+$0x0] =	vst v0  }
0xec: {  	v0 =	vld [tilespmem:s26+$0xFFFFFFF0];
	[tilespmem:s24+$0x10] =	vst v1  }
0xed: {  	v1 =	vld [tilespmem:s26+$0x0];
	[tilespmem:s24+$0x20] =	vst v2  }
0xee: {  	v2 =	vld [tilespmem:s26+$0x10];
	[tilespmem:s24+$0xFFFFFFC0] =	vst v4  }
0xef: {  	v4 =	vld [tilespmem:s26+$0x20]  }
0xf0: {  	v7 =	vld [tilespmem:s26+$0xFFFFFFC0]  }
0xf1: {  	v6 =	vld.idx.msk [tilespmem:v6+s1+$0x0], $0xffff  }
0xf2: {  	v8 =	vld.idx.msk [tilespmem:v5+s1+$0x0], $0xffff  }
0xf3: {  	v5 =	vld.idx.msk [tilespmem:v3+s1+$0x0], $0xffff  }
.Ltmp4:
0xf4: {  	v3 =	vld.idx.msk [tilespmem:v0+s1+$0x0], $0xffff;
	(pc) =	sbr.rel @p0 .LBB2_10-.Ltmp4, $4  }
0xf5: {  	v0 =	vld.idx.msk [tilespmem:v1+s1+$0x0], $0xffff  }
0xf6: {  	s24 =	sadd.s32 $0x80, s24;
	v1 =	vld.idx.msk [tilespmem:v2+s1+$0x0], $0xffff  }
0xf7: {  	v2 =	vld.idx.msk [tilespmem:v4+s1+$0x0], $0xffff;
	[tilespmem:s24+$0x30] =	vst v6  }
0xf8: {  	s26 =	sadd.s32 $0x80, s26;
	v4 =	vld.idx.msk [tilespmem:v7+s1+$0x0], $0xffff;
	[tilespmem:s24+$0xFFFFFFD0] =	vst v8  }
0xf9: {  	[tilespmem:s24+$0xFFFFFFE0] =	vst v5  }
0xfa: {  	[tilespmem:s24+$0xFFFFFFF0] =	vst v3  }
0xfb: {  	[tilespmem:s24+$0x0] =	vst v0  }
0xfc: {  	[tilespmem:s24+$0x10] =	vst v1  }
0xfd: {  	[tilespmem:s24+$0x20] =	vst v2  }
0xfe: {  	[tilespmem:s24+$0xFFFFFFC0] =	vst v4  }
0xff: {  	s24 =	rddreg [dreg:$0x5]  }
0x100: {  	[hbm4b:s24+s15] =	stream.strided.scatter [tilespmem:s19], [sflag:$0x2], $0x1000, s16, s15, $0x38;
	[tilespmem:$0x1E700] =	vst v63  }
0x101: {  	_ =	swait.ge [sflag:s22], $0x1000  }
0x102: {  	[sflag:s22] =	ssyncset.done $0x0  }
0x103: {  	s26 =	simm.s32 $0x19770;
	[sflag:s22] =	ssyncadd.s32 $0xFFFFF000  }
0x104: {  	v0 =	vld [tilespmem:s26+$0x0]  }
0x105: {  	v1 =	vld [tilespmem:s26+$0xFFFFFFA0]  }
0x106: {  	v2 =	vld [tilespmem:s26+$0xFFFFFFB0]  }
0x107: {  	v3 =	vld [tilespmem:s26+$0xFFFFFFC0]  }
0x108: {  	v4 =	vld [tilespmem:s26+$0xFFFFFFD0]  }
0x109: {  	v6 =	vld [tilespmem:s26+$0xFFFFFFE0]  }
0x10a: {  	v7 =	vld [tilespmem:s26+$0xFFFFFFF0]  }
0x10b: {  	v8 =	vld [tilespmem:s26+$0xFFFFFF90]  }
0x10c: {  	v9 =	vld.idx.msk [tilespmem:v0+s1+$0x0], $0xffff  }
0x10d: {  	v10 =	vld.idx.msk [tilespmem:v1+s1+$0x0], $0xffff  }
0x10e: {  	v5 =	vld.idx.msk [tilespmem:v2+s1+$0x0], $0xffff  }
0x10f: {  	v3 =	vld.idx.msk [tilespmem:v3+s1+$0x0], $0xffff  }
0x110: {  	v0 =	vld.idx.msk [tilespmem:v4+s1+$0x0], $0xffff  }
0x111: {  	s24 =	simm.s32 $0x1D740;
	v1 =	vld.idx.msk [tilespmem:v6+s1+$0x0], $0xffff  }
0x112: {  	v2 =	vld.idx.msk [tilespmem:v7+s1+$0x0], $0xffff;
	[tilespmem:s24+$0x30] =	vst v9  }
0x113: {  	s25 =	simm.s32 $0x0;
	s26 =	simm.s32 $0x197F0;
	v4 =	vld.idx.msk [tilespmem:v8+s1+$0x0], $0xffff;
	[tilespmem:s24+$0xFFFFFFD0] =	vst v10  }
.LBB2_12:
0x114: {  	v6 =	vld [tilespmem:s26+$0x0];
	s25 =	sadd.s32 $0x80, s25;
	[tilespmem:s24+$0xFFFFFFE0] =	vst v5  }
0x115: {  	v5 =	vld [tilespmem:s26+$0xFFFFFFA0];
	p0 =	slt.u32 s25, $0xF80;
	[tilespmem:s24+$0xFFFFFFF0] =	vst v3  }
0x116: {  	v3 =	vld [tilespmem:s26+$0xFFFFFFB0];
	[tilespmem:s24+$0x0] =	vst v0  }
0x117: {  	v0 =	vld [tilespmem:s26+$0xFFFFFFC0];
	[tilespmem:s24+$0x10] =	vst v1  }
0x118: {  	v1 =	vld [tilespmem:s26+$0xFFFFFFD0];
	[tilespmem:s24+$0x20] =	vst v2  }
0x119: {  	v2 =	vld [tilespmem:s26+$0xFFFFFFE0];
	[tilespmem:s24+$0xFFFFFFC0] =	vst v4  }
0x11a: {  	v4 =	vld [tilespmem:s26+$0xFFFFFFF0]  }
0x11b: {  	v7 =	vld [tilespmem:s26+$0xFFFFFF90]  }
0x11c: {  	v6 =	vld.idx.msk [tilespmem:v6+s1+$0x0], $0xffff  }
0x11d: {  	v8 =	vld.idx.msk [tilespmem:v5+s1+$0x0], $0xffff  }
0x11e: {  	v5 =	vld.idx.msk [tilespmem:v3+s1+$0x0], $0xffff  }
.Ltmp5:
0x11f: {  	v3 =	vld.idx.msk [tilespmem:v0+s1+$0x0], $0xffff;
	(pc) =	sbr.rel @p0 .LBB2_12-.Ltmp5, $4  }
0x120: {  	v0 =	vld.idx.msk [tilespmem:v1+s1+$0x0], $0xffff  }
0x121: {  	s24 =	sadd.s32 $0x80, s24;
	v1 =	vld.idx.msk [tilespmem:v2+s1+$0x0], $0xffff  }
0x122: {  	v2 =	vld.idx.msk [tilespmem:v4+s1+$0x0], $0xffff;
	[tilespmem:s24+$0x30] =	vst v6  }
0x123: {  	s26 =	sadd.s32 $0x80, s26;
	v4 =	vld.idx.msk [tilespmem:v7+s1+$0x0], $0xffff;
	[tilespmem:s24+$0xFFFFFFD0] =	vst v8  }
0x124: {  	[tilespmem:s24+$0xFFFFFFE0] =	vst v5  }
0x125: {  	[tilespmem:s24+$0xFFFFFFF0] =	vst v3  }
0x126: {  	[tilespmem:s24+$0x0] =	vst v0  }
0x127: {  	[tilespmem:s24+$0x10] =	vst v1  }
0x128: {  	[tilespmem:s24+$0x20] =	vst v2  }
0x129: {  	[tilespmem:s24+$0xFFFFFFC0] =	vst v4  }
0x12a: {  	s24 =	rddreg [dreg:$0x6]  }
0x12b: {  	[hbm4b:s24+s15] =	stream.strided.scatter [tilespmem:s20], [sflag:$0x3], $0x1000, s16, s15, $0x38;
	[tilespmem:$0x1E700] =	vst v63  }
0x12c: {  	_ =	swait.ge [sflag:s21], $0x1000  }
0x12d: {  	[sflag:s21] =	ssyncset.done $0x0  }
0x12e: {  	s26 =	simm.s32 $0x1A770;
	[sflag:s21] =	ssyncadd.s32 $0xFFFFF000  }
0x12f: {  	v0 =	vld [tilespmem:s26+$0x0]  }
0x130: {  	v1 =	vld [tilespmem:s26+$0xFFFFFFA0]  }
0x131: {  	v2 =	vld [tilespmem:s26+$0xFFFFFFB0]  }
0x132: {  	v3 =	vld [tilespmem:s26+$0xFFFFFFC0]  }
0x133: {  	v4 =	vld [tilespmem:s26+$0xFFFFFFD0]  }
0x134: {  	v6 =	vld [tilespmem:s26+$0xFFFFFFE0]  }
0x135: {  	v7 =	vld [tilespmem:s26+$0xFFFFFFF0]  }
0x136: {  	v8 =	vld [tilespmem:s26+$0xFFFFFF90]  }
0x137: {  	v9 =	vld.idx.msk [tilespmem:v0+s1+$0x0], $0xffff  }
0x138: {  	v10 =	vld.idx.msk [tilespmem:v1+s1+$0x0], $0xffff  }
0x139: {  	v5 =	vld.idx.msk [tilespmem:v2+s1+$0x0], $0xffff  }
0x13a: {  	v3 =	vld.idx.msk [tilespmem:v3+s1+$0x0], $0xffff  }
0x13b: {  	v0 =	vld.idx.msk [tilespmem:v4+s1+$0x0], $0xffff  }
0x13c: {  	s24 =	simm.s32 $0x1C740;
	v1 =	vld.idx.msk [tilespmem:v6+s1+$0x0], $0xffff  }
0x13d: {  	v2 =	vld.idx.msk [tilespmem:v7+s1+$0x0], $0xffff;
	[tilespmem:s24+$0x30] =	vst v9  }
0x13e: {  	s25 =	simm.s32 $0x0;
	s26 =	simm.s32 $0x1A7F0;
	v4 =	vld.idx.msk [tilespmem:v8+s1+$0x0], $0xffff;
	[tilespmem:s24+$0xFFFFFFD0] =	vst v10  }
.LBB2_14:
0x13f: {  	v6 =	vld [tilespmem:s26+$0x0];
	s25 =	sadd.s32 $0x80, s25;
	[tilespmem:s24+$0xFFFFFFE0] =	vst v5  }
0x140: {  	v5 =	vld [tilespmem:s26+$0xFFFFFFA0];
	p0 =	slt.u32 s25, $0xF80;
	[tilespmem:s24+$0xFFFFFFF0] =	vst v3  }
0x141: {  	v3 =	vld [tilespmem:s26+$0xFFFFFFB0];
	[tilespmem:s24+$0x0] =	vst v0  }
0x142: {  	v0 =	vld [tilespmem:s26+$0xFFFFFFC0];
	[tilespmem:s24+$0x10] =	vst v1  }
0x143: {  	v1 =	vld [tilespmem:s26+$0xFFFFFFD0];
	[tilespmem:s24+$0x20] =	vst v2  }
0x144: {  	v2 =	vld [tilespmem:s26+$0xFFFFFFE0];
	[tilespmem:s24+$0xFFFFFFC0] =	vst v4  }
0x145: {  	v4 =	vld [tilespmem:s26+$0xFFFFFFF0]  }
0x146: {  	v7 =	vld [tilespmem:s26+$0xFFFFFF90]  }
0x147: {  	v6 =	vld.idx.msk [tilespmem:v6+s1+$0x0], $0xffff  }
0x148: {  	v8 =	vld.idx.msk [tilespmem:v5+s1+$0x0], $0xffff  }
0x149: {  	v5 =	vld.idx.msk [tilespmem:v3+s1+$0x0], $0xffff  }
.Ltmp6:
0x14a: {  	v3 =	vld.idx.msk [tilespmem:v0+s1+$0x0], $0xffff;
	(pc) =	sbr.rel @p0 .LBB2_14-.Ltmp6, $4  }
0x14b: {  	v0 =	vld.idx.msk [tilespmem:v1+s1+$0x0], $0xffff  }
0x14c: {  	s24 =	sadd.s32 $0x80, s24;
	v1 =	vld.idx.msk [tilespmem:v2+s1+$0x0], $0xffff  }
0x14d: {  	v2 =	vld.idx.msk [tilespmem:v4+s1+$0x0], $0xffff;
	[tilespmem:s24+$0x30] =	vst v6  }
0x14e: {  	s26 =	sadd.s32 $0x80, s26;
	v4 =	vld.idx.msk [tilespmem:v7+s1+$0x0], $0xffff;
	[tilespmem:s24+$0xFFFFFFD0] =	vst v8  }
0x14f: {  	[tilespmem:s24+$0xFFFFFFE0] =	vst v5  }
0x150: {  	[tilespmem:s24+$0xFFFFFFF0] =	vst v3  }
0x151: {  	[tilespmem:s24+$0x0] =	vst v0  }
0x152: {  	[tilespmem:s24+$0x10] =	vst v1  }
0x153: {  	[tilespmem:s24+$0x20] =	vst v2  }
0x154: {  	[tilespmem:s24+$0xFFFFFFC0] =	vst v4  }
0x155: {  	s24 =	rddreg [dreg:$0x7]  }
0x156: {  	[hbm4b:s24+s15] =	stream.strided.scatter [tilespmem:s19], [sflag:$0x2], $0x1000, s16, s15, $0x38;
	[tilespmem:$0x1E700] =	vst v63  }
0x157: {  	_ =	swait.ge [sflag:s22], $0x1000  }
0x158: {  	[sflag:s22] =	ssyncset.done $0x0  }
0x159: {  	s26 =	simm.s32 $0x1B770;
	[sflag:s22] =	ssyncadd.s32 $0xFFFFF000  }
0x15a: {  	v0 =	vld [tilespmem:s26+$0x0]  }
0x15b: {  	v1 =	vld [tilespmem:s26+$0xFFFFFFA0]  }
0x15c: {  	v2 =	vld [tilespmem:s26+$0xFFFFFFB0]  }
0x15d: {  	v3 =	vld [tilespmem:s26+$0xFFFFFFC0]  }
0x15e: {  	v4 =	vld [tilespmem:s26+$0xFFFFFFD0]  }
0x15f: {  	v6 =	vld [tilespmem:s26+$0xFFFFFFE0]  }
0x160: {  	v7 =	vld [tilespmem:s26+$0xFFFFFFF0]  }
0x161: {  	v8 =	vld [tilespmem:s26+$0xFFFFFF90]  }
0x162: {  	v9 =	vld.idx.msk [tilespmem:v0+s1+$0x0], $0xffff  }
0x163: {  	v10 =	vld.idx.msk [tilespmem:v1+s1+$0x0], $0xffff  }
0x164: {  	v5 =	vld.idx.msk [tilespmem:v2+s1+$0x0], $0xffff  }
0x165: {  	v3 =	vld.idx.msk [tilespmem:v3+s1+$0x0], $0xffff  }
0x166: {  	v0 =	vld.idx.msk [tilespmem:v4+s1+$0x0], $0xffff  }
0x167: {  	s24 =	simm.s32 $0x1D740;
	v1 =	vld.idx.msk [tilespmem:v6+s1+$0x0], $0xffff  }
0x168: {  	v2 =	vld.idx.msk [tilespmem:v7+s1+$0x0], $0xffff;
	[tilespmem:s24+$0x30] =	vst v9  }
0x169: {  	s25 =	simm.s32 $0x0;
	s26 =	simm.s32 $0x1B7F0;
	v4 =	vld.idx.msk [tilespmem:v8+s1+$0x0], $0xffff;
	[tilespmem:s24+$0xFFFFFFD0] =	vst v10  }
.LBB2_16:
0x16a: {  	v6 =	vld [tilespmem:s26+$0x0];
	s25 =	sadd.s32 $0x80, s25;
	[tilespmem:s24+$0xFFFFFFE0] =	vst v5  }
0x16b: {  	v5 =	vld [tilespmem:s26+$0xFFFFFFA0];
	p0 =	slt.u32 s25, $0xF80;
	[tilespmem:s24+$0xFFFFFFF0] =	vst v3  }
0x16c: {  	v3 =	vld [tilespmem:s26+$0xFFFFFFB0];
	[tilespmem:s24+$0x0] =	vst v0  }
0x16d: {  	v0 =	vld [tilespmem:s26+$0xFFFFFFC0];
	[tilespmem:s24+$0x10] =	vst v1  }
0x16e: {  	v1 =	vld [tilespmem:s26+$0xFFFFFFD0];
	[tilespmem:s24+$0x20] =	vst v2  }
0x16f: {  	v2 =	vld [tilespmem:s26+$0xFFFFFFE0];
	[tilespmem:s24+$0xFFFFFFC0] =	vst v4  }
0x170: {  	v4 =	vld [tilespmem:s26+$0xFFFFFFF0]  }
0x171: {  	v7 =	vld [tilespmem:s26+$0xFFFFFF90]  }
0x172: {  	v6 =	vld.idx.msk [tilespmem:v6+s1+$0x0], $0xffff  }
0x173: {  	v8 =	vld.idx.msk [tilespmem:v5+s1+$0x0], $0xffff  }
0x174: {  	v5 =	vld.idx.msk [tilespmem:v3+s1+$0x0], $0xffff  }
.Ltmp7:
0x175: {  	v3 =	vld.idx.msk [tilespmem:v0+s1+$0x0], $0xffff;
	(pc) =	sbr.rel @p0 .LBB2_16-.Ltmp7, $4  }
0x176: {  	v0 =	vld.idx.msk [tilespmem:v1+s1+$0x0], $0xffff  }
0x177: {  	s24 =	sadd.s32 $0x80, s24;
	v1 =	vld.idx.msk [tilespmem:v2+s1+$0x0], $0xffff  }
0x178: {  	v2 =	vld.idx.msk [tilespmem:v4+s1+$0x0], $0xffff;
	[tilespmem:s24+$0x30] =	vst v6  }
0x179: {  	s26 =	sadd.s32 $0x80, s26;
	v4 =	vld.idx.msk [tilespmem:v7+s1+$0x0], $0xffff;
	[tilespmem:s24+$0xFFFFFFD0] =	vst v8  }
0x17a: {  	[tilespmem:s24+$0xFFFFFFE0] =	vst v5  }
0x17b: {  	[tilespmem:s24+$0xFFFFFFF0] =	vst v3  }
0x17c: {  	[tilespmem:s24+$0x0] =	vst v0  }
0x17d: {  	[tilespmem:s24+$0x10] =	vst v1  }
0x17e: {  	[tilespmem:s24+$0x20] =	vst v2  }
0x17f: {  	[tilespmem:s24+$0xFFFFFFC0] =	vst v4  }
0x180: {  	[tilespmem:s1], [sflag:$0x1] =	stream.strided.gather [hbm4b:s9+s15], $0x18700, s16, s15, $0x38;
	[tilespmem:$0x1E700] =	vst v63  }
0x181: {  	s24 =	rddreg [dreg:$0x8]  }
0x182: {  	[hbm4b:s24+s15] =	stream.strided.scatter [tilespmem:s20], [sflag:$0x3], $0x1000, s16, s15, $0x38;
	[tilespmem:$0x1E700] =	vst v63  }
0x183: {  	_ =	swait.ge [sflag:s18], $0x18700  }
0x184: {  	[sflag:s18] =	ssyncset.done $0x0  }
0x185: {  	[sflag:s18] =	ssyncadd.s32 $0xFFFE7900  }
0x186: {  	_ =	swait.ge [sflag:s21], $0x1000  }
0x187: {  	[sflag:s21] =	ssyncset.done $0x0  }
0x188: {  	s26 =	simm.s32 $0x18740;
	[sflag:s21] =	ssyncadd.s32 $0xFFFFF000  }
0x189: {  	v0 =	vld [tilespmem:s26+$0x30]  }
0x18a: {  	v1 =	vld [tilespmem:s26+$0xFFFFFFD0]  }
0x18b: {  	v2 =	vld [tilespmem:s26+$0xFFFFFFE0]  }
0x18c: {  	v3 =	vld [tilespmem:s26+$0xFFFFFFF0]  }
0x18d: {  	v4 =	vld [tilespmem:s26+$0x0]  }
0x18e: {  	v6 =	vld [tilespmem:s26+$0x10]  }
0x18f: {  	v7 =	vld [tilespmem:s26+$0x20]  }
0x190: {  	v8 =	vld [tilespmem:s26+$0xFFFFFFC0]  }
0x191: {  	v9 =	vld.idx.msk [tilespmem:v0+s1+$0x0], $0xffff  }
0x192: {  	v10 =	vld.idx.msk [tilespmem:v1+s1+$0x0], $0xffff  }
0x193: {  	v5 =	vld.idx.msk [tilespmem:v2+s1+$0x0], $0xffff  }
0x194: {  	v3 =	vld.idx.msk [tilespmem:v3+s1+$0x0], $0xffff  }
0x195: {  	v0 =	vld.idx.msk [tilespmem:v4+s1+$0x0], $0xffff  }
0x196: {  	s24 =	simm.s32 $0x1C740;
	v1 =	vld.idx.msk [tilespmem:v6+s1+$0x0], $0xffff  }
0x197: {  	v2 =	vld.idx.msk [tilespmem:v7+s1+$0x0], $0xffff;
	[tilespmem:s24+$0x30] =	vst v9  }
0x198: {  	s25 =	simm.s32 $0x0;
	s26 =	simm.s32 $0x187C0;
	v4 =	vld.idx.msk [tilespmem:v8+s1+$0x0], $0xffff;
	[tilespmem:s24+$0xFFFFFFD0] =	vst v10  }
.LBB2_18:
0x199: {  	v6 =	vld [tilespmem:s26+$0x30];
	s25 =	sadd.s32 $0x80, s25;
	[tilespmem:s24+$0xFFFFFFE0] =	vst v5  }
0x19a: {  	v5 =	vld [tilespmem:s26+$0xFFFFFFD0];
	p0 =	slt.u32 s25, $0xF80;
	[tilespmem:s24+$0xFFFFFFF0] =	vst v3  }
0x19b: {  	v3 =	vld [tilespmem:s26+$0xFFFFFFE0];
	[tilespmem:s24+$0x0] =	vst v0  }
0x19c: {  	v0 =	vld [tilespmem:s26+$0xFFFFFFF0];
	[tilespmem:s24+$0x10] =	vst v1  }
0x19d: {  	v1 =	vld [tilespmem:s26+$0x0];
	[tilespmem:s24+$0x20] =	vst v2  }
0x19e: {  	v2 =	vld [tilespmem:s26+$0x10];
	[tilespmem:s24+$0xFFFFFFC0] =	vst v4  }
0x19f: {  	v4 =	vld [tilespmem:s26+$0x20]  }
0x1a0: {  	v7 =	vld [tilespmem:s26+$0xFFFFFFC0]  }
0x1a1: {  	v6 =	vld.idx.msk [tilespmem:v6+s1+$0x0], $0xffff  }
0x1a2: {  	v8 =	vld.idx.msk [tilespmem:v5+s1+$0x0], $0xffff  }
0x1a3: {  	v5 =	vld.idx.msk [tilespmem:v3+s1+$0x0], $0xffff  }
.Ltmp8:
0x1a4: {  	v3 =	vld.idx.msk [tilespmem:v0+s1+$0x0], $0xffff;
	(pc) =	sbr.rel @p0 .LBB2_18-.Ltmp8, $4  }
0x1a5: {  	v0 =	vld.idx.msk [tilespmem:v1+s1+$0x0], $0xffff  }
0x1a6: {  	s24 =	sadd.s32 $0x80, s24;
	v1 =	vld.idx.msk [tilespmem:v2+s1+$0x0], $0xffff  }
0x1a7: {  	v2 =	vld.idx.msk [tilespmem:v4+s1+$0x0], $0xffff;
	[tilespmem:s24+$0x30] =	vst v6  }
0x1a8: {  	s26 =	sadd.s32 $0x80, s26;
	v4 =	vld.idx.msk [tilespmem:v7+s1+$0x0], $0xffff;
	[tilespmem:s24+$0xFFFFFFD0] =	vst v8  }
0x1a9: {  	[tilespmem:s24+$0xFFFFFFE0] =	vst v5  }
0x1aa: {  	[tilespmem:s24+$0xFFFFFFF0] =	vst v3  }
0x1ab: {  	[tilespmem:s24+$0x0] =	vst v0  }
0x1ac: {  	[tilespmem:s24+$0x10] =	vst v1  }
0x1ad: {  	[tilespmem:s24+$0x20] =	vst v2  }
0x1ae: {  	[tilespmem:s24+$0xFFFFFFC0] =	vst v4  }
0x1af: {  	s24 =	rddreg [dreg:$0x9]  }
0x1b0: {  	[hbm4b:s24+s15] =	stream.strided.scatter [tilespmem:s19], [sflag:$0x2], $0x1000, s16, s15, $0x38;
	[tilespmem:$0x1E700] =	vst v63  }
0x1b1: {  	_ =	swait.ge [sflag:s22], $0x1000  }
0x1b2: {  	[sflag:s22] =	ssyncset.done $0x0  }
0x1b3: {  	s26 =	simm.s32 $0x19770;
	[sflag:s22] =	ssyncadd.s32 $0xFFFFF000  }
0x1b4: {  	v0 =	vld [tilespmem:s26+$0x0]  }
0x1b5: {  	v1 =	vld [tilespmem:s26+$0xFFFFFFA0]  }
0x1b6: {  	v2 =	vld [tilespmem:s26+$0xFFFFFFB0]  }
0x1b7: {  	v3 =	vld [tilespmem:s26+$0xFFFFFFC0]  }
0x1b8: {  	v4 =	vld [tilespmem:s26+$0xFFFFFFD0]  }
0x1b9: {  	v6 =	vld [tilespmem:s26+$0xFFFFFFE0]  }
0x1ba: {  	v7 =	vld [tilespmem:s26+$0xFFFFFFF0]  }
0x1bb: {  	v8 =	vld [tilespmem:s26+$0xFFFFFF90]  }
0x1bc: {  	v9 =	vld.idx.msk [tilespmem:v0+s1+$0x0], $0xffff  }
0x1bd: {  	v10 =	vld.idx.msk [tilespmem:v1+s1+$0x0], $0xffff  }
0x1be: {  	v5 =	vld.idx.msk [tilespmem:v2+s1+$0x0], $0xffff  }
0x1bf: {  	v3 =	vld.idx.msk [tilespmem:v3+s1+$0x0], $0xffff  }
0x1c0: {  	v0 =	vld.idx.msk [tilespmem:v4+s1+$0x0], $0xffff  }
0x1c1: {  	s24 =	simm.s32 $0x1D740;
	v1 =	vld.idx.msk [tilespmem:v6+s1+$0x0], $0xffff  }
0x1c2: {  	v2 =	vld.idx.msk [tilespmem:v7+s1+$0x0], $0xffff;
	[tilespmem:s24+$0x30] =	vst v9  }
0x1c3: {  	s25 =	simm.s32 $0x0;
	s26 =	simm.s32 $0x197F0;
	v4 =	vld.idx.msk [tilespmem:v8+s1+$0x0], $0xffff;
	[tilespmem:s24+$0xFFFFFFD0] =	vst v10  }
.LBB2_20:
0x1c4: {  	v6 =	vld [tilespmem:s26+$0x0];
	s25 =	sadd.s32 $0x80, s25;
	[tilespmem:s24+$0xFFFFFFE0] =	vst v5  }
0x1c5: {  	v5 =	vld [tilespmem:s26+$0xFFFFFFA0];
	p0 =	slt.u32 s25, $0xF80;
	[tilespmem:s24+$0xFFFFFFF0] =	vst v3  }
0x1c6: {  	v3 =	vld [tilespmem:s26+$0xFFFFFFB0];
	[tilespmem:s24+$0x0] =	vst v0  }
0x1c7: {  	v0 =	vld [tilespmem:s26+$0xFFFFFFC0];
	[tilespmem:s24+$0x10] =	vst v1  }
0x1c8: {  	v1 =	vld [tilespmem:s26+$0xFFFFFFD0];
	[tilespmem:s24+$0x20] =	vst v2  }
0x1c9: {  	v2 =	vld [tilespmem:s26+$0xFFFFFFE0];
	[tilespmem:s24+$0xFFFFFFC0] =	vst v4  }
0x1ca: {  	v4 =	vld [tilespmem:s26+$0xFFFFFFF0]  }
0x1cb: {  	v7 =	vld [tilespmem:s26+$0xFFFFFF90]  }
0x1cc: {  	v6 =	vld.idx.msk [tilespmem:v6+s1+$0x0], $0xffff  }
0x1cd: {  	v8 =	vld.idx.msk [tilespmem:v5+s1+$0x0], $0xffff  }
0x1ce: {  	v5 =	vld.idx.msk [tilespmem:v3+s1+$0x0], $0xffff  }
.Ltmp9:
0x1cf: {  	v3 =	vld.idx.msk [tilespmem:v0+s1+$0x0], $0xffff;
	(pc) =	sbr.rel @p0 .LBB2_20-.Ltmp9, $4  }
0x1d0: {  	v0 =	vld.idx.msk [tilespmem:v1+s1+$0x0], $0xffff  }
0x1d1: {  	s24 =	sadd.s32 $0x80, s24;
	v1 =	vld.idx.msk [tilespmem:v2+s1+$0x0], $0xffff  }
0x1d2: {  	v2 =	vld.idx.msk [tilespmem:v4+s1+$0x0], $0xffff;
	[tilespmem:s24+$0x30] =	vst v6  }
0x1d3: {  	s26 =	sadd.s32 $0x80, s26;
	v4 =	vld.idx.msk [tilespmem:v7+s1+$0x0], $0xffff;
	[tilespmem:s24+$0xFFFFFFD0] =	vst v8  }
0x1d4: {  	[tilespmem:s24+$0xFFFFFFE0] =	vst v5  }
0x1d5: {  	[tilespmem:s24+$0xFFFFFFF0] =	vst v3  }
0x1d6: {  	[tilespmem:s24+$0x0] =	vst v0  }
0x1d7: {  	[tilespmem:s24+$0x10] =	vst v1  }
0x1d8: {  	[tilespmem:s24+$0x20] =	vst v2  }
0x1d9: {  	[tilespmem:s24+$0xFFFFFFC0] =	vst v4  }
0x1da: {  	s24 =	rddreg [dreg:$0xa]  }
0x1db: {  	[hbm4b:s24+s15] =	stream.strided.scatter [tilespmem:s20], [sflag:$0x3], $0x1000, s16, s15, $0x38;
	[tilespmem:$0x1E700] =	vst v63  }
0x1dc: {  	_ =	swait.ge [sflag:s21], $0x1000  }
0x1dd: {  	[sflag:s21] =	ssyncset.done $0x0  }
0x1de: {  	s26 =	simm.s32 $0x1A770;
	[sflag:s21] =	ssyncadd.s32 $0xFFFFF000  }
0x1df: {  	v0 =	vld [tilespmem:s26+$0x0]  }
0x1e0: {  	v1 =	vld [tilespmem:s26+$0xFFFFFFA0]  }
0x1e1: {  	v2 =	vld [tilespmem:s26+$0xFFFFFFB0]  }
0x1e2: {  	v3 =	vld [tilespmem:s26+$0xFFFFFFC0]  }
0x1e3: {  	v4 =	vld [tilespmem:s26+$0xFFFFFFD0]  }
0x1e4: {  	v6 =	vld [tilespmem:s26+$0xFFFFFFE0]  }
0x1e5: {  	v7 =	vld [tilespmem:s26+$0xFFFFFFF0]  }
0x1e6: {  	v8 =	vld [tilespmem:s26+$0xFFFFFF90]  }
0x1e7: {  	v9 =	vld.idx.msk [tilespmem:v0+s1+$0x0], $0xffff  }
0x1e8: {  	v10 =	vld.idx.msk [tilespmem:v1+s1+$0x0], $0xffff  }
0x1e9: {  	v5 =	vld.idx.msk [tilespmem:v2+s1+$0x0], $0xffff  }
0x1ea: {  	v3 =	vld.idx.msk [tilespmem:v3+s1+$0x0], $0xffff  }
0x1eb: {  	v0 =	vld.idx.msk [tilespmem:v4+s1+$0x0], $0xffff  }
0x1ec: {  	s24 =	simm.s32 $0x1C740;
	v1 =	vld.idx.msk [tilespmem:v6+s1+$0x0], $0xffff  }
0x1ed: {  	v2 =	vld.idx.msk [tilespmem:v7+s1+$0x0], $0xffff;
	[tilespmem:s24+$0x30] =	vst v9  }
0x1ee: {  	s25 =	simm.s32 $0x0;
	s26 =	simm.s32 $0x1A7F0;
	v4 =	vld.idx.msk [tilespmem:v8+s1+$0x0], $0xffff;
	[tilespmem:s24+$0xFFFFFFD0] =	vst v10  }
.LBB2_22:
0x1ef: {  	v6 =	vld [tilespmem:s26+$0x0];
	s25 =	sadd.s32 $0x80, s25;
	[tilespmem:s24+$0xFFFFFFE0] =	vst v5  }
0x1f0: {  	v5 =	vld [tilespmem:s26+$0xFFFFFFA0];
	p0 =	slt.u32 s25, $0xF80;
	[tilespmem:s24+$0xFFFFFFF0] =	vst v3  }
0x1f1: {  	v3 =	vld [tilespmem:s26+$0xFFFFFFB0];
	[tilespmem:s24+$0x0] =	vst v0  }
0x1f2: {  	v0 =	vld [tilespmem:s26+$0xFFFFFFC0];
	[tilespmem:s24+$0x10] =	vst v1  }
0x1f3: {  	v1 =	vld [tilespmem:s26+$0xFFFFFFD0];
	[tilespmem:s24+$0x20] =	vst v2  }
0x1f4: {  	v2 =	vld [tilespmem:s26+$0xFFFFFFE0];
	[tilespmem:s24+$0xFFFFFFC0] =	vst v4  }
0x1f5: {  	v4 =	vld [tilespmem:s26+$0xFFFFFFF0]  }
0x1f6: {  	v7 =	vld [tilespmem:s26+$0xFFFFFF90]  }
0x1f7: {  	v6 =	vld.idx.msk [tilespmem:v6+s1+$0x0], $0xffff  }
0x1f8: {  	v8 =	vld.idx.msk [tilespmem:v5+s1+$0x0], $0xffff  }
0x1f9: {  	v5 =	vld.idx.msk [tilespmem:v3+s1+$0x0], $0xffff  }
.Ltmp10:
0x1fa: {  	v3 =	vld.idx.msk [tilespmem:v0+s1+$0x0], $0xffff;
	(pc) =	sbr.rel @p0 .LBB2_22-.Ltmp10, $4  }
0x1fb: {  	v0 =	vld.idx.msk [tilespmem:v1+s1+$0x0], $0xffff  }
0x1fc: {  	s24 =	sadd.s32 $0x80, s24;
	v1 =	vld.idx.msk [tilespmem:v2+s1+$0x0], $0xffff  }
0x1fd: {  	v2 =	vld.idx.msk [tilespmem:v4+s1+$0x0], $0xffff;
	[tilespmem:s24+$0x30] =	vst v6  }
0x1fe: {  	s26 =	sadd.s32 $0x80, s26;
	v4 =	vld.idx.msk [tilespmem:v7+s1+$0x0], $0xffff;
	[tilespmem:s24+$0xFFFFFFD0] =	vst v8  }
0x1ff: {  	[tilespmem:s24+$0xFFFFFFE0] =	vst v5  }
0x200: {  	[tilespmem:s24+$0xFFFFFFF0] =	vst v3  }
0x201: {  	[tilespmem:s24+$0x0] =	vst v0  }
0x202: {  	[tilespmem:s24+$0x10] =	vst v1  }
0x203: {  	[tilespmem:s24+$0x20] =	vst v2  }
0x204: {  	[tilespmem:s24+$0xFFFFFFC0] =	vst v4  }
0x205: {  	s24 =	rddreg [dreg:$0xb]  }
0x206: {  	[hbm4b:s24+s15] =	stream.strided.scatter [tilespmem:s19], [sflag:$0x2], $0x1000, s16, s15, $0x38;
	[tilespmem:$0x1E700] =	vst v63  }
0x207: {  	_ =	swait.ge [sflag:s22], $0x1000  }
0x208: {  	[sflag:s22] =	ssyncset.done $0x0  }
0x209: {  	s26 =	simm.s32 $0x1B770;
	[sflag:s22] =	ssyncadd.s32 $0xFFFFF000  }
0x20a: {  	v0 =	vld [tilespmem:s26+$0x0]  }
0x20b: {  	v1 =	vld [tilespmem:s26+$0xFFFFFFA0]  }
0x20c: {  	v2 =	vld [tilespmem:s26+$0xFFFFFFB0]  }
0x20d: {  	v3 =	vld [tilespmem:s26+$0xFFFFFFC0]  }
0x20e: {  	v4 =	vld [tilespmem:s26+$0xFFFFFFD0]  }
0x20f: {  	v6 =	vld [tilespmem:s26+$0xFFFFFFE0]  }
0x210: {  	v7 =	vld [tilespmem:s26+$0xFFFFFFF0]  }
0x211: {  	v8 =	vld [tilespmem:s26+$0xFFFFFF90]  }
0x212: {  	v9 =	vld.idx.msk [tilespmem:v0+s1+$0x0], $0xffff  }
0x213: {  	v10 =	vld.idx.msk [tilespmem:v1+s1+$0x0], $0xffff  }
0x214: {  	v5 =	vld.idx.msk [tilespmem:v2+s1+$0x0], $0xffff  }
0x215: {  	v3 =	vld.idx.msk [tilespmem:v3+s1+$0x0], $0xffff  }
0x216: {  	v0 =	vld.idx.msk [tilespmem:v4+s1+$0x0], $0xffff  }
0x217: {  	s24 =	simm.s32 $0x1D740;
	v1 =	vld.idx.msk [tilespmem:v6+s1+$0x0], $0xffff  }
0x218: {  	v2 =	vld.idx.msk [tilespmem:v7+s1+$0x0], $0xffff;
	[tilespmem:s24+$0x30] =	vst v9  }
0x219: {  	s25 =	simm.s32 $0x0;
	s26 =	simm.s32 $0x1B7F0;
	v4 =	vld.idx.msk [tilespmem:v8+s1+$0x0], $0xffff;
	[tilespmem:s24+$0xFFFFFFD0] =	vst v10  }
.LBB2_24:
0x21a: {  	v6 =	vld [tilespmem:s26+$0x0];
	s25 =	sadd.s32 $0x80, s25;
	[tilespmem:s24+$0xFFFFFFE0] =	vst v5  }
0x21b: {  	v5 =	vld [tilespmem:s26+$0xFFFFFFA0];
	p0 =	slt.u32 s25, $0xF80;
	[tilespmem:s24+$0xFFFFFFF0] =	vst v3  }
0x21c: {  	v3 =	vld [tilespmem:s26+$0xFFFFFFB0];
	[tilespmem:s24+$0x0] =	vst v0  }
0x21d: {  	v0 =	vld [tilespmem:s26+$0xFFFFFFC0];
	[tilespmem:s24+$0x10] =	vst v1  }
0x21e: {  	v1 =	vld [tilespmem:s26+$0xFFFFFFD0];
	[tilespmem:s24+$0x20] =	vst v2  }
0x21f: {  	v2 =	vld [tilespmem:s26+$0xFFFFFFE0];
	[tilespmem:s24+$0xFFFFFFC0] =	vst v4  }
0x220: {  	v4 =	vld [tilespmem:s26+$0xFFFFFFF0]  }
0x221: {  	v7 =	vld [tilespmem:s26+$0xFFFFFF90]  }
0x222: {  	v6 =	vld.idx.msk [tilespmem:v6+s1+$0x0], $0xffff  }
0x223: {  	v8 =	vld.idx.msk [tilespmem:v5+s1+$0x0], $0xffff  }
0x224: {  	v5 =	vld.idx.msk [tilespmem:v3+s1+$0x0], $0xffff  }
.Ltmp11:
0x225: {  	v3 =	vld.idx.msk [tilespmem:v0+s1+$0x0], $0xffff;
	(pc) =	sbr.rel @p0 .LBB2_24-.Ltmp11, $4  }
0x226: {  	v0 =	vld.idx.msk [tilespmem:v1+s1+$0x0], $0xffff  }
0x227: {  	s24 =	sadd.s32 $0x80, s24;
	v1 =	vld.idx.msk [tilespmem:v2+s1+$0x0], $0xffff  }
0x228: {  	v2 =	vld.idx.msk [tilespmem:v4+s1+$0x0], $0xffff;
	[tilespmem:s24+$0x30] =	vst v6  }
0x229: {  	s26 =	sadd.s32 $0x80, s26;
	v4 =	vld.idx.msk [tilespmem:v7+s1+$0x0], $0xffff;
	[tilespmem:s24+$0xFFFFFFD0] =	vst v8  }
0x22a: {  	[tilespmem:s24+$0xFFFFFFE0] =	vst v5  }
0x22b: {  	[tilespmem:s24+$0xFFFFFFF0] =	vst v3  }
0x22c: {  	[tilespmem:s24+$0x0] =	vst v0  }
0x22d: {  	[tilespmem:s24+$0x10] =	vst v1  }
0x22e: {  	[tilespmem:s24+$0x20] =	vst v2  }
0x22f: {  	[tilespmem:s24+$0xFFFFFFC0] =	vst v4  }
0x230: {  	[tilespmem:s1], [sflag:$0x1] =	stream.strided.gather [hbm4b:s10+s15], $0x18700, s16, s15, $0x38;
	[tilespmem:$0x1E700] =	vst v63  }
0x231: {  	s24 =	rddreg [dreg:$0xc]  }
0x232: {  	[hbm4b:s24+s15] =	stream.strided.scatter [tilespmem:s20], [sflag:$0x3], $0x1000, s16, s15, $0x38;
	[tilespmem:$0x1E700] =	vst v63  }
0x233: {  	_ =	swait.ge [sflag:s18], $0x18700  }
0x234: {  	[sflag:s18] =	ssyncset.done $0x0  }
0x235: {  	[sflag:s18] =	ssyncadd.s32 $0xFFFE7900  }
0x236: {  	_ =	swait.ge [sflag:s21], $0x1000  }
0x237: {  	[sflag:s21] =	ssyncset.done $0x0  }
0x238: {  	s26 =	simm.s32 $0x18740;
	[sflag:s21] =	ssyncadd.s32 $0xFFFFF000  }
0x239: {  	v0 =	vld [tilespmem:s26+$0x30]  }
0x23a: {  	v1 =	vld [tilespmem:s26+$0xFFFFFFD0]  }
0x23b: {  	v2 =	vld [tilespmem:s26+$0xFFFFFFE0]  }
0x23c: {  	v3 =	vld [tilespmem:s26+$0xFFFFFFF0]  }
0x23d: {  	v4 =	vld [tilespmem:s26+$0x0]  }
0x23e: {  	v6 =	vld [tilespmem:s26+$0x10]  }
0x23f: {  	v7 =	vld [tilespmem:s26+$0x20]  }
0x240: {  	v8 =	vld [tilespmem:s26+$0xFFFFFFC0]  }
0x241: {  	v9 =	vld.idx.msk [tilespmem:v0+s1+$0x0], $0xffff  }
0x242: {  	v10 =	vld.idx.msk [tilespmem:v1+s1+$0x0], $0xffff  }
0x243: {  	v5 =	vld.idx.msk [tilespmem:v2+s1+$0x0], $0xffff  }
0x244: {  	v3 =	vld.idx.msk [tilespmem:v3+s1+$0x0], $0xffff  }
0x245: {  	v0 =	vld.idx.msk [tilespmem:v4+s1+$0x0], $0xffff  }
0x246: {  	s24 =	simm.s32 $0x1C740;
	v1 =	vld.idx.msk [tilespmem:v6+s1+$0x0], $0xffff  }
0x247: {  	v2 =	vld.idx.msk [tilespmem:v7+s1+$0x0], $0xffff;
	[tilespmem:s24+$0x30] =	vst v9  }
0x248: {  	s25 =	simm.s32 $0x0;
	s26 =	simm.s32 $0x187C0;
	v4 =	vld.idx.msk [tilespmem:v8+s1+$0x0], $0xffff;
	[tilespmem:s24+$0xFFFFFFD0] =	vst v10  }
.LBB2_26:
0x249: {  	v6 =	vld [tilespmem:s26+$0x30];
	s25 =	sadd.s32 $0x80, s25;
	[tilespmem:s24+$0xFFFFFFE0] =	vst v5  }
0x24a: {  	v5 =	vld [tilespmem:s26+$0xFFFFFFD0];
	p0 =	slt.u32 s25, $0xF80;
	[tilespmem:s24+$0xFFFFFFF0] =	vst v3  }
0x24b: {  	v3 =	vld [tilespmem:s26+$0xFFFFFFE0];
	[tilespmem:s24+$0x0] =	vst v0  }
0x24c: {  	v0 =	vld [tilespmem:s26+$0xFFFFFFF0];
	[tilespmem:s24+$0x10] =	vst v1  }
0x24d: {  	v1 =	vld [tilespmem:s26+$0x0];
	[tilespmem:s24+$0x20] =	vst v2  }
0x24e: {  	v2 =	vld [tilespmem:s26+$0x10];
	[tilespmem:s24+$0xFFFFFFC0] =	vst v4  }
0x24f: {  	v4 =	vld [tilespmem:s26+$0x20]  }
0x250: {  	v7 =	vld [tilespmem:s26+$0xFFFFFFC0]  }
0x251: {  	v6 =	vld.idx.msk [tilespmem:v6+s1+$0x0], $0xffff  }
0x252: {  	v8 =	vld.idx.msk [tilespmem:v5+s1+$0x0], $0xffff  }
0x253: {  	v5 =	vld.idx.msk [tilespmem:v3+s1+$0x0], $0xffff  }
.Ltmp12:
0x254: {  	v3 =	vld.idx.msk [tilespmem:v0+s1+$0x0], $0xffff;
	(pc) =	sbr.rel @p0 .LBB2_26-.Ltmp12, $4  }
0x255: {  	v0 =	vld.idx.msk [tilespmem:v1+s1+$0x0], $0xffff  }
0x256: {  	s24 =	sadd.s32 $0x80, s24;
	v1 =	vld.idx.msk [tilespmem:v2+s1+$0x0], $0xffff  }
0x257: {  	v2 =	vld.idx.msk [tilespmem:v4+s1+$0x0], $0xffff;
	[tilespmem:s24+$0x30] =	vst v6  }
0x258: {  	s26 =	sadd.s32 $0x80, s26;
	v4 =	vld.idx.msk [tilespmem:v7+s1+$0x0], $0xffff;
	[tilespmem:s24+$0xFFFFFFD0] =	vst v8  }
0x259: {  	[tilespmem:s24+$0xFFFFFFE0] =	vst v5  }
0x25a: {  	[tilespmem:s24+$0xFFFFFFF0] =	vst v3  }
0x25b: {  	[tilespmem:s24+$0x0] =	vst v0  }
0x25c: {  	[tilespmem:s24+$0x10] =	vst v1  }
0x25d: {  	[tilespmem:s24+$0x20] =	vst v2  }
0x25e: {  	[tilespmem:s24+$0xFFFFFFC0] =	vst v4  }
0x25f: {  	s24 =	rddreg [dreg:$0xd]  }
0x260: {  	[hbm4b:s24+s15] =	stream.strided.scatter [tilespmem:s19], [sflag:$0x2], $0x1000, s16, s15, $0x38;
	[tilespmem:$0x1E700] =	vst v63  }
0x261: {  	_ =	swait.ge [sflag:s22], $0x1000  }
0x262: {  	[sflag:s22] =	ssyncset.done $0x0  }
0x263: {  	s26 =	simm.s32 $0x19770;
	[sflag:s22] =	ssyncadd.s32 $0xFFFFF000  }
0x264: {  	v0 =	vld [tilespmem:s26+$0x0]  }
0x265: {  	v1 =	vld [tilespmem:s26+$0xFFFFFFA0]  }
0x266: {  	v2 =	vld [tilespmem:s26+$0xFFFFFFB0]  }
0x267: {  	v3 =	vld [tilespmem:s26+$0xFFFFFFC0]  }
0x268: {  	v4 =	vld [tilespmem:s26+$0xFFFFFFD0]  }
0x269: {  	v6 =	vld [tilespmem:s26+$0xFFFFFFE0]  }
0x26a: {  	v7 =	vld [tilespmem:s26+$0xFFFFFFF0]  }
0x26b: {  	v8 =	vld [tilespmem:s26+$0xFFFFFF90]  }
0x26c: {  	v9 =	vld.idx.msk [tilespmem:v0+s1+$0x0], $0xffff  }
0x26d: {  	v10 =	vld.idx.msk [tilespmem:v1+s1+$0x0], $0xffff  }
0x26e: {  	v5 =	vld.idx.msk [tilespmem:v2+s1+$0x0], $0xffff  }
0x26f: {  	v3 =	vld.idx.msk [tilespmem:v3+s1+$0x0], $0xffff  }
0x270: {  	v0 =	vld.idx.msk [tilespmem:v4+s1+$0x0], $0xffff  }
0x271: {  	s24 =	simm.s32 $0x1D740;
	v1 =	vld.idx.msk [tilespmem:v6+s1+$0x0], $0xffff  }
0x272: {  	v2 =	vld.idx.msk [tilespmem:v7+s1+$0x0], $0xffff;
	[tilespmem:s24+$0x30] =	vst v9  }
0x273: {  	s25 =	simm.s32 $0x0;
	s26 =	simm.s32 $0x197F0;
	v4 =	vld.idx.msk [tilespmem:v8+s1+$0x0], $0xffff;
	[tilespmem:s24+$0xFFFFFFD0] =	vst v10  }
.LBB2_28:
0x274: {  	v6 =	vld [tilespmem:s26+$0x0];
	s25 =	sadd.s32 $0x80, s25;
	[tilespmem:s24+$0xFFFFFFE0] =	vst v5  }
0x275: {  	v5 =	vld [tilespmem:s26+$0xFFFFFFA0];
	p0 =	slt.u32 s25, $0xF80;
	[tilespmem:s24+$0xFFFFFFF0] =	vst v3  }
0x276: {  	v3 =	vld [tilespmem:s26+$0xFFFFFFB0];
	[tilespmem:s24+$0x0] =	vst v0  }
0x277: {  	v0 =	vld [tilespmem:s26+$0xFFFFFFC0];
	[tilespmem:s24+$0x10] =	vst v1  }
0x278: {  	v1 =	vld [tilespmem:s26+$0xFFFFFFD0];
	[tilespmem:s24+$0x20] =	vst v2  }
0x279: {  	v2 =	vld [tilespmem:s26+$0xFFFFFFE0];
	[tilespmem:s24+$0xFFFFFFC0] =	vst v4  }
0x27a: {  	v4 =	vld [tilespmem:s26+$0xFFFFFFF0]  }
0x27b: {  	v7 =	vld [tilespmem:s26+$0xFFFFFF90]  }
0x27c: {  	v6 =	vld.idx.msk [tilespmem:v6+s1+$0x0], $0xffff  }
0x27d: {  	v8 =	vld.idx.msk [tilespmem:v5+s1+$0x0], $0xffff  }
0x27e: {  	v5 =	vld.idx.msk [tilespmem:v3+s1+$0x0], $0xffff  }
.Ltmp13:
0x27f: {  	v3 =	vld.idx.msk [tilespmem:v0+s1+$0x0], $0xffff;
	(pc) =	sbr.rel @p0 .LBB2_28-.Ltmp13, $4  }
0x280: {  	v0 =	vld.idx.msk [tilespmem:v1+s1+$0x0], $0xffff  }
0x281: {  	s24 =	sadd.s32 $0x80, s24;
	v1 =	vld.idx.msk [tilespmem:v2+s1+$0x0], $0xffff  }
0x282: {  	v2 =	vld.idx.msk [tilespmem:v4+s1+$0x0], $0xffff;
	[tilespmem:s24+$0x30] =	vst v6  }
0x283: {  	s26 =	sadd.s32 $0x80, s26;
	v4 =	vld.idx.msk [tilespmem:v7+s1+$0x0], $0xffff;
	[tilespmem:s24+$0xFFFFFFD0] =	vst v8  }
0x284: {  	[tilespmem:s24+$0xFFFFFFE0] =	vst v5  }
0x285: {  	[tilespmem:s24+$0xFFFFFFF0] =	vst v3  }
0x286: {  	[tilespmem:s24+$0x0] =	vst v0  }
0x287: {  	[tilespmem:s24+$0x10] =	vst v1  }
0x288: {  	[tilespmem:s24+$0x20] =	vst v2  }
0x289: {  	[tilespmem:s24+$0xFFFFFFC0] =	vst v4  }
0x28a: {  	s24 =	rddreg [dreg:$0xe]  }
0x28b: {  	[hbm4b:s24+s15] =	stream.strided.scatter [tilespmem:s20], [sflag:$0x3], $0x1000, s16, s15, $0x38;
	[tilespmem:$0x1E700] =	vst v63  }
0x28c: {  	_ =	swait.ge [sflag:s21], $0x1000  }
0x28d: {  	[sflag:s21] =	ssyncset.done $0x0  }
0x28e: {  	s26 =	simm.s32 $0x1A770;
	[sflag:s21] =	ssyncadd.s32 $0xFFFFF000  }
0x28f: {  	v0 =	vld [tilespmem:s26+$0x0]  }
0x290: {  	v1 =	vld [tilespmem:s26+$0xFFFFFFA0]  }
0x291: {  	v2 =	vld [tilespmem:s26+$0xFFFFFFB0]  }
0x292: {  	v3 =	vld [tilespmem:s26+$0xFFFFFFC0]  }
0x293: {  	v4 =	vld [tilespmem:s26+$0xFFFFFFD0]  }
0x294: {  	v6 =	vld [tilespmem:s26+$0xFFFFFFE0]  }
0x295: {  	v7 =	vld [tilespmem:s26+$0xFFFFFFF0]  }
0x296: {  	v8 =	vld [tilespmem:s26+$0xFFFFFF90]  }
0x297: {  	v9 =	vld.idx.msk [tilespmem:v0+s1+$0x0], $0xffff  }
0x298: {  	v10 =	vld.idx.msk [tilespmem:v1+s1+$0x0], $0xffff  }
0x299: {  	v5 =	vld.idx.msk [tilespmem:v2+s1+$0x0], $0xffff  }
0x29a: {  	v3 =	vld.idx.msk [tilespmem:v3+s1+$0x0], $0xffff  }
0x29b: {  	v0 =	vld.idx.msk [tilespmem:v4+s1+$0x0], $0xffff  }
0x29c: {  	s24 =	simm.s32 $0x1C740;
	v1 =	vld.idx.msk [tilespmem:v6+s1+$0x0], $0xffff  }
0x29d: {  	v2 =	vld.idx.msk [tilespmem:v7+s1+$0x0], $0xffff;
	[tilespmem:s24+$0x30] =	vst v9  }
0x29e: {  	s25 =	simm.s32 $0x0;
	s26 =	simm.s32 $0x1A7F0;
	v4 =	vld.idx.msk [tilespmem:v8+s1+$0x0], $0xffff;
	[tilespmem:s24+$0xFFFFFFD0] =	vst v10  }
.LBB2_30:
0x29f: {  	v6 =	vld [tilespmem:s26+$0x0];
	s25 =	sadd.s32 $0x80, s25;
	[tilespmem:s24+$0xFFFFFFE0] =	vst v5  }
0x2a0: {  	v5 =	vld [tilespmem:s26+$0xFFFFFFA0];
	p0 =	slt.u32 s25, $0xF80;
	[tilespmem:s24+$0xFFFFFFF0] =	vst v3  }
0x2a1: {  	v3 =	vld [tilespmem:s26+$0xFFFFFFB0];
	[tilespmem:s24+$0x0] =	vst v0  }
0x2a2: {  	v0 =	vld [tilespmem:s26+$0xFFFFFFC0];
	[tilespmem:s24+$0x10] =	vst v1  }
0x2a3: {  	v1 =	vld [tilespmem:s26+$0xFFFFFFD0];
	[tilespmem:s24+$0x20] =	vst v2  }
0x2a4: {  	v2 =	vld [tilespmem:s26+$0xFFFFFFE0];
	[tilespmem:s24+$0xFFFFFFC0] =	vst v4  }
0x2a5: {  	v4 =	vld [tilespmem:s26+$0xFFFFFFF0]  }
0x2a6: {  	v7 =	vld [tilespmem:s26+$0xFFFFFF90]  }
0x2a7: {  	v6 =	vld.idx.msk [tilespmem:v6+s1+$0x0], $0xffff  }
0x2a8: {  	v8 =	vld.idx.msk [tilespmem:v5+s1+$0x0], $0xffff  }
0x2a9: {  	v5 =	vld.idx.msk [tilespmem:v3+s1+$0x0], $0xffff  }
.Ltmp14:
0x2aa: {  	v3 =	vld.idx.msk [tilespmem:v0+s1+$0x0], $0xffff;
	(pc) =	sbr.rel @p0 .LBB2_30-.Ltmp14, $4  }
0x2ab: {  	v0 =	vld.idx.msk [tilespmem:v1+s1+$0x0], $0xffff  }
0x2ac: {  	s24 =	sadd.s32 $0x80, s24;
	v1 =	vld.idx.msk [tilespmem:v2+s1+$0x0], $0xffff  }
0x2ad: {  	v2 =	vld.idx.msk [tilespmem:v4+s1+$0x0], $0xffff;
	[tilespmem:s24+$0x30] =	vst v6  }
0x2ae: {  	s26 =	sadd.s32 $0x80, s26;
	v4 =	vld.idx.msk [tilespmem:v7+s1+$0x0], $0xffff;
	[tilespmem:s24+$0xFFFFFFD0] =	vst v8  }
0x2af: {  	[tilespmem:s24+$0xFFFFFFE0] =	vst v5  }
0x2b0: {  	[tilespmem:s24+$0xFFFFFFF0] =	vst v3  }
0x2b1: {  	[tilespmem:s24+$0x0] =	vst v0  }
0x2b2: {  	[tilespmem:s24+$0x10] =	vst v1  }
0x2b3: {  	[tilespmem:s24+$0x20] =	vst v2  }
0x2b4: {  	[tilespmem:s24+$0xFFFFFFC0] =	vst v4  }
0x2b5: {  	s24 =	rddreg [dreg:$0xf]  }
0x2b6: {  	[hbm4b:s24+s15] =	stream.strided.scatter [tilespmem:s19], [sflag:$0x2], $0x1000, s16, s15, $0x38;
	[tilespmem:$0x1E700] =	vst v63  }
0x2b7: {  	_ =	swait.ge [sflag:s22], $0x1000  }
0x2b8: {  	[sflag:s22] =	ssyncset.done $0x0  }
0x2b9: {  	s26 =	simm.s32 $0x1B770;
	[sflag:s22] =	ssyncadd.s32 $0xFFFFF000  }
0x2ba: {  	v0 =	vld [tilespmem:s26+$0x0]  }
0x2bb: {  	v1 =	vld [tilespmem:s26+$0xFFFFFFA0]  }
0x2bc: {  	v2 =	vld [tilespmem:s26+$0xFFFFFFB0]  }
0x2bd: {  	v3 =	vld [tilespmem:s26+$0xFFFFFFC0]  }
0x2be: {  	v4 =	vld [tilespmem:s26+$0xFFFFFFD0]  }
0x2bf: {  	v6 =	vld [tilespmem:s26+$0xFFFFFFE0]  }
0x2c0: {  	v7 =	vld [tilespmem:s26+$0xFFFFFFF0]  }
0x2c1: {  	v8 =	vld [tilespmem:s26+$0xFFFFFF90]  }
0x2c2: {  	v9 =	vld.idx.msk [tilespmem:v0+s1+$0x0], $0xffff  }
0x2c3: {  	v10 =	vld.idx.msk [tilespmem:v1+s1+$0x0], $0xffff  }
0x2c4: {  	v5 =	vld.idx.msk [tilespmem:v2+s1+$0x0], $0xffff  }
0x2c5: {  	v3 =	vld.idx.msk [tilespmem:v3+s1+$0x0], $0xffff  }
0x2c6: {  	v0 =	vld.idx.msk [tilespmem:v4+s1+$0x0], $0xffff  }
0x2c7: {  	s24 =	simm.s32 $0x1D740;
	v1 =	vld.idx.msk [tilespmem:v6+s1+$0x0], $0xffff  }
0x2c8: {  	v2 =	vld.idx.msk [tilespmem:v7+s1+$0x0], $0xffff;
	[tilespmem:s24+$0x30] =	vst v9  }
0x2c9: {  	s25 =	simm.s32 $0x0;
	s26 =	simm.s32 $0x1B7F0;
	v4 =	vld.idx.msk [tilespmem:v8+s1+$0x0], $0xffff;
	[tilespmem:s24+$0xFFFFFFD0] =	vst v10  }
.LBB2_32:
0x2ca: {  	v6 =	vld [tilespmem:s26+$0x0];
	s25 =	sadd.s32 $0x80, s25;
	[tilespmem:s24+$0xFFFFFFE0] =	vst v5  }
0x2cb: {  	v5 =	vld [tilespmem:s26+$0xFFFFFFA0];
	p0 =	slt.u32 s25, $0xF80;
	[tilespmem:s24+$0xFFFFFFF0] =	vst v3  }
0x2cc: {  	v3 =	vld [tilespmem:s26+$0xFFFFFFB0];
	[tilespmem:s24+$0x0] =	vst v0  }
0x2cd: {  	v0 =	vld [tilespmem:s26+$0xFFFFFFC0];
	[tilespmem:s24+$0x10] =	vst v1  }
0x2ce: {  	v1 =	vld [tilespmem:s26+$0xFFFFFFD0];
	[tilespmem:s24+$0x20] =	vst v2  }
0x2cf: {  	v2 =	vld [tilespmem:s26+$0xFFFFFFE0];
	[tilespmem:s24+$0xFFFFFFC0] =	vst v4  }
0x2d0: {  	v4 =	vld [tilespmem:s26+$0xFFFFFFF0]  }
0x2d1: {  	v7 =	vld [tilespmem:s26+$0xFFFFFF90]  }
0x2d2: {  	v6 =	vld.idx.msk [tilespmem:v6+s1+$0x0], $0xffff  }
0x2d3: {  	v8 =	vld.idx.msk [tilespmem:v5+s1+$0x0], $0xffff  }
0x2d4: {  	v5 =	vld.idx.msk [tilespmem:v3+s1+$0x0], $0xffff  }
.Ltmp15:
0x2d5: {  	v3 =	vld.idx.msk [tilespmem:v0+s1+$0x0], $0xffff;
	(pc) =	sbr.rel @p0 .LBB2_32-.Ltmp15, $4  }
0x2d6: {  	v0 =	vld.idx.msk [tilespmem:v1+s1+$0x0], $0xffff  }
0x2d7: {  	s24 =	sadd.s32 $0x80, s24;
	v1 =	vld.idx.msk [tilespmem:v2+s1+$0x0], $0xffff  }
0x2d8: {  	v2 =	vld.idx.msk [tilespmem:v4+s1+$0x0], $0xffff;
	[tilespmem:s24+$0x30] =	vst v6  }
0x2d9: {  	s26 =	sadd.s32 $0x80, s26;
	v4 =	vld.idx.msk [tilespmem:v7+s1+$0x0], $0xffff;
	[tilespmem:s24+$0xFFFFFFD0] =	vst v8  }
0x2da: {  	[tilespmem:s24+$0xFFFFFFE0] =	vst v5  }
0x2db: {  	[tilespmem:s24+$0xFFFFFFF0] =	vst v3  }
0x2dc: {  	[tilespmem:s24+$0x0] =	vst v0  }
0x2dd: {  	[tilespmem:s24+$0x10] =	vst v1  }
0x2de: {  	[tilespmem:s24+$0x20] =	vst v2  }
0x2df: {  	[tilespmem:s24+$0xFFFFFFC0] =	vst v4  }
0x2e0: {  	[tilespmem:s1], [sflag:$0x1] =	stream.strided.gather [hbm4b:s11+s15], $0x18700, s16, s15, $0x38;
	[tilespmem:$0x1E700] =	vst v63  }
0x2e1: {  	s24 =	rddreg [dreg:$0x10]  }
0x2e2: {  	[hbm4b:s24+s15] =	stream.strided.scatter [tilespmem:s20], [sflag:$0x3], $0x1000, s16, s15, $0x38;
	[tilespmem:$0x1E700] =	vst v63  }
0x2e3: {  	_ =	swait.ge [sflag:s18], $0x18700  }
0x2e4: {  	[sflag:s18] =	ssyncset.done $0x0  }
0x2e5: {  	[sflag:s18] =	ssyncadd.s32 $0xFFFE7900  }
0x2e6: {  	_ =	swait.ge [sflag:s21], $0x1000  }
0x2e7: {  	[sflag:s21] =	ssyncset.done $0x0  }
0x2e8: {  	s26 =	simm.s32 $0x18740;
	[sflag:s21] =	ssyncadd.s32 $0xFFFFF000  }
0x2e9: {  	v0 =	vld [tilespmem:s26+$0x30]  }
0x2ea: {  	v1 =	vld [tilespmem:s26+$0xFFFFFFD0]  }
0x2eb: {  	v2 =	vld [tilespmem:s26+$0xFFFFFFE0]  }
0x2ec: {  	v3 =	vld [tilespmem:s26+$0xFFFFFFF0]  }
0x2ed: {  	v4 =	vld [tilespmem:s26+$0x0]  }
0x2ee: {  	v6 =	vld [tilespmem:s26+$0x10]  }
0x2ef: {  	v7 =	vld [tilespmem:s26+$0x20]  }
0x2f0: {  	v8 =	vld [tilespmem:s26+$0xFFFFFFC0]  }
0x2f1: {  	v9 =	vld.idx.msk [tilespmem:v0+s1+$0x0], $0xffff  }
0x2f2: {  	v10 =	vld.idx.msk [tilespmem:v1+s1+$0x0], $0xffff  }
0x2f3: {  	v5 =	vld.idx.msk [tilespmem:v2+s1+$0x0], $0xffff  }
0x2f4: {  	v3 =	vld.idx.msk [tilespmem:v3+s1+$0x0], $0xffff  }
0x2f5: {  	v0 =	vld.idx.msk [tilespmem:v4+s1+$0x0], $0xffff  }
0x2f6: {  	s24 =	simm.s32 $0x1C740;
	v1 =	vld.idx.msk [tilespmem:v6+s1+$0x0], $0xffff  }
0x2f7: {  	v2 =	vld.idx.msk [tilespmem:v7+s1+$0x0], $0xffff;
	[tilespmem:s24+$0x30] =	vst v9  }
0x2f8: {  	s25 =	simm.s32 $0x0;
	s26 =	simm.s32 $0x187C0;
	v4 =	vld.idx.msk [tilespmem:v8+s1+$0x0], $0xffff;
	[tilespmem:s24+$0xFFFFFFD0] =	vst v10  }
.LBB2_34:
0x2f9: {  	v6 =	vld [tilespmem:s26+$0x30];
	s25 =	sadd.s32 $0x80, s25;
	[tilespmem:s24+$0xFFFFFFE0] =	vst v5  }
0x2fa: {  	v5 =	vld [tilespmem:s26+$0xFFFFFFD0];
	p0 =	slt.u32 s25, $0xF80;
	[tilespmem:s24+$0xFFFFFFF0] =	vst v3  }
0x2fb: {  	v3 =	vld [tilespmem:s26+$0xFFFFFFE0];
	[tilespmem:s24+$0x0] =	vst v0  }
0x2fc: {  	v0 =	vld [tilespmem:s26+$0xFFFFFFF0];
	[tilespmem:s24+$0x10] =	vst v1  }
0x2fd: {  	v1 =	vld [tilespmem:s26+$0x0];
	[tilespmem:s24+$0x20] =	vst v2  }
0x2fe: {  	v2 =	vld [tilespmem:s26+$0x10];
	[tilespmem:s24+$0xFFFFFFC0] =	vst v4  }
0x2ff: {  	v4 =	vld [tilespmem:s26+$0x20]  }
0x300: {  	v7 =	vld [tilespmem:s26+$0xFFFFFFC0]  }
0x301: {  	v6 =	vld.idx.msk [tilespmem:v6+s1+$0x0], $0xffff  }
0x302: {  	v8 =	vld.idx.msk [tilespmem:v5+s1+$0x0], $0xffff  }
0x303: {  	v5 =	vld.idx.msk [tilespmem:v3+s1+$0x0], $0xffff  }
.Ltmp16:
0x304: {  	v3 =	vld.idx.msk [tilespmem:v0+s1+$0x0], $0xffff;
	(pc) =	sbr.rel @p0 .LBB2_34-.Ltmp16, $4  }
0x305: {  	v0 =	vld.idx.msk [tilespmem:v1+s1+$0x0], $0xffff  }
0x306: {  	s24 =	sadd.s32 $0x80, s24;
	v1 =	vld.idx.msk [tilespmem:v2+s1+$0x0], $0xffff  }
0x307: {  	v2 =	vld.idx.msk [tilespmem:v4+s1+$0x0], $0xffff;
	[tilespmem:s24+$0x30] =	vst v6  }
0x308: {  	s26 =	sadd.s32 $0x80, s26;
	v4 =	vld.idx.msk [tilespmem:v7+s1+$0x0], $0xffff;
	[tilespmem:s24+$0xFFFFFFD0] =	vst v8  }
0x309: {  	[tilespmem:s24+$0xFFFFFFE0] =	vst v5  }
0x30a: {  	[tilespmem:s24+$0xFFFFFFF0] =	vst v3  }
0x30b: {  	[tilespmem:s24+$0x0] =	vst v0  }
0x30c: {  	[tilespmem:s24+$0x10] =	vst v1  }
0x30d: {  	[tilespmem:s24+$0x20] =	vst v2  }
0x30e: {  	[tilespmem:s24+$0xFFFFFFC0] =	vst v4  }
0x30f: {  	s24 =	rddreg [dreg:$0x11]  }
0x310: {  	[hbm4b:s24+s15] =	stream.strided.scatter [tilespmem:s19], [sflag:$0x2], $0x1000, s16, s15, $0x38;
	[tilespmem:$0x1E700] =	vst v63  }
0x311: {  	_ =	swait.ge [sflag:s22], $0x1000  }
0x312: {  	[sflag:s22] =	ssyncset.done $0x0  }
0x313: {  	s26 =	simm.s32 $0x19770;
	[sflag:s22] =	ssyncadd.s32 $0xFFFFF000  }
0x314: {  	v0 =	vld [tilespmem:s26+$0x0]  }
0x315: {  	v1 =	vld [tilespmem:s26+$0xFFFFFFA0]  }
0x316: {  	v2 =	vld [tilespmem:s26+$0xFFFFFFB0]  }
0x317: {  	v3 =	vld [tilespmem:s26+$0xFFFFFFC0]  }
0x318: {  	v4 =	vld [tilespmem:s26+$0xFFFFFFD0]  }
0x319: {  	v6 =	vld [tilespmem:s26+$0xFFFFFFE0]  }
0x31a: {  	v7 =	vld [tilespmem:s26+$0xFFFFFFF0]  }
0x31b: {  	v8 =	vld [tilespmem:s26+$0xFFFFFF90]  }
0x31c: {  	v9 =	vld.idx.msk [tilespmem:v0+s1+$0x0], $0xffff  }
0x31d: {  	v10 =	vld.idx.msk [tilespmem:v1+s1+$0x0], $0xffff  }
0x31e: {  	v5 =	vld.idx.msk [tilespmem:v2+s1+$0x0], $0xffff  }
0x31f: {  	v3 =	vld.idx.msk [tilespmem:v3+s1+$0x0], $0xffff  }
0x320: {  	v0 =	vld.idx.msk [tilespmem:v4+s1+$0x0], $0xffff  }
0x321: {  	s24 =	simm.s32 $0x1D740;
	v1 =	vld.idx.msk [tilespmem:v6+s1+$0x0], $0xffff  }
0x322: {  	v2 =	vld.idx.msk [tilespmem:v7+s1+$0x0], $0xffff;
	[tilespmem:s24+$0x30] =	vst v9  }
0x323: {  	s25 =	simm.s32 $0x0;
	s26 =	simm.s32 $0x197F0;
	v4 =	vld.idx.msk [tilespmem:v8+s1+$0x0], $0xffff;
	[tilespmem:s24+$0xFFFFFFD0] =	vst v10  }
.LBB2_36:
0x324: {  	v6 =	vld [tilespmem:s26+$0x0];
	s25 =	sadd.s32 $0x80, s25;
	[tilespmem:s24+$0xFFFFFFE0] =	vst v5  }
0x325: {  	v5 =	vld [tilespmem:s26+$0xFFFFFFA0];
	p0 =	slt.u32 s25, $0xF80;
	[tilespmem:s24+$0xFFFFFFF0] =	vst v3  }
0x326: {  	v3 =	vld [tilespmem:s26+$0xFFFFFFB0];
	[tilespmem:s24+$0x0] =	vst v0  }
0x327: {  	v0 =	vld [tilespmem:s26+$0xFFFFFFC0];
	[tilespmem:s24+$0x10] =	vst v1  }
0x328: {  	v1 =	vld [tilespmem:s26+$0xFFFFFFD0];
	[tilespmem:s24+$0x20] =	vst v2  }
0x329: {  	v2 =	vld [tilespmem:s26+$0xFFFFFFE0];
	[tilespmem:s24+$0xFFFFFFC0] =	vst v4  }
0x32a: {  	v4 =	vld [tilespmem:s26+$0xFFFFFFF0]  }
0x32b: {  	v7 =	vld [tilespmem:s26+$0xFFFFFF90]  }
0x32c: {  	v6 =	vld.idx.msk [tilespmem:v6+s1+$0x0], $0xffff  }
0x32d: {  	v8 =	vld.idx.msk [tilespmem:v5+s1+$0x0], $0xffff  }
0x32e: {  	v5 =	vld.idx.msk [tilespmem:v3+s1+$0x0], $0xffff  }
.Ltmp17:
0x32f: {  	v3 =	vld.idx.msk [tilespmem:v0+s1+$0x0], $0xffff;
	(pc) =	sbr.rel @p0 .LBB2_36-.Ltmp17, $4  }
0x330: {  	v0 =	vld.idx.msk [tilespmem:v1+s1+$0x0], $0xffff  }
0x331: {  	s24 =	sadd.s32 $0x80, s24;
	v1 =	vld.idx.msk [tilespmem:v2+s1+$0x0], $0xffff  }
0x332: {  	v2 =	vld.idx.msk [tilespmem:v4+s1+$0x0], $0xffff;
	[tilespmem:s24+$0x30] =	vst v6  }
0x333: {  	s26 =	sadd.s32 $0x80, s26;
	v4 =	vld.idx.msk [tilespmem:v7+s1+$0x0], $0xffff;
	[tilespmem:s24+$0xFFFFFFD0] =	vst v8  }
0x334: {  	[tilespmem:s24+$0xFFFFFFE0] =	vst v5  }
0x335: {  	[tilespmem:s24+$0xFFFFFFF0] =	vst v3  }
0x336: {  	[tilespmem:s24+$0x0] =	vst v0  }
0x337: {  	[tilespmem:s24+$0x10] =	vst v1  }
0x338: {  	[tilespmem:s24+$0x20] =	vst v2  }
0x339: {  	[tilespmem:s24+$0xFFFFFFC0] =	vst v4  }
0x33a: {  	s24 =	rddreg [dreg:$0x12]  }
0x33b: {  	[hbm4b:s24+s15] =	stream.strided.scatter [tilespmem:s20], [sflag:$0x3], $0x1000, s16, s15, $0x38;
	[tilespmem:$0x1E700] =	vst v63  }
0x33c: {  	_ =	swait.ge [sflag:s21], $0x1000  }
0x33d: {  	[sflag:s21] =	ssyncset.done $0x0  }
0x33e: {  	s26 =	simm.s32 $0x1A770;
	[sflag:s21] =	ssyncadd.s32 $0xFFFFF000  }
0x33f: {  	v0 =	vld [tilespmem:s26+$0x0]  }
0x340: {  	v1 =	vld [tilespmem:s26+$0xFFFFFFA0]  }
0x341: {  	v2 =	vld [tilespmem:s26+$0xFFFFFFB0]  }
0x342: {  	v3 =	vld [tilespmem:s26+$0xFFFFFFC0]  }
0x343: {  	v4 =	vld [tilespmem:s26+$0xFFFFFFD0]  }
0x344: {  	v6 =	vld [tilespmem:s26+$0xFFFFFFE0]  }
0x345: {  	v7 =	vld [tilespmem:s26+$0xFFFFFFF0]  }
0x346: {  	v8 =	vld [tilespmem:s26+$0xFFFFFF90]  }
0x347: {  	v9 =	vld.idx.msk [tilespmem:v0+s1+$0x0], $0xffff  }
0x348: {  	v10 =	vld.idx.msk [tilespmem:v1+s1+$0x0], $0xffff  }
0x349: {  	v5 =	vld.idx.msk [tilespmem:v2+s1+$0x0], $0xffff  }
0x34a: {  	v3 =	vld.idx.msk [tilespmem:v3+s1+$0x0], $0xffff  }
0x34b: {  	v0 =	vld.idx.msk [tilespmem:v4+s1+$0x0], $0xffff  }
0x34c: {  	s24 =	simm.s32 $0x1C740;
	v1 =	vld.idx.msk [tilespmem:v6+s1+$0x0], $0xffff  }
0x34d: {  	v2 =	vld.idx.msk [tilespmem:v7+s1+$0x0], $0xffff;
	[tilespmem:s24+$0x30] =	vst v9  }
0x34e: {  	s25 =	simm.s32 $0x0;
	s26 =	simm.s32 $0x1A7F0;
	v4 =	vld.idx.msk [tilespmem:v8+s1+$0x0], $0xffff;
	[tilespmem:s24+$0xFFFFFFD0] =	vst v10  }
.LBB2_38:
0x34f: {  	v6 =	vld [tilespmem:s26+$0x0];
	s25 =	sadd.s32 $0x80, s25;
	[tilespmem:s24+$0xFFFFFFE0] =	vst v5  }
0x350: {  	v5 =	vld [tilespmem:s26+$0xFFFFFFA0];
	p0 =	slt.u32 s25, $0xF80;
	[tilespmem:s24+$0xFFFFFFF0] =	vst v3  }
0x351: {  	v3 =	vld [tilespmem:s26+$0xFFFFFFB0];
	[tilespmem:s24+$0x0] =	vst v0  }
0x352: {  	v0 =	vld [tilespmem:s26+$0xFFFFFFC0];
	[tilespmem:s24+$0x10] =	vst v1  }
0x353: {  	v1 =	vld [tilespmem:s26+$0xFFFFFFD0];
	[tilespmem:s24+$0x20] =	vst v2  }
0x354: {  	v2 =	vld [tilespmem:s26+$0xFFFFFFE0];
	[tilespmem:s24+$0xFFFFFFC0] =	vst v4  }
0x355: {  	v4 =	vld [tilespmem:s26+$0xFFFFFFF0]  }
0x356: {  	v7 =	vld [tilespmem:s26+$0xFFFFFF90]  }
0x357: {  	v6 =	vld.idx.msk [tilespmem:v6+s1+$0x0], $0xffff  }
0x358: {  	v8 =	vld.idx.msk [tilespmem:v5+s1+$0x0], $0xffff  }
0x359: {  	v5 =	vld.idx.msk [tilespmem:v3+s1+$0x0], $0xffff  }
.Ltmp18:
0x35a: {  	v3 =	vld.idx.msk [tilespmem:v0+s1+$0x0], $0xffff;
	(pc) =	sbr.rel @p0 .LBB2_38-.Ltmp18, $4  }
0x35b: {  	v0 =	vld.idx.msk [tilespmem:v1+s1+$0x0], $0xffff  }
0x35c: {  	s24 =	sadd.s32 $0x80, s24;
	v1 =	vld.idx.msk [tilespmem:v2+s1+$0x0], $0xffff  }
0x35d: {  	v2 =	vld.idx.msk [tilespmem:v4+s1+$0x0], $0xffff;
	[tilespmem:s24+$0x30] =	vst v6  }
0x35e: {  	s26 =	sadd.s32 $0x80, s26;
	v4 =	vld.idx.msk [tilespmem:v7+s1+$0x0], $0xffff;
	[tilespmem:s24+$0xFFFFFFD0] =	vst v8  }
0x35f: {  	[tilespmem:s24+$0xFFFFFFE0] =	vst v5  }
0x360: {  	[tilespmem:s24+$0xFFFFFFF0] =	vst v3  }
0x361: {  	[tilespmem:s24+$0x0] =	vst v0  }
0x362: {  	[tilespmem:s24+$0x10] =	vst v1  }
0x363: {  	[tilespmem:s24+$0x20] =	vst v2  }
0x364: {  	[tilespmem:s24+$0xFFFFFFC0] =	vst v4  }
0x365: {  	s24 =	rddreg [dreg:$0x13]  }
0x366: {  	[hbm4b:s24+s15] =	stream.strided.scatter [tilespmem:s19], [sflag:$0x2], $0x1000, s16, s15, $0x38;
	[tilespmem:$0x1E700] =	vst v63  }
0x367: {  	_ =	swait.ge [sflag:s22], $0x1000  }
0x368: {  	[sflag:s22] =	ssyncset.done $0x0  }
0x369: {  	s26 =	simm.s32 $0x1B770;
	[sflag:s22] =	ssyncadd.s32 $0xFFFFF000  }
0x36a: {  	v0 =	vld [tilespmem:s26+$0x0]  }
0x36b: {  	v1 =	vld [tilespmem:s26+$0xFFFFFFA0]  }
0x36c: {  	v2 =	vld [tilespmem:s26+$0xFFFFFFB0]  }
0x36d: {  	v3 =	vld [tilespmem:s26+$0xFFFFFFC0]  }
0x36e: {  	v4 =	vld [tilespmem:s26+$0xFFFFFFD0]  }
0x36f: {  	v6 =	vld [tilespmem:s26+$0xFFFFFFE0]  }
0x370: {  	v7 =	vld [tilespmem:s26+$0xFFFFFFF0]  }
0x371: {  	v8 =	vld [tilespmem:s26+$0xFFFFFF90]  }
0x372: {  	v9 =	vld.idx.msk [tilespmem:v0+s1+$0x0], $0xffff  }
0x373: {  	v10 =	vld.idx.msk [tilespmem:v1+s1+$0x0], $0xffff  }
0x374: {  	v5 =	vld.idx.msk [tilespmem:v2+s1+$0x0], $0xffff  }
0x375: {  	v3 =	vld.idx.msk [tilespmem:v3+s1+$0x0], $0xffff  }
0x376: {  	v0 =	vld.idx.msk [tilespmem:v4+s1+$0x0], $0xffff  }
0x377: {  	s24 =	simm.s32 $0x1D740;
	v1 =	vld.idx.msk [tilespmem:v6+s1+$0x0], $0xffff  }
0x378: {  	v2 =	vld.idx.msk [tilespmem:v7+s1+$0x0], $0xffff;
	[tilespmem:s24+$0x30] =	vst v9  }
0x379: {  	s25 =	simm.s32 $0x0;
	s26 =	simm.s32 $0x1B7F0;
	v4 =	vld.idx.msk [tilespmem:v8+s1+$0x0], $0xffff;
	[tilespmem:s24+$0xFFFFFFD0] =	vst v10  }
.LBB2_40:
0x37a: {  	v6 =	vld [tilespmem:s26+$0x0];
	s25 =	sadd.s32 $0x80, s25;
	[tilespmem:s24+$0xFFFFFFE0] =	vst v5  }
0x37b: {  	v5 =	vld [tilespmem:s26+$0xFFFFFFA0];
	p0 =	slt.u32 s25, $0xF80;
	[tilespmem:s24+$0xFFFFFFF0] =	vst v3  }
0x37c: {  	v3 =	vld [tilespmem:s26+$0xFFFFFFB0];
	[tilespmem:s24+$0x0] =	vst v0  }
0x37d: {  	v0 =	vld [tilespmem:s26+$0xFFFFFFC0];
	[tilespmem:s24+$0x10] =	vst v1  }
0x37e: {  	v1 =	vld [tilespmem:s26+$0xFFFFFFD0];
	[tilespmem:s24+$0x20] =	vst v2  }
0x37f: {  	v2 =	vld [tilespmem:s26+$0xFFFFFFE0];
	[tilespmem:s24+$0xFFFFFFC0] =	vst v4  }
0x380: {  	v4 =	vld [tilespmem:s26+$0xFFFFFFF0]  }
0x381: {  	v7 =	vld [tilespmem:s26+$0xFFFFFF90]  }
0x382: {  	v6 =	vld.idx.msk [tilespmem:v6+s1+$0x0], $0xffff  }
0x383: {  	v8 =	vld.idx.msk [tilespmem:v5+s1+$0x0], $0xffff  }
0x384: {  	v5 =	vld.idx.msk [tilespmem:v3+s1+$0x0], $0xffff  }
.Ltmp19:
0x385: {  	v3 =	vld.idx.msk [tilespmem:v0+s1+$0x0], $0xffff;
	(pc) =	sbr.rel @p0 .LBB2_40-.Ltmp19, $4  }
0x386: {  	v0 =	vld.idx.msk [tilespmem:v1+s1+$0x0], $0xffff  }
0x387: {  	s24 =	sadd.s32 $0x80, s24;
	v1 =	vld.idx.msk [tilespmem:v2+s1+$0x0], $0xffff  }
0x388: {  	v2 =	vld.idx.msk [tilespmem:v4+s1+$0x0], $0xffff;
	[tilespmem:s24+$0x30] =	vst v6  }
0x389: {  	s26 =	sadd.s32 $0x80, s26;
	v4 =	vld.idx.msk [tilespmem:v7+s1+$0x0], $0xffff;
	[tilespmem:s24+$0xFFFFFFD0] =	vst v8  }
0x38a: {  	[tilespmem:s24+$0xFFFFFFE0] =	vst v5  }
0x38b: {  	[tilespmem:s24+$0xFFFFFFF0] =	vst v3  }
0x38c: {  	[tilespmem:s24+$0x0] =	vst v0  }
0x38d: {  	[tilespmem:s24+$0x10] =	vst v1  }
0x38e: {  	[tilespmem:s24+$0x20] =	vst v2  }
0x38f: {  	[tilespmem:s24+$0xFFFFFFC0] =	vst v4  }
0x390: {  	[tilespmem:s1], [sflag:$0x1] =	stream.strided.gather [hbm4b:s12+s15], $0x18700, s16, s15, $0x38;
	[tilespmem:$0x1E700] =	vst v63  }
0x391: {  	s24 =	rddreg [dreg:$0x14]  }
0x392: {  	[hbm4b:s24+s15] =	stream.strided.scatter [tilespmem:s20], [sflag:$0x3], $0x1000, s16, s15, $0x38;
	[tilespmem:$0x1E700] =	vst v63  }
0x393: {  	_ =	swait.ge [sflag:s18], $0x18700  }
0x394: {  	[sflag:s18] =	ssyncset.done $0x0  }
0x395: {  	[sflag:s18] =	ssyncadd.s32 $0xFFFE7900  }
0x396: {  	_ =	swait.ge [sflag:s21], $0x1000  }
0x397: {  	[sflag:s21] =	ssyncset.done $0x0  }
0x398: {  	s26 =	simm.s32 $0x18740;
	[sflag:s21] =	ssyncadd.s32 $0xFFFFF000  }
0x399: {  	v0 =	vld [tilespmem:s26+$0x30]  }
0x39a: {  	v1 =	vld [tilespmem:s26+$0xFFFFFFD0]  }
0x39b: {  	v2 =	vld [tilespmem:s26+$0xFFFFFFE0]  }
0x39c: {  	v3 =	vld [tilespmem:s26+$0xFFFFFFF0]  }
0x39d: {  	v4 =	vld [tilespmem:s26+$0x0]  }
0x39e: {  	v6 =	vld [tilespmem:s26+$0x10]  }
0x39f: {  	v7 =	vld [tilespmem:s26+$0x20]  }
0x3a0: {  	v8 =	vld [tilespmem:s26+$0xFFFFFFC0]  }
0x3a1: {  	v9 =	vld.idx.msk [tilespmem:v0+s1+$0x0], $0xffff  }
0x3a2: {  	v10 =	vld.idx.msk [tilespmem:v1+s1+$0x0], $0xffff  }
0x3a3: {  	v5 =	vld.idx.msk [tilespmem:v2+s1+$0x0], $0xffff  }
0x3a4: {  	v3 =	vld.idx.msk [tilespmem:v3+s1+$0x0], $0xffff  }
0x3a5: {  	v0 =	vld.idx.msk [tilespmem:v4+s1+$0x0], $0xffff  }
0x3a6: {  	s24 =	simm.s32 $0x1C740;
	v1 =	vld.idx.msk [tilespmem:v6+s1+$0x0], $0xffff  }
0x3a7: {  	v2 =	vld.idx.msk [tilespmem:v7+s1+$0x0], $0xffff;
	[tilespmem:s24+$0x30] =	vst v9  }
0x3a8: {  	s25 =	simm.s32 $0x0;
	s26 =	simm.s32 $0x187C0;
	v4 =	vld.idx.msk [tilespmem:v8+s1+$0x0], $0xffff;
	[tilespmem:s24+$0xFFFFFFD0] =	vst v10  }
.LBB2_42:
0x3a9: {  	v6 =	vld [tilespmem:s26+$0x30];
	s25 =	sadd.s32 $0x80, s25;
	[tilespmem:s24+$0xFFFFFFE0] =	vst v5  }
0x3aa: {  	v5 =	vld [tilespmem:s26+$0xFFFFFFD0];
	p0 =	slt.u32 s25, $0xF80;
	[tilespmem:s24+$0xFFFFFFF0] =	vst v3  }
0x3ab: {  	v3 =	vld [tilespmem:s26+$0xFFFFFFE0];
	[tilespmem:s24+$0x0] =	vst v0  }
0x3ac: {  	v0 =	vld [tilespmem:s26+$0xFFFFFFF0];
	[tilespmem:s24+$0x10] =	vst v1  }
0x3ad: {  	v1 =	vld [tilespmem:s26+$0x0];
	[tilespmem:s24+$0x20] =	vst v2  }
0x3ae: {  	v2 =	vld [tilespmem:s26+$0x10];
	[tilespmem:s24+$0xFFFFFFC0] =	vst v4  }
0x3af: {  	v4 =	vld [tilespmem:s26+$0x20]  }
0x3b0: {  	v7 =	vld [tilespmem:s26+$0xFFFFFFC0]  }
0x3b1: {  	v6 =	vld.idx.msk [tilespmem:v6+s1+$0x0], $0xffff  }
0x3b2: {  	v8 =	vld.idx.msk [tilespmem:v5+s1+$0x0], $0xffff  }
0x3b3: {  	v5 =	vld.idx.msk [tilespmem:v3+s1+$0x0], $0xffff  }
.Ltmp20:
0x3b4: {  	v3 =	vld.idx.msk [tilespmem:v0+s1+$0x0], $0xffff;
	(pc) =	sbr.rel @p0 .LBB2_42-.Ltmp20, $4  }
0x3b5: {  	v0 =	vld.idx.msk [tilespmem:v1+s1+$0x0], $0xffff  }
0x3b6: {  	s24 =	sadd.s32 $0x80, s24;
	v1 =	vld.idx.msk [tilespmem:v2+s1+$0x0], $0xffff  }
0x3b7: {  	v2 =	vld.idx.msk [tilespmem:v4+s1+$0x0], $0xffff;
	[tilespmem:s24+$0x30] =	vst v6  }
0x3b8: {  	s26 =	sadd.s32 $0x80, s26;
	v4 =	vld.idx.msk [tilespmem:v7+s1+$0x0], $0xffff;
	[tilespmem:s24+$0xFFFFFFD0] =	vst v8  }
0x3b9: {  	[tilespmem:s24+$0xFFFFFFE0] =	vst v5  }
0x3ba: {  	[tilespmem:s24+$0xFFFFFFF0] =	vst v3  }
0x3bb: {  	[tilespmem:s24+$0x0] =	vst v0  }
0x3bc: {  	[tilespmem:s24+$0x10] =	vst v1  }
0x3bd: {  	[tilespmem:s24+$0x20] =	vst v2  }
0x3be: {  	[tilespmem:s24+$0xFFFFFFC0] =	vst v4  }
0x3bf: {  	s24 =	rddreg [dreg:$0x15]  }
0x3c0: {  	[hbm4b:s24+s15] =	stream.strided.scatter [tilespmem:s19], [sflag:$0x2], $0x1000, s16, s15, $0x38;
	[tilespmem:$0x1E700] =	vst v63  }
0x3c1: {  	_ =	swait.ge [sflag:s22], $0x1000  }
0x3c2: {  	[sflag:s22] =	ssyncset.done $0x0  }
0x3c3: {  	s26 =	simm.s32 $0x19770;
	[sflag:s22] =	ssyncadd.s32 $0xFFFFF000  }
0x3c4: {  	v0 =	vld [tilespmem:s26+$0x0]  }
0x3c5: {  	v1 =	vld [tilespmem:s26+$0xFFFFFFA0]  }
0x3c6: {  	v2 =	vld [tilespmem:s26+$0xFFFFFFB0]  }
0x3c7: {  	v3 =	vld [tilespmem:s26+$0xFFFFFFC0]  }
0x3c8: {  	v4 =	vld [tilespmem:s26+$0xFFFFFFD0]  }
0x3c9: {  	v6 =	vld [tilespmem:s26+$0xFFFFFFE0]  }
0x3ca: {  	v7 =	vld [tilespmem:s26+$0xFFFFFFF0]  }
0x3cb: {  	v8 =	vld [tilespmem:s26+$0xFFFFFF90]  }
0x3cc: {  	v9 =	vld.idx.msk [tilespmem:v0+s1+$0x0], $0xffff  }
0x3cd: {  	v10 =	vld.idx.msk [tilespmem:v1+s1+$0x0], $0xffff  }
0x3ce: {  	v5 =	vld.idx.msk [tilespmem:v2+s1+$0x0], $0xffff  }
0x3cf: {  	v3 =	vld.idx.msk [tilespmem:v3+s1+$0x0], $0xffff  }
0x3d0: {  	v0 =	vld.idx.msk [tilespmem:v4+s1+$0x0], $0xffff  }
0x3d1: {  	s24 =	simm.s32 $0x1D740;
	v1 =	vld.idx.msk [tilespmem:v6+s1+$0x0], $0xffff  }
0x3d2: {  	v2 =	vld.idx.msk [tilespmem:v7+s1+$0x0], $0xffff;
	[tilespmem:s24+$0x30] =	vst v9  }
0x3d3: {  	s25 =	simm.s32 $0x0;
	s26 =	simm.s32 $0x197F0;
	v4 =	vld.idx.msk [tilespmem:v8+s1+$0x0], $0xffff;
	[tilespmem:s24+$0xFFFFFFD0] =	vst v10  }
.LBB2_44:
0x3d4: {  	v6 =	vld [tilespmem:s26+$0x0];
	s25 =	sadd.s32 $0x80, s25;
	[tilespmem:s24+$0xFFFFFFE0] =	vst v5  }
0x3d5: {  	v5 =	vld [tilespmem:s26+$0xFFFFFFA0];
	p0 =	slt.u32 s25, $0xF80;
	[tilespmem:s24+$0xFFFFFFF0] =	vst v3  }
0x3d6: {  	v3 =	vld [tilespmem:s26+$0xFFFFFFB0];
	[tilespmem:s24+$0x0] =	vst v0  }
0x3d7: {  	v0 =	vld [tilespmem:s26+$0xFFFFFFC0];
	[tilespmem:s24+$0x10] =	vst v1  }
0x3d8: {  	v1 =	vld [tilespmem:s26+$0xFFFFFFD0];
	[tilespmem:s24+$0x20] =	vst v2  }
0x3d9: {  	v2 =	vld [tilespmem:s26+$0xFFFFFFE0];
	[tilespmem:s24+$0xFFFFFFC0] =	vst v4  }
0x3da: {  	v4 =	vld [tilespmem:s26+$0xFFFFFFF0]  }
0x3db: {  	v7 =	vld [tilespmem:s26+$0xFFFFFF90]  }
0x3dc: {  	v6 =	vld.idx.msk [tilespmem:v6+s1+$0x0], $0xffff  }
0x3dd: {  	v8 =	vld.idx.msk [tilespmem:v5+s1+$0x0], $0xffff  }
0x3de: {  	v5 =	vld.idx.msk [tilespmem:v3+s1+$0x0], $0xffff  }
.Ltmp21:
0x3df: {  	v3 =	vld.idx.msk [tilespmem:v0+s1+$0x0], $0xffff;
	(pc) =	sbr.rel @p0 .LBB2_44-.Ltmp21, $4  }
0x3e0: {  	v0 =	vld.idx.msk [tilespmem:v1+s1+$0x0], $0xffff  }
0x3e1: {  	s24 =	sadd.s32 $0x80, s24;
	v1 =	vld.idx.msk [tilespmem:v2+s1+$0x0], $0xffff  }
0x3e2: {  	v2 =	vld.idx.msk [tilespmem:v4+s1+$0x0], $0xffff;
	[tilespmem:s24+$0x30] =	vst v6  }
0x3e3: {  	s26 =	sadd.s32 $0x80, s26;
	v4 =	vld.idx.msk [tilespmem:v7+s1+$0x0], $0xffff;
	[tilespmem:s24+$0xFFFFFFD0] =	vst v8  }
0x3e4: {  	[tilespmem:s24+$0xFFFFFFE0] =	vst v5  }
0x3e5: {  	[tilespmem:s24+$0xFFFFFFF0] =	vst v3  }
0x3e6: {  	[tilespmem:s24+$0x0] =	vst v0  }
0x3e7: {  	[tilespmem:s24+$0x10] =	vst v1  }
0x3e8: {  	[tilespmem:s24+$0x20] =	vst v2  }
0x3e9: {  	[tilespmem:s24+$0xFFFFFFC0] =	vst v4  }
0x3ea: {  	s24 =	rddreg [dreg:$0x16]  }
0x3eb: {  	[hbm4b:s24+s15] =	stream.strided.scatter [tilespmem:s20], [sflag:$0x3], $0x1000, s16, s15, $0x38;
	[tilespmem:$0x1E700] =	vst v63  }
0x3ec: {  	_ =	swait.ge [sflag:s21], $0x1000  }
0x3ed: {  	[sflag:s21] =	ssyncset.done $0x0  }
0x3ee: {  	s26 =	simm.s32 $0x1A770;
	[sflag:s21] =	ssyncadd.s32 $0xFFFFF000  }
0x3ef: {  	v0 =	vld [tilespmem:s26+$0x0]  }
0x3f0: {  	v1 =	vld [tilespmem:s26+$0xFFFFFFA0]  }
0x3f1: {  	v2 =	vld [tilespmem:s26+$0xFFFFFFB0]  }
0x3f2: {  	v3 =	vld [tilespmem:s26+$0xFFFFFFC0]  }
0x3f3: {  	v4 =	vld [tilespmem:s26+$0xFFFFFFD0]  }
0x3f4: {  	v6 =	vld [tilespmem:s26+$0xFFFFFFE0]  }
0x3f5: {  	v7 =	vld [tilespmem:s26+$0xFFFFFFF0]  }
0x3f6: {  	v8 =	vld [tilespmem:s26+$0xFFFFFF90]  }
0x3f7: {  	v9 =	vld.idx.msk [tilespmem:v0+s1+$0x0], $0xffff  }
0x3f8: {  	v10 =	vld.idx.msk [tilespmem:v1+s1+$0x0], $0xffff  }
0x3f9: {  	v5 =	vld.idx.msk [tilespmem:v2+s1+$0x0], $0xffff  }
0x3fa: {  	v3 =	vld.idx.msk [tilespmem:v3+s1+$0x0], $0xffff  }
0x3fb: {  	v0 =	vld.idx.msk [tilespmem:v4+s1+$0x0], $0xffff  }
0x3fc: {  	s24 =	simm.s32 $0x1C740;
	v1 =	vld.idx.msk [tilespmem:v6+s1+$0x0], $0xffff  }
0x3fd: {  	v2 =	vld.idx.msk [tilespmem:v7+s1+$0x0], $0xffff;
	[tilespmem:s24+$0x30] =	vst v9  }
0x3fe: {  	s25 =	simm.s32 $0x0;
	s26 =	simm.s32 $0x1A7F0;
	v4 =	vld.idx.msk [tilespmem:v8+s1+$0x0], $0xffff;
	[tilespmem:s24+$0xFFFFFFD0] =	vst v10  }
.LBB2_46:
0x3ff: {  	v6 =	vld [tilespmem:s26+$0x0];
	s25 =	sadd.s32 $0x80, s25;
	[tilespmem:s24+$0xFFFFFFE0] =	vst v5  }
0x400: {  	v5 =	vld [tilespmem:s26+$0xFFFFFFA0];
	p0 =	slt.u32 s25, $0xF80;
	[tilespmem:s24+$0xFFFFFFF0] =	vst v3  }
0x401: {  	v3 =	vld [tilespmem:s26+$0xFFFFFFB0];
	[tilespmem:s24+$0x0] =	vst v0  }
0x402: {  	v0 =	vld [tilespmem:s26+$0xFFFFFFC0];
	[tilespmem:s24+$0x10] =	vst v1  }
0x403: {  	v1 =	vld [tilespmem:s26+$0xFFFFFFD0];
	[tilespmem:s24+$0x20] =	vst v2  }
0x404: {  	v2 =	vld [tilespmem:s26+$0xFFFFFFE0];
	[tilespmem:s24+$0xFFFFFFC0] =	vst v4  }
0x405: {  	v4 =	vld [tilespmem:s26+$0xFFFFFFF0]  }
0x406: {  	v7 =	vld [tilespmem:s26+$0xFFFFFF90]  }
0x407: {  	v6 =	vld.idx.msk [tilespmem:v6+s1+$0x0], $0xffff  }
0x408: {  	v8 =	vld.idx.msk [tilespmem:v5+s1+$0x0], $0xffff  }
0x409: {  	v5 =	vld.idx.msk [tilespmem:v3+s1+$0x0], $0xffff  }
.Ltmp22:
0x40a: {  	v3 =	vld.idx.msk [tilespmem:v0+s1+$0x0], $0xffff;
	(pc) =	sbr.rel @p0 .LBB2_46-.Ltmp22, $4  }
0x40b: {  	v0 =	vld.idx.msk [tilespmem:v1+s1+$0x0], $0xffff  }
0x40c: {  	s24 =	sadd.s32 $0x80, s24;
	v1 =	vld.idx.msk [tilespmem:v2+s1+$0x0], $0xffff  }
0x40d: {  	v2 =	vld.idx.msk [tilespmem:v4+s1+$0x0], $0xffff;
	[tilespmem:s24+$0x30] =	vst v6  }
0x40e: {  	s26 =	sadd.s32 $0x80, s26;
	v4 =	vld.idx.msk [tilespmem:v7+s1+$0x0], $0xffff;
	[tilespmem:s24+$0xFFFFFFD0] =	vst v8  }
0x40f: {  	[tilespmem:s24+$0xFFFFFFE0] =	vst v5  }
0x410: {  	[tilespmem:s24+$0xFFFFFFF0] =	vst v3  }
0x411: {  	[tilespmem:s24+$0x0] =	vst v0  }
0x412: {  	[tilespmem:s24+$0x10] =	vst v1  }
0x413: {  	[tilespmem:s24+$0x20] =	vst v2  }
0x414: {  	[tilespmem:s24+$0xFFFFFFC0] =	vst v4  }
0x415: {  	s24 =	rddreg [dreg:$0x17]  }
0x416: {  	[hbm4b:s24+s15] =	stream.strided.scatter [tilespmem:s19], [sflag:$0x2], $0x1000, s16, s15, $0x38;
	[tilespmem:$0x1E700] =	vst v63  }
0x417: {  	_ =	swait.ge [sflag:s22], $0x1000  }
0x418: {  	[sflag:s22] =	ssyncset.done $0x0  }
0x419: {  	s26 =	simm.s32 $0x1B770;
	[sflag:s22] =	ssyncadd.s32 $0xFFFFF000  }
0x41a: {  	v0 =	vld [tilespmem:s26+$0x0]  }
0x41b: {  	v1 =	vld [tilespmem:s26+$0xFFFFFFA0]  }
0x41c: {  	v2 =	vld [tilespmem:s26+$0xFFFFFFB0]  }
0x41d: {  	v3 =	vld [tilespmem:s26+$0xFFFFFFC0]  }
0x41e: {  	v4 =	vld [tilespmem:s26+$0xFFFFFFD0]  }
0x41f: {  	v6 =	vld [tilespmem:s26+$0xFFFFFFE0]  }
0x420: {  	v7 =	vld [tilespmem:s26+$0xFFFFFFF0]  }
0x421: {  	v8 =	vld [tilespmem:s26+$0xFFFFFF90]  }
0x422: {  	v9 =	vld.idx.msk [tilespmem:v0+s1+$0x0], $0xffff  }
0x423: {  	v10 =	vld.idx.msk [tilespmem:v1+s1+$0x0], $0xffff  }
0x424: {  	v5 =	vld.idx.msk [tilespmem:v2+s1+$0x0], $0xffff  }
0x425: {  	v3 =	vld.idx.msk [tilespmem:v3+s1+$0x0], $0xffff  }
0x426: {  	v0 =	vld.idx.msk [tilespmem:v4+s1+$0x0], $0xffff  }
0x427: {  	s24 =	simm.s32 $0x1D740;
	v1 =	vld.idx.msk [tilespmem:v6+s1+$0x0], $0xffff  }
0x428: {  	v2 =	vld.idx.msk [tilespmem:v7+s1+$0x0], $0xffff;
	[tilespmem:s24+$0x30] =	vst v9  }
0x429: {  	s25 =	simm.s32 $0x0;
	s26 =	simm.s32 $0x1B7F0;
	v4 =	vld.idx.msk [tilespmem:v8+s1+$0x0], $0xffff;
	[tilespmem:s24+$0xFFFFFFD0] =	vst v10  }
.LBB2_48:
0x42a: {  	v6 =	vld [tilespmem:s26+$0x0];
	s25 =	sadd.s32 $0x80, s25;
	[tilespmem:s24+$0xFFFFFFE0] =	vst v5  }
0x42b: {  	v5 =	vld [tilespmem:s26+$0xFFFFFFA0];
	p0 =	slt.u32 s25, $0xF80;
	[tilespmem:s24+$0xFFFFFFF0] =	vst v3  }
0x42c: {  	v3 =	vld [tilespmem:s26+$0xFFFFFFB0];
	[tilespmem:s24+$0x0] =	vst v0  }
0x42d: {  	v0 =	vld [tilespmem:s26+$0xFFFFFFC0];
	[tilespmem:s24+$0x10] =	vst v1  }
0x42e: {  	v1 =	vld [tilespmem:s26+$0xFFFFFFD0];
	[tilespmem:s24+$0x20] =	vst v2  }
0x42f: {  	v2 =	vld [tilespmem:s26+$0xFFFFFFE0];
	[tilespmem:s24+$0xFFFFFFC0] =	vst v4  }
0x430: {  	v4 =	vld [tilespmem:s26+$0xFFFFFFF0]  }
0x431: {  	v7 =	vld [tilespmem:s26+$0xFFFFFF90]  }
0x432: {  	v6 =	vld.idx.msk [tilespmem:v6+s1+$0x0], $0xffff  }
0x433: {  	v8 =	vld.idx.msk [tilespmem:v5+s1+$0x0], $0xffff  }
0x434: {  	v5 =	vld.idx.msk [tilespmem:v3+s1+$0x0], $0xffff  }
.Ltmp23:
0x435: {  	v3 =	vld.idx.msk [tilespmem:v0+s1+$0x0], $0xffff;
	(pc) =	sbr.rel @p0 .LBB2_48-.Ltmp23, $4  }
0x436: {  	v0 =	vld.idx.msk [tilespmem:v1+s1+$0x0], $0xffff  }
0x437: {  	s24 =	sadd.s32 $0x80, s24;
	v1 =	vld.idx.msk [tilespmem:v2+s1+$0x0], $0xffff  }
0x438: {  	v2 =	vld.idx.msk [tilespmem:v4+s1+$0x0], $0xffff;
	[tilespmem:s24+$0x30] =	vst v6  }
0x439: {  	s26 =	sadd.s32 $0x80, s26;
	v4 =	vld.idx.msk [tilespmem:v7+s1+$0x0], $0xffff;
	[tilespmem:s24+$0xFFFFFFD0] =	vst v8  }
0x43a: {  	[tilespmem:s24+$0xFFFFFFE0] =	vst v5  }
0x43b: {  	[tilespmem:s24+$0xFFFFFFF0] =	vst v3  }
0x43c: {  	[tilespmem:s24+$0x0] =	vst v0  }
0x43d: {  	[tilespmem:s24+$0x10] =	vst v1  }
0x43e: {  	[tilespmem:s24+$0x20] =	vst v2  }
0x43f: {  	[tilespmem:s24+$0xFFFFFFC0] =	vst v4  }
0x440: {  	[tilespmem:s1], [sflag:$0x1] =	stream.strided.gather [hbm4b:s13+s15], $0x18700, s16, s15, $0x38;
	[tilespmem:$0x1E700] =	vst v63  }
0x441: {  	s24 =	rddreg [dreg:$0x18]  }
0x442: {  	[hbm4b:s24+s15] =	stream.strided.scatter [tilespmem:s20], [sflag:$0x3], $0x1000, s16, s15, $0x38;
	[tilespmem:$0x1E700] =	vst v63  }
0x443: {  	_ =	swait.ge [sflag:s18], $0x18700  }
0x444: {  	[sflag:s18] =	ssyncset.done $0x0  }
0x445: {  	[sflag:s18] =	ssyncadd.s32 $0xFFFE7900  }
0x446: {  	_ =	swait.ge [sflag:s21], $0x1000  }
0x447: {  	[sflag:s21] =	ssyncset.done $0x0  }
0x448: {  	s26 =	simm.s32 $0x18740;
	[sflag:s21] =	ssyncadd.s32 $0xFFFFF000  }
0x449: {  	v0 =	vld [tilespmem:s26+$0x30]  }
0x44a: {  	v1 =	vld [tilespmem:s26+$0xFFFFFFD0]  }
0x44b: {  	v2 =	vld [tilespmem:s26+$0xFFFFFFE0]  }
0x44c: {  	v3 =	vld [tilespmem:s26+$0xFFFFFFF0]  }
0x44d: {  	v4 =	vld [tilespmem:s26+$0x0]  }
0x44e: {  	v6 =	vld [tilespmem:s26+$0x10]  }
0x44f: {  	v7 =	vld [tilespmem:s26+$0x20]  }
0x450: {  	v8 =	vld [tilespmem:s26+$0xFFFFFFC0]  }
0x451: {  	v9 =	vld.idx.msk [tilespmem:v0+s1+$0x0], $0xffff  }
0x452: {  	v10 =	vld.idx.msk [tilespmem:v1+s1+$0x0], $0xffff  }
0x453: {  	v5 =	vld.idx.msk [tilespmem:v2+s1+$0x0], $0xffff  }
0x454: {  	v3 =	vld.idx.msk [tilespmem:v3+s1+$0x0], $0xffff  }
0x455: {  	v0 =	vld.idx.msk [tilespmem:v4+s1+$0x0], $0xffff  }
0x456: {  	s24 =	simm.s32 $0x1C740;
	v1 =	vld.idx.msk [tilespmem:v6+s1+$0x0], $0xffff  }
0x457: {  	v2 =	vld.idx.msk [tilespmem:v7+s1+$0x0], $0xffff;
	[tilespmem:s24+$0x30] =	vst v9  }
0x458: {  	s25 =	simm.s32 $0x0;
	s26 =	simm.s32 $0x187C0;
	v4 =	vld.idx.msk [tilespmem:v8+s1+$0x0], $0xffff;
	[tilespmem:s24+$0xFFFFFFD0] =	vst v10  }
.LBB2_50:
0x459: {  	v6 =	vld [tilespmem:s26+$0x30];
	s25 =	sadd.s32 $0x80, s25;
	[tilespmem:s24+$0xFFFFFFE0] =	vst v5  }
0x45a: {  	v5 =	vld [tilespmem:s26+$0xFFFFFFD0];
	p0 =	slt.u32 s25, $0xF80;
	[tilespmem:s24+$0xFFFFFFF0] =	vst v3  }
0x45b: {  	v3 =	vld [tilespmem:s26+$0xFFFFFFE0];
	[tilespmem:s24+$0x0] =	vst v0  }
0x45c: {  	v0 =	vld [tilespmem:s26+$0xFFFFFFF0];
	[tilespmem:s24+$0x10] =	vst v1  }
0x45d: {  	v1 =	vld [tilespmem:s26+$0x0];
	[tilespmem:s24+$0x20] =	vst v2  }
0x45e: {  	v2 =	vld [tilespmem:s26+$0x10];
	[tilespmem:s24+$0xFFFFFFC0] =	vst v4  }
0x45f: {  	v4 =	vld [tilespmem:s26+$0x20]  }
0x460: {  	v7 =	vld [tilespmem:s26+$0xFFFFFFC0]  }
0x461: {  	v6 =	vld.idx.msk [tilespmem:v6+s1+$0x0], $0xffff  }
0x462: {  	v8 =	vld.idx.msk [tilespmem:v5+s1+$0x0], $0xffff  }
0x463: {  	v5 =	vld.idx.msk [tilespmem:v3+s1+$0x0], $0xffff  }
.Ltmp24:
0x464: {  	v3 =	vld.idx.msk [tilespmem:v0+s1+$0x0], $0xffff;
	(pc) =	sbr.rel @p0 .LBB2_50-.Ltmp24, $4  }
0x465: {  	v0 =	vld.idx.msk [tilespmem:v1+s1+$0x0], $0xffff  }
0x466: {  	s24 =	sadd.s32 $0x80, s24;
	v1 =	vld.idx.msk [tilespmem:v2+s1+$0x0], $0xffff  }
0x467: {  	v2 =	vld.idx.msk [tilespmem:v4+s1+$0x0], $0xffff;
	[tilespmem:s24+$0x30] =	vst v6  }
0x468: {  	s26 =	sadd.s32 $0x80, s26;
	v4 =	vld.idx.msk [tilespmem:v7+s1+$0x0], $0xffff;
	[tilespmem:s24+$0xFFFFFFD0] =	vst v8  }
0x469: {  	[tilespmem:s24+$0xFFFFFFE0] =	vst v5  }
0x46a: {  	[tilespmem:s24+$0xFFFFFFF0] =	vst v3  }
0x46b: {  	[tilespmem:s24+$0x0] =	vst v0  }
0x46c: {  	[tilespmem:s24+$0x10] =	vst v1  }
0x46d: {  	[tilespmem:s24+$0x20] =	vst v2  }
0x46e: {  	[tilespmem:s24+$0xFFFFFFC0] =	vst v4  }
0x46f: {  	s24 =	rddreg [dreg:$0x19]  }
0x470: {  	[hbm4b:s24+s15] =	stream.strided.scatter [tilespmem:s19], [sflag:$0x2], $0x1000, s16, s15, $0x38;
	[tilespmem:$0x1E700] =	vst v63  }
0x471: {  	_ =	swait.ge [sflag:s22], $0x1000  }
0x472: {  	[sflag:s22] =	ssyncset.done $0x0  }
0x473: {  	s26 =	simm.s32 $0x19770;
	[sflag:s22] =	ssyncadd.s32 $0xFFFFF000  }
0x474: {  	v0 =	vld [tilespmem:s26+$0x0]  }
0x475: {  	v1 =	vld [tilespmem:s26+$0xFFFFFFA0]  }
0x476: {  	v2 =	vld [tilespmem:s26+$0xFFFFFFB0]  }
0x477: {  	v3 =	vld [tilespmem:s26+$0xFFFFFFC0]  }
0x478: {  	v4 =	vld [tilespmem:s26+$0xFFFFFFD0]  }
0x479: {  	v6 =	vld [tilespmem:s26+$0xFFFFFFE0]  }
0x47a: {  	v7 =	vld [tilespmem:s26+$0xFFFFFFF0]  }
0x47b: {  	v8 =	vld [tilespmem:s26+$0xFFFFFF90]  }
0x47c: {  	v9 =	vld.idx.msk [tilespmem:v0+s1+$0x0], $0xffff  }
0x47d: {  	v10 =	vld.idx.msk [tilespmem:v1+s1+$0x0], $0xffff  }
0x47e: {  	v5 =	vld.idx.msk [tilespmem:v2+s1+$0x0], $0xffff  }
0x47f: {  	v3 =	vld.idx.msk [tilespmem:v3+s1+$0x0], $0xffff  }
0x480: {  	v0 =	vld.idx.msk [tilespmem:v4+s1+$0x0], $0xffff  }
0x481: {  	s24 =	simm.s32 $0x1D740;
	v1 =	vld.idx.msk [tilespmem:v6+s1+$0x0], $0xffff  }
0x482: {  	v2 =	vld.idx.msk [tilespmem:v7+s1+$0x0], $0xffff;
	[tilespmem:s24+$0x30] =	vst v9  }
0x483: {  	s25 =	simm.s32 $0x0;
	s26 =	simm.s32 $0x197F0;
	v4 =	vld.idx.msk [tilespmem:v8+s1+$0x0], $0xffff;
	[tilespmem:s24+$0xFFFFFFD0] =	vst v10  }
.LBB2_52:
0x484: {  	v6 =	vld [tilespmem:s26+$0x0];
	s25 =	sadd.s32 $0x80, s25;
	[tilespmem:s24+$0xFFFFFFE0] =	vst v5  }
0x485: {  	v5 =	vld [tilespmem:s26+$0xFFFFFFA0];
	p0 =	slt.u32 s25, $0xF80;
	[tilespmem:s24+$0xFFFFFFF0] =	vst v3  }
0x486: {  	v3 =	vld [tilespmem:s26+$0xFFFFFFB0];
	[tilespmem:s24+$0x0] =	vst v0  }
0x487: {  	v0 =	vld [tilespmem:s26+$0xFFFFFFC0];
	[tilespmem:s24+$0x10] =	vst v1  }
0x488: {  	v1 =	vld [tilespmem:s26+$0xFFFFFFD0];
	[tilespmem:s24+$0x20] =	vst v2  }
0x489: {  	v2 =	vld [tilespmem:s26+$0xFFFFFFE0];
	[tilespmem:s24+$0xFFFFFFC0] =	vst v4  }
0x48a: {  	v4 =	vld [tilespmem:s26+$0xFFFFFFF0]  }
0x48b: {  	v7 =	vld [tilespmem:s26+$0xFFFFFF90]  }
0x48c: {  	v6 =	vld.idx.msk [tilespmem:v6+s1+$0x0], $0xffff  }
0x48d: {  	v8 =	vld.idx.msk [tilespmem:v5+s1+$0x0], $0xffff  }
0x48e: {  	v5 =	vld.idx.msk [tilespmem:v3+s1+$0x0], $0xffff  }
.Ltmp25:
0x48f: {  	v3 =	vld.idx.msk [tilespmem:v0+s1+$0x0], $0xffff;
	(pc) =	sbr.rel @p0 .LBB2_52-.Ltmp25, $4  }
0x490: {  	v0 =	vld.idx.msk [tilespmem:v1+s1+$0x0], $0xffff  }
0x491: {  	s24 =	sadd.s32 $0x80, s24;
	v1 =	vld.idx.msk [tilespmem:v2+s1+$0x0], $0xffff  }
0x492: {  	v2 =	vld.idx.msk [tilespmem:v4+s1+$0x0], $0xffff;
	[tilespmem:s24+$0x30] =	vst v6  }
0x493: {  	s26 =	sadd.s32 $0x80, s26;
	v4 =	vld.idx.msk [tilespmem:v7+s1+$0x0], $0xffff;
	[tilespmem:s24+$0xFFFFFFD0] =	vst v8  }
0x494: {  	[tilespmem:s24+$0xFFFFFFE0] =	vst v5  }
0x495: {  	[tilespmem:s24+$0xFFFFFFF0] =	vst v3  }
0x496: {  	[tilespmem:s24+$0x0] =	vst v0  }
0x497: {  	[tilespmem:s24+$0x10] =	vst v1  }
0x498: {  	[tilespmem:s24+$0x20] =	vst v2  }
0x499: {  	[tilespmem:s24+$0xFFFFFFC0] =	vst v4  }
0x49a: {  	s24 =	rddreg [dreg:$0x1a]  }
0x49b: {  	[hbm4b:s24+s15] =	stream.strided.scatter [tilespmem:s20], [sflag:$0x3], $0x1000, s16, s15, $0x38;
	[tilespmem:$0x1E700] =	vst v63  }
0x49c: {  	_ =	swait.ge [sflag:s21], $0x1000  }
0x49d: {  	[sflag:s21] =	ssyncset.done $0x0  }
0x49e: {  	s26 =	simm.s32 $0x1A770;
	[sflag:s21] =	ssyncadd.s32 $0xFFFFF000  }
0x49f: {  	v0 =	vld [tilespmem:s26+$0x0]  }
0x4a0: {  	v1 =	vld [tilespmem:s26+$0xFFFFFFA0]  }
0x4a1: {  	v2 =	vld [tilespmem:s26+$0xFFFFFFB0]  }
0x4a2: {  	v3 =	vld [tilespmem:s26+$0xFFFFFFC0]  }
0x4a3: {  	v4 =	vld [tilespmem:s26+$0xFFFFFFD0]  }
0x4a4: {  	v6 =	vld [tilespmem:s26+$0xFFFFFFE0]  }
0x4a5: {  	v7 =	vld [tilespmem:s26+$0xFFFFFFF0]  }
0x4a6: {  	v8 =	vld [tilespmem:s26+$0xFFFFFF90]  }
0x4a7: {  	v9 =	vld.idx.msk [tilespmem:v0+s1+$0x0], $0xffff  }
0x4a8: {  	v10 =	vld.idx.msk [tilespmem:v1+s1+$0x0], $0xffff  }
0x4a9: {  	v5 =	vld.idx.msk [tilespmem:v2+s1+$0x0], $0xffff  }
0x4aa: {  	v3 =	vld.idx.msk [tilespmem:v3+s1+$0x0], $0xffff  }
0x4ab: {  	v0 =	vld.idx.msk [tilespmem:v4+s1+$0x0], $0xffff  }
0x4ac: {  	s24 =	simm.s32 $0x1C740;
	v1 =	vld.idx.msk [tilespmem:v6+s1+$0x0], $0xffff  }
0x4ad: {  	v2 =	vld.idx.msk [tilespmem:v7+s1+$0x0], $0xffff;
	[tilespmem:s24+$0x30] =	vst v9  }
0x4ae: {  	s25 =	simm.s32 $0x0;
	s26 =	simm.s32 $0x1A7F0;
	v4 =	vld.idx.msk [tilespmem:v8+s1+$0x0], $0xffff;
	[tilespmem:s24+$0xFFFFFFD0] =	vst v10  }
.LBB2_54:
0x4af: {  	v6 =	vld [tilespmem:s26+$0x0];
	s25 =	sadd.s32 $0x80, s25;
	[tilespmem:s24+$0xFFFFFFE0] =	vst v5  }
0x4b0: {  	v5 =	vld [tilespmem:s26+$0xFFFFFFA0];
	p0 =	slt.u32 s25, $0xF80;
	[tilespmem:s24+$0xFFFFFFF0] =	vst v3  }
0x4b1: {  	v3 =	vld [tilespmem:s26+$0xFFFFFFB0];
	[tilespmem:s24+$0x0] =	vst v0  }
0x4b2: {  	v0 =	vld [tilespmem:s26+$0xFFFFFFC0];
	[tilespmem:s24+$0x10] =	vst v1  }
0x4b3: {  	v1 =	vld [tilespmem:s26+$0xFFFFFFD0];
	[tilespmem:s24+$0x20] =	vst v2  }
0x4b4: {  	v2 =	vld [tilespmem:s26+$0xFFFFFFE0];
	[tilespmem:s24+$0xFFFFFFC0] =	vst v4  }
0x4b5: {  	v4 =	vld [tilespmem:s26+$0xFFFFFFF0]  }
0x4b6: {  	v7 =	vld [tilespmem:s26+$0xFFFFFF90]  }
0x4b7: {  	v6 =	vld.idx.msk [tilespmem:v6+s1+$0x0], $0xffff  }
0x4b8: {  	v8 =	vld.idx.msk [tilespmem:v5+s1+$0x0], $0xffff  }
0x4b9: {  	v5 =	vld.idx.msk [tilespmem:v3+s1+$0x0], $0xffff  }
.Ltmp26:
0x4ba: {  	v3 =	vld.idx.msk [tilespmem:v0+s1+$0x0], $0xffff;
	(pc) =	sbr.rel @p0 .LBB2_54-.Ltmp26, $4  }
0x4bb: {  	v0 =	vld.idx.msk [tilespmem:v1+s1+$0x0], $0xffff  }
0x4bc: {  	s24 =	sadd.s32 $0x80, s24;
	v1 =	vld.idx.msk [tilespmem:v2+s1+$0x0], $0xffff  }
0x4bd: {  	v2 =	vld.idx.msk [tilespmem:v4+s1+$0x0], $0xffff;
	[tilespmem:s24+$0x30] =	vst v6  }
0x4be: {  	s26 =	sadd.s32 $0x80, s26;
	v4 =	vld.idx.msk [tilespmem:v7+s1+$0x0], $0xffff;
	[tilespmem:s24+$0xFFFFFFD0] =	vst v8  }
0x4bf: {  	[tilespmem:s24+$0xFFFFFFE0] =	vst v5  }
0x4c0: {  	[tilespmem:s24+$0xFFFFFFF0] =	vst v3  }
0x4c1: {  	[tilespmem:s24+$0x0] =	vst v0  }
0x4c2: {  	[tilespmem:s24+$0x10] =	vst v1  }
0x4c3: {  	[tilespmem:s24+$0x20] =	vst v2  }
0x4c4: {  	[tilespmem:s24+$0xFFFFFFC0] =	vst v4  }
0x4c5: {  	s24 =	rddreg [dreg:$0x1b]  }
0x4c6: {  	[hbm4b:s24+s15] =	stream.strided.scatter [tilespmem:s19], [sflag:$0x2], $0x1000, s16, s15, $0x38;
	[tilespmem:$0x1E700] =	vst v63  }
0x4c7: {  	_ =	swait.ge [sflag:s22], $0x1000  }
0x4c8: {  	[sflag:s22] =	ssyncset.done $0x0  }
0x4c9: {  	s26 =	simm.s32 $0x1B770;
	[sflag:s22] =	ssyncadd.s32 $0xFFFFF000  }
0x4ca: {  	v0 =	vld [tilespmem:s26+$0x0]  }
0x4cb: {  	v1 =	vld [tilespmem:s26+$0xFFFFFFA0]  }
0x4cc: {  	v2 =	vld [tilespmem:s26+$0xFFFFFFB0]  }
0x4cd: {  	v3 =	vld [tilespmem:s26+$0xFFFFFFC0]  }
0x4ce: {  	v4 =	vld [tilespmem:s26+$0xFFFFFFD0]  }
0x4cf: {  	v6 =	vld [tilespmem:s26+$0xFFFFFFE0]  }
0x4d0: {  	v7 =	vld [tilespmem:s26+$0xFFFFFFF0]  }
0x4d1: {  	v8 =	vld [tilespmem:s26+$0xFFFFFF90]  }
0x4d2: {  	v9 =	vld.idx.msk [tilespmem:v0+s1+$0x0], $0xffff  }
0x4d3: {  	v10 =	vld.idx.msk [tilespmem:v1+s1+$0x0], $0xffff  }
0x4d4: {  	v5 =	vld.idx.msk [tilespmem:v2+s1+$0x0], $0xffff  }
0x4d5: {  	v3 =	vld.idx.msk [tilespmem:v3+s1+$0x0], $0xffff  }
0x4d6: {  	v0 =	vld.idx.msk [tilespmem:v4+s1+$0x0], $0xffff  }
0x4d7: {  	s24 =	simm.s32 $0x1D740;
	v1 =	vld.idx.msk [tilespmem:v6+s1+$0x0], $0xffff  }
0x4d8: {  	v2 =	vld.idx.msk [tilespmem:v7+s1+$0x0], $0xffff;
	[tilespmem:s24+$0x30] =	vst v9  }
0x4d9: {  	s25 =	simm.s32 $0x0;
	s26 =	simm.s32 $0x1B7F0;
	v4 =	vld.idx.msk [tilespmem:v8+s1+$0x0], $0xffff;
	[tilespmem:s24+$0xFFFFFFD0] =	vst v10  }
.LBB2_56:
0x4da: {  	v6 =	vld [tilespmem:s26+$0x0];
	s25 =	sadd.s32 $0x80, s25;
	[tilespmem:s24+$0xFFFFFFE0] =	vst v5  }
0x4db: {  	v5 =	vld [tilespmem:s26+$0xFFFFFFA0];
	p0 =	slt.u32 s25, $0xF80;
	[tilespmem:s24+$0xFFFFFFF0] =	vst v3  }
0x4dc: {  	v3 =	vld [tilespmem:s26+$0xFFFFFFB0];
	[tilespmem:s24+$0x0] =	vst v0  }
0x4dd: {  	v0 =	vld [tilespmem:s26+$0xFFFFFFC0];
	[tilespmem:s24+$0x10] =	vst v1  }
0x4de: {  	v1 =	vld [tilespmem:s26+$0xFFFFFFD0];
	[tilespmem:s24+$0x20] =	vst v2  }
0x4df: {  	v2 =	vld [tilespmem:s26+$0xFFFFFFE0];
	[tilespmem:s24+$0xFFFFFFC0] =	vst v4  }
0x4e0: {  	v4 =	vld [tilespmem:s26+$0xFFFFFFF0]  }
0x4e1: {  	v7 =	vld [tilespmem:s26+$0xFFFFFF90]  }
0x4e2: {  	v6 =	vld.idx.msk [tilespmem:v6+s1+$0x0], $0xffff  }
0x4e3: {  	v8 =	vld.idx.msk [tilespmem:v5+s1+$0x0], $0xffff  }
0x4e4: {  	v5 =	vld.idx.msk [tilespmem:v3+s1+$0x0], $0xffff  }
.Ltmp27:
0x4e5: {  	v3 =	vld.idx.msk [tilespmem:v0+s1+$0x0], $0xffff;
	(pc) =	sbr.rel @p0 .LBB2_56-.Ltmp27, $4  }
0x4e6: {  	v0 =	vld.idx.msk [tilespmem:v1+s1+$0x0], $0xffff  }
0x4e7: {  	s24 =	sadd.s32 $0x80, s24;
	v1 =	vld.idx.msk [tilespmem:v2+s1+$0x0], $0xffff  }
0x4e8: {  	v2 =	vld.idx.msk [tilespmem:v4+s1+$0x0], $0xffff;
	[tilespmem:s24+$0x30] =	vst v6  }
0x4e9: {  	s26 =	sadd.s32 $0x80, s26;
	v4 =	vld.idx.msk [tilespmem:v7+s1+$0x0], $0xffff;
	[tilespmem:s24+$0xFFFFFFD0] =	vst v8  }
0x4ea: {  	[tilespmem:s24+$0xFFFFFFE0] =	vst v5  }
0x4eb: {  	[tilespmem:s24+$0xFFFFFFF0] =	vst v3  }
0x4ec: {  	[tilespmem:s24+$0x0] =	vst v0  }
0x4ed: {  	[tilespmem:s24+$0x10] =	vst v1  }
0x4ee: {  	[tilespmem:s24+$0x20] =	vst v2  }
0x4ef: {  	[tilespmem:s24+$0xFFFFFFC0] =	vst v4  }
0x4f0: {  	[tilespmem:s1], [sflag:$0x1] =	stream.strided.gather [hbm4b:s14+s15], $0x18700, s16, s15, $0x38;
	[tilespmem:$0x1E700] =	vst v63  }
0x4f1: {  	_ = 	snop  }
0x4f2: {  	[hbm4b:s28+s15] =	stream.strided.scatter [tilespmem:s20], [sflag:$0x3], $0x1000, s16, s15, $0x38;
	[tilespmem:$0x1E700] =	vst v63  }
0x4f3: {  	_ =	swait.ge [sflag:s18], $0x18700  }
0x4f4: {  	[sflag:s18] =	ssyncset.done $0x0  }
0x4f5: {  	[sflag:s18] =	ssyncadd.s32 $0xFFFE7900  }
0x4f6: {  	_ =	swait.ge [sflag:s21], $0x1000  }
0x4f7: {  	[sflag:s21] =	ssyncset.done $0x0  }
0x4f8: {  	s26 =	simm.s32 $0x18740;
	[sflag:s21] =	ssyncadd.s32 $0xFFFFF000  }
0x4f9: {  	v0 =	vld [tilespmem:s26+$0x30]  }
0x4fa: {  	v1 =	vld [tilespmem:s26+$0xFFFFFFD0]  }
0x4fb: {  	v2 =	vld [tilespmem:s26+$0xFFFFFFE0]  }
0x4fc: {  	v3 =	vld [tilespmem:s26+$0xFFFFFFF0]  }
0x4fd: {  	v4 =	vld [tilespmem:s26+$0x0]  }
0x4fe: {  	v6 =	vld [tilespmem:s26+$0x10]  }
0x4ff: {  	v7 =	vld [tilespmem:s26+$0x20]  }
0x500: {  	v8 =	vld [tilespmem:s26+$0xFFFFFFC0]  }
0x501: {  	v9 =	vld.idx.msk [tilespmem:v0+s1+$0x0], $0xffff  }
0x502: {  	v10 =	vld.idx.msk [tilespmem:v1+s1+$0x0], $0xffff  }
0x503: {  	v5 =	vld.idx.msk [tilespmem:v2+s1+$0x0], $0xffff  }
0x504: {  	v3 =	vld.idx.msk [tilespmem:v3+s1+$0x0], $0xffff  }
0x505: {  	v0 =	vld.idx.msk [tilespmem:v4+s1+$0x0], $0xffff  }
0x506: {  	s24 =	simm.s32 $0x1C740;
	v1 =	vld.idx.msk [tilespmem:v6+s1+$0x0], $0xffff  }
0x507: {  	v2 =	vld.idx.msk [tilespmem:v7+s1+$0x0], $0xffff;
	[tilespmem:s24+$0x30] =	vst v9  }
0x508: {  	s25 =	simm.s32 $0x0;
	s26 =	simm.s32 $0x187C0;
	v4 =	vld.idx.msk [tilespmem:v8+s1+$0x0], $0xffff;
	[tilespmem:s24+$0xFFFFFFD0] =	vst v10  }
.LBB2_58:
0x509: {  	v6 =	vld [tilespmem:s26+$0x30];
	s25 =	sadd.s32 $0x80, s25;
	[tilespmem:s24+$0xFFFFFFE0] =	vst v5  }
0x50a: {  	v5 =	vld [tilespmem:s26+$0xFFFFFFD0];
	p0 =	slt.u32 s25, $0xF80;
	[tilespmem:s24+$0xFFFFFFF0] =	vst v3  }
0x50b: {  	v3 =	vld [tilespmem:s26+$0xFFFFFFE0];
	[tilespmem:s24+$0x0] =	vst v0  }
0x50c: {  	v0 =	vld [tilespmem:s26+$0xFFFFFFF0];
	[tilespmem:s24+$0x10] =	vst v1  }
0x50d: {  	v1 =	vld [tilespmem:s26+$0x0];
	[tilespmem:s24+$0x20] =	vst v2  }
0x50e: {  	v2 =	vld [tilespmem:s26+$0x10];
	[tilespmem:s24+$0xFFFFFFC0] =	vst v4  }
0x50f: {  	v4 =	vld [tilespmem:s26+$0x20]  }
0x510: {  	v7 =	vld [tilespmem:s26+$0xFFFFFFC0]  }
0x511: {  	v6 =	vld.idx.msk [tilespmem:v6+s1+$0x0], $0xffff  }
0x512: {  	v8 =	vld.idx.msk [tilespmem:v5+s1+$0x0], $0xffff  }
0x513: {  	v5 =	vld.idx.msk [tilespmem:v3+s1+$0x0], $0xffff  }
.Ltmp28:
0x514: {  	v3 =	vld.idx.msk [tilespmem:v0+s1+$0x0], $0xffff;
	(pc) =	sbr.rel @p0 .LBB2_58-.Ltmp28, $4  }
0x515: {  	v0 =	vld.idx.msk [tilespmem:v1+s1+$0x0], $0xffff  }
0x516: {  	s24 =	sadd.s32 $0x80, s24;
	v1 =	vld.idx.msk [tilespmem:v2+s1+$0x0], $0xffff  }
0x517: {  	v2 =	vld.idx.msk [tilespmem:v4+s1+$0x0], $0xffff;
	[tilespmem:s24+$0x30] =	vst v6  }
0x518: {  	s26 =	sadd.s32 $0x80, s26;
	v4 =	vld.idx.msk [tilespmem:v7+s1+$0x0], $0xffff;
	[tilespmem:s24+$0xFFFFFFD0] =	vst v8  }
0x519: {  	[tilespmem:s24+$0xFFFFFFE0] =	vst v5  }
0x51a: {  	[tilespmem:s24+$0xFFFFFFF0] =	vst v3  }
0x51b: {  	[tilespmem:s24+$0x0] =	vst v0  }
0x51c: {  	[tilespmem:s24+$0x10] =	vst v1  }
0x51d: {  	[tilespmem:s24+$0x20] =	vst v2  }
0x51e: {  	[tilespmem:s24+$0xFFFFFFC0] =	vst v4  }
0x51f: {  	[hbm4b:s3+s15] =	stream.strided.scatter [tilespmem:s19], [sflag:$0x2], $0x1000, s16, s15, $0x38;
	[tilespmem:$0x1E700] =	vst v63  }
0x520: {  	_ =	swait.ge [sflag:s22], $0x1000  }
0x521: {  	[sflag:s22] =	ssyncset.done $0x0  }
0x522: {  	s26 =	simm.s32 $0x19770;
	[sflag:s22] =	ssyncadd.s32 $0xFFFFF000  }
0x523: {  	v0 =	vld [tilespmem:s26+$0x0]  }
0x524: {  	v1 =	vld [tilespmem:s26+$0xFFFFFFA0]  }
0x525: {  	v2 =	vld [tilespmem:s26+$0xFFFFFFB0]  }
0x526: {  	v3 =	vld [tilespmem:s26+$0xFFFFFFC0]  }
0x527: {  	v4 =	vld [tilespmem:s26+$0xFFFFFFD0]  }
0x528: {  	v6 =	vld [tilespmem:s26+$0xFFFFFFE0]  }
0x529: {  	v7 =	vld [tilespmem:s26+$0xFFFFFFF0]  }
0x52a: {  	v8 =	vld [tilespmem:s26+$0xFFFFFF90]  }
0x52b: {  	v9 =	vld.idx.msk [tilespmem:v0+s1+$0x0], $0xffff  }
0x52c: {  	v10 =	vld.idx.msk [tilespmem:v1+s1+$0x0], $0xffff  }
0x52d: {  	v5 =	vld.idx.msk [tilespmem:v2+s1+$0x0], $0xffff  }
0x52e: {  	v3 =	vld.idx.msk [tilespmem:v3+s1+$0x0], $0xffff  }
0x52f: {  	v0 =	vld.idx.msk [tilespmem:v4+s1+$0x0], $0xffff  }
0x530: {  	s24 =	simm.s32 $0x1D740;
	v1 =	vld.idx.msk [tilespmem:v6+s1+$0x0], $0xffff  }
0x531: {  	v2 =	vld.idx.msk [tilespmem:v7+s1+$0x0], $0xffff;
	[tilespmem:s24+$0x30] =	vst v9  }
0x532: {  	s25 =	simm.s32 $0x0;
	s26 =	simm.s32 $0x197F0;
	v4 =	vld.idx.msk [tilespmem:v8+s1+$0x0], $0xffff;
	[tilespmem:s24+$0xFFFFFFD0] =	vst v10  }
.LBB2_60:
0x533: {  	v6 =	vld [tilespmem:s26+$0x0];
	s25 =	sadd.s32 $0x80, s25;
	[tilespmem:s24+$0xFFFFFFE0] =	vst v5  }
0x534: {  	v5 =	vld [tilespmem:s26+$0xFFFFFFA0];
	p0 =	slt.u32 s25, $0xF80;
	[tilespmem:s24+$0xFFFFFFF0] =	vst v3  }
0x535: {  	v3 =	vld [tilespmem:s26+$0xFFFFFFB0];
	[tilespmem:s24+$0x0] =	vst v0  }
0x536: {  	v0 =	vld [tilespmem:s26+$0xFFFFFFC0];
	[tilespmem:s24+$0x10] =	vst v1  }
0x537: {  	v1 =	vld [tilespmem:s26+$0xFFFFFFD0];
	[tilespmem:s24+$0x20] =	vst v2  }
0x538: {  	v2 =	vld [tilespmem:s26+$0xFFFFFFE0];
	[tilespmem:s24+$0xFFFFFFC0] =	vst v4  }
0x539: {  	v4 =	vld [tilespmem:s26+$0xFFFFFFF0]  }
0x53a: {  	v7 =	vld [tilespmem:s26+$0xFFFFFF90]  }
0x53b: {  	v6 =	vld.idx.msk [tilespmem:v6+s1+$0x0], $0xffff  }
0x53c: {  	v8 =	vld.idx.msk [tilespmem:v5+s1+$0x0], $0xffff  }
0x53d: {  	v5 =	vld.idx.msk [tilespmem:v3+s1+$0x0], $0xffff  }
.Ltmp29:
0x53e: {  	v3 =	vld.idx.msk [tilespmem:v0+s1+$0x0], $0xffff;
	(pc) =	sbr.rel @p0 .LBB2_60-.Ltmp29, $4  }
0x53f: {  	v0 =	vld.idx.msk [tilespmem:v1+s1+$0x0], $0xffff  }
0x540: {  	s24 =	sadd.s32 $0x80, s24;
	v1 =	vld.idx.msk [tilespmem:v2+s1+$0x0], $0xffff  }
0x541: {  	v2 =	vld.idx.msk [tilespmem:v4+s1+$0x0], $0xffff;
	[tilespmem:s24+$0x30] =	vst v6  }
0x542: {  	s26 =	sadd.s32 $0x80, s26;
	v4 =	vld.idx.msk [tilespmem:v7+s1+$0x0], $0xffff;
	[tilespmem:s24+$0xFFFFFFD0] =	vst v8  }
0x543: {  	[tilespmem:s24+$0xFFFFFFE0] =	vst v5  }
0x544: {  	[tilespmem:s24+$0xFFFFFFF0] =	vst v3  }
0x545: {  	[tilespmem:s24+$0x0] =	vst v0  }
0x546: {  	[tilespmem:s24+$0x10] =	vst v1  }
0x547: {  	[tilespmem:s24+$0x20] =	vst v2  }
0x548: {  	[tilespmem:s24+$0xFFFFFFC0] =	vst v4  }
0x549: {  	[hbm4b:s4+s15] =	stream.strided.scatter [tilespmem:s20], [sflag:$0x3], $0x1000, s16, s15, $0x38;
	[tilespmem:$0x1E700] =	vst v63  }
0x54a: {  	_ =	swait.ge [sflag:s21], $0x1000  }
0x54b: {  	[sflag:s21] =	ssyncset.done $0x0  }
0x54c: {  	s26 =	simm.s32 $0x1A770;
	[sflag:s21] =	ssyncadd.s32 $0xFFFFF000  }
0x54d: {  	v0 =	vld [tilespmem:s26+$0x0]  }
0x54e: {  	v1 =	vld [tilespmem:s26+$0xFFFFFFA0]  }
0x54f: {  	v2 =	vld [tilespmem:s26+$0xFFFFFFB0]  }
0x550: {  	v3 =	vld [tilespmem:s26+$0xFFFFFFC0]  }
0x551: {  	v4 =	vld [tilespmem:s26+$0xFFFFFFD0]  }
0x552: {  	v6 =	vld [tilespmem:s26+$0xFFFFFFE0]  }
0x553: {  	v7 =	vld [tilespmem:s26+$0xFFFFFFF0]  }
0x554: {  	v8 =	vld [tilespmem:s26+$0xFFFFFF90]  }
0x555: {  	v9 =	vld.idx.msk [tilespmem:v0+s1+$0x0], $0xffff  }
0x556: {  	v10 =	vld.idx.msk [tilespmem:v1+s1+$0x0], $0xffff  }
0x557: {  	v5 =	vld.idx.msk [tilespmem:v2+s1+$0x0], $0xffff  }
0x558: {  	v3 =	vld.idx.msk [tilespmem:v3+s1+$0x0], $0xffff  }
0x559: {  	v0 =	vld.idx.msk [tilespmem:v4+s1+$0x0], $0xffff  }
0x55a: {  	s24 =	simm.s32 $0x1C740;
	v1 =	vld.idx.msk [tilespmem:v6+s1+$0x0], $0xffff  }
0x55b: {  	v2 =	vld.idx.msk [tilespmem:v7+s1+$0x0], $0xffff;
	[tilespmem:s24+$0x30] =	vst v9  }
0x55c: {  	s25 =	simm.s32 $0x0;
	s26 =	simm.s32 $0x1A7F0;
	v4 =	vld.idx.msk [tilespmem:v8+s1+$0x0], $0xffff;
	[tilespmem:s24+$0xFFFFFFD0] =	vst v10  }
.LBB2_62:
0x55d: {  	v6 =	vld [tilespmem:s26+$0x0];
	s25 =	sadd.s32 $0x80, s25;
	[tilespmem:s24+$0xFFFFFFE0] =	vst v5  }
0x55e: {  	v5 =	vld [tilespmem:s26+$0xFFFFFFA0];
	p0 =	slt.u32 s25, $0xF80;
	[tilespmem:s24+$0xFFFFFFF0] =	vst v3  }
0x55f: {  	v3 =	vld [tilespmem:s26+$0xFFFFFFB0];
	[tilespmem:s24+$0x0] =	vst v0  }
0x560: {  	v0 =	vld [tilespmem:s26+$0xFFFFFFC0];
	[tilespmem:s24+$0x10] =	vst v1  }
0x561: {  	v1 =	vld [tilespmem:s26+$0xFFFFFFD0];
	[tilespmem:s24+$0x20] =	vst v2  }
0x562: {  	v2 =	vld [tilespmem:s26+$0xFFFFFFE0];
	[tilespmem:s24+$0xFFFFFFC0] =	vst v4  }
0x563: {  	v4 =	vld [tilespmem:s26+$0xFFFFFFF0]  }
0x564: {  	v7 =	vld [tilespmem:s26+$0xFFFFFF90]  }
0x565: {  	v6 =	vld.idx.msk [tilespmem:v6+s1+$0x0], $0xffff  }
0x566: {  	v8 =	vld.idx.msk [tilespmem:v5+s1+$0x0], $0xffff  }
0x567: {  	v5 =	vld.idx.msk [tilespmem:v3+s1+$0x0], $0xffff  }
.Ltmp30:
0x568: {  	v3 =	vld.idx.msk [tilespmem:v0+s1+$0x0], $0xffff;
	(pc) =	sbr.rel @p0 .LBB2_62-.Ltmp30, $4  }
0x569: {  	v0 =	vld.idx.msk [tilespmem:v1+s1+$0x0], $0xffff  }
0x56a: {  	s24 =	sadd.s32 $0x80, s24;
	v1 =	vld.idx.msk [tilespmem:v2+s1+$0x0], $0xffff  }
0x56b: {  	v2 =	vld.idx.msk [tilespmem:v4+s1+$0x0], $0xffff;
	[tilespmem:s24+$0x30] =	vst v6  }
0x56c: {  	s26 =	sadd.s32 $0x80, s26;
	v4 =	vld.idx.msk [tilespmem:v7+s1+$0x0], $0xffff;
	[tilespmem:s24+$0xFFFFFFD0] =	vst v8  }
0x56d: {  	[tilespmem:s24+$0xFFFFFFE0] =	vst v5  }
0x56e: {  	[tilespmem:s24+$0xFFFFFFF0] =	vst v3  }
0x56f: {  	[tilespmem:s24+$0x0] =	vst v0  }
0x570: {  	[tilespmem:s24+$0x10] =	vst v1  }
0x571: {  	[tilespmem:s24+$0x20] =	vst v2  }
0x572: {  	[tilespmem:s24+$0xFFFFFFC0] =	vst v4  }
0x573: {  	[hbm4b:s5+s15] =	stream.strided.scatter [tilespmem:s19], [sflag:$0x2], $0x1000, s16, s15, $0x38;
	[tilespmem:$0x1E700] =	vst v63  }
0x574: {  	_ =	swait.ge [sflag:s22], $0x1000  }
0x575: {  	[sflag:s22] =	ssyncset.done $0x0  }
0x576: {  	s26 =	simm.s32 $0x1B770;
	[sflag:s22] =	ssyncadd.s32 $0xFFFFF000  }
0x577: {  	v0 =	vld [tilespmem:s26+$0x0]  }
0x578: {  	v1 =	vld [tilespmem:s26+$0xFFFFFFA0]  }
0x579: {  	v2 =	vld [tilespmem:s26+$0xFFFFFFB0]  }
0x57a: {  	v3 =	vld [tilespmem:s26+$0xFFFFFFC0]  }
0x57b: {  	v4 =	vld [tilespmem:s26+$0xFFFFFFD0]  }
0x57c: {  	v6 =	vld [tilespmem:s26+$0xFFFFFFE0]  }
0x57d: {  	v7 =	vld [tilespmem:s26+$0xFFFFFFF0]  }
0x57e: {  	v8 =	vld [tilespmem:s26+$0xFFFFFF90]  }
0x57f: {  	v9 =	vld.idx.msk [tilespmem:v0+s1+$0x0], $0xffff  }
0x580: {  	v10 =	vld.idx.msk [tilespmem:v1+s1+$0x0], $0xffff  }
0x581: {  	v5 =	vld.idx.msk [tilespmem:v2+s1+$0x0], $0xffff  }
0x582: {  	v3 =	vld.idx.msk [tilespmem:v3+s1+$0x0], $0xffff  }
0x583: {  	v0 =	vld.idx.msk [tilespmem:v4+s1+$0x0], $0xffff  }
0x584: {  	s24 =	simm.s32 $0x1D740;
	v1 =	vld.idx.msk [tilespmem:v6+s1+$0x0], $0xffff  }
0x585: {  	v2 =	vld.idx.msk [tilespmem:v7+s1+$0x0], $0xffff;
	[tilespmem:s24+$0x30] =	vst v9  }
0x586: {  	s25 =	simm.s32 $0x0;
	s26 =	simm.s32 $0x1B7F0;
	v4 =	vld.idx.msk [tilespmem:v8+s1+$0x0], $0xffff;
	[tilespmem:s24+$0xFFFFFFD0] =	vst v10  }
.LBB2_64:
0x587: {  	v6 =	vld [tilespmem:s26+$0x0];
	s25 =	sadd.s32 $0x80, s25;
	[tilespmem:s24+$0xFFFFFFE0] =	vst v5  }
0x588: {  	v5 =	vld [tilespmem:s26+$0xFFFFFFA0];
	p0 =	slt.u32 s25, $0xF80;
	[tilespmem:s24+$0xFFFFFFF0] =	vst v3  }
0x589: {  	v3 =	vld [tilespmem:s26+$0xFFFFFFB0];
	[tilespmem:s24+$0x0] =	vst v0  }
0x58a: {  	v0 =	vld [tilespmem:s26+$0xFFFFFFC0];
	[tilespmem:s24+$0x10] =	vst v1  }
0x58b: {  	v1 =	vld [tilespmem:s26+$0xFFFFFFD0];
	[tilespmem:s24+$0x20] =	vst v2  }
0x58c: {  	v2 =	vld [tilespmem:s26+$0xFFFFFFE0];
	[tilespmem:s24+$0xFFFFFFC0] =	vst v4  }
0x58d: {  	v4 =	vld [tilespmem:s26+$0xFFFFFFF0]  }
0x58e: {  	v7 =	vld [tilespmem:s26+$0xFFFFFF90]  }
0x58f: {  	v6 =	vld.idx.msk [tilespmem:v6+s1+$0x0], $0xffff  }
0x590: {  	v8 =	vld.idx.msk [tilespmem:v5+s1+$0x0], $0xffff  }
0x591: {  	v5 =	vld.idx.msk [tilespmem:v3+s1+$0x0], $0xffff  }
.Ltmp31:
0x592: {  	v3 =	vld.idx.msk [tilespmem:v0+s1+$0x0], $0xffff;
	(pc) =	sbr.rel @p0 .LBB2_64-.Ltmp31, $4  }
0x593: {  	v0 =	vld.idx.msk [tilespmem:v1+s1+$0x0], $0xffff  }
0x594: {  	s24 =	sadd.s32 $0x80, s24;
	v1 =	vld.idx.msk [tilespmem:v2+s1+$0x0], $0xffff  }
0x595: {  	v2 =	vld.idx.msk [tilespmem:v4+s1+$0x0], $0xffff;
	[tilespmem:s24+$0x30] =	vst v6  }
0x596: {  	s26 =	sadd.s32 $0x80, s26;
	v4 =	vld.idx.msk [tilespmem:v7+s1+$0x0], $0xffff;
	[tilespmem:s24+$0xFFFFFFD0] =	vst v8  }
0x597: {  	[tilespmem:s24+$0xFFFFFFE0] =	vst v5  }
0x598: {  	[tilespmem:s24+$0xFFFFFFF0] =	vst v3  }
0x599: {  	[tilespmem:s24+$0x0] =	vst v0  }
0x59a: {  	[tilespmem:s24+$0x10] =	vst v1  }
0x59b: {  	[tilespmem:s24+$0x20] =	vst v2  }
0x59c: {  	s23 =	sadd.s32 $0x1, s23;
	[tilespmem:s24+$0xFFFFFFC0] =	vst v4  }
0x59d: {  	[hbm4b:s6+s15] =	stream.strided.scatter [tilespmem:s20], [sflag:$0x3], $0x1000, s16, s15, $0x38;
	[tilespmem:$0x1E700] =	vst v63  }
0x59e: {  	p0 =	sne.s32 s23, s7;
	_ =	swait.ge [sflag:s21], $0x1000  }
.Ltmp32:
0x59f: {  	[sflag:s21] =	ssyncset.done $0x0;
	(pc) =	sbr.rel @p0 .LBB2_1-.Ltmp32, $4  }
0x5a0: {  	[sflag:s21] =	ssyncadd.s32 $0xFFFFF000  }
0x5a1: {  	_ =	swait.ge [sflag:s22], $0x1000  }
0x5a2: {  	[sflag:s22] =	ssyncset.done $0x0  }
0x5a3: {  	[sflag:s22] =	ssyncadd.s32 $0xFFFFF000  }
0x5a4: {  	_ =	sfence.sel $0x180000  }
0x5a5: {  	[bflag:$0x0] =	sbarrier.arrive $0xFFFF  }
0x5a6: {  	_ =	strace $0x90000047  }
0x5a7: {  	s0 =	stileid.u32;
	[bflag:$0x2] =	sbarrier.arrive $0xFFFF  }
0x5a8: {  	p0 =	sne.s32 s0, $0x0;
	s0 =	rddreg [dreg:$0x3]  }
0x5a9: {  	s0 =	sadd.s32 @!p0 $0x100000, s0  }
0x5aa: {  	[sflag:s0] =	ssyncadd.tile.s32 @!p0 $0x1;
	_ =	shalt  }
.Lfunc_end2:
_tile_overlayer_lowered:
.L_overlay_start_2:
0x5ab: {  	(tag) =	ssettag $0x2  }
0x5ac: {  	s0 =	rddreg [dreg:$0x0];
	s2 =	stileid.u32  }
0x5ad: {  	s1 =	rddreg [dreg:$0x1];
	p0 =	sne.s32 s2, $0x0  }
0x5ae: {  	s3 =	rddreg [dreg:$0x2];
	[bflag:$0x3] =	sbarrier.arrive $0xFFFF;
	s2 =	simm.s32 @!p0 $0x1C04  }
0x5af: {  	[timem:s3], [sflag:s2] =	dma.local @!p0 [hbm:s0], s1  }
0x5b0: {  	s0 =	simm.s32 @!p0 $0x4  }
0x5b1: {  	_ =	swait.ge @!p0 [sflag:s0], s1  }
0x5b2: {  	s1 =	ssub.s32 @!p0 $0x0, s1;
	[sflag:s0] =	ssyncset.done @!p0 $0x0  }
0x5b3: {  	[sflag:s0] =	ssyncadd.s32 @!p0 s1  }
0x5b4: {  	[bflag:$0x3] =	sbarrier.arrive $0xFFFF  }
0x5b5: {  	_ =	shalt  }

</sc_bundles>
